<compile_context>
chip_gen: v7x
topology: tpu7x:2x2x1
jax: 0.10.2.dev20260603
libtpu: 0.0.44.dev20260713+nightly
codegen_flags: <defaults>
</compile_context>

<pallas_src>
import functools

import jax
import jax.numpy as jnp
from jax import lax
from jax.experimental import pallas as pl
from jax.experimental.pallas import tpu as pltpu
from jax.experimental.pallas import tpu_sc as plsc

N = 10000
E = 320000
D = 128
DH = D // 2
BN_EPS = 1e-5

NC = 2
NS = 16
E_PER_T = E // NS
CHUNK = 125
NCHUNK = E_PER_T // CHUNK
NBUF = 5
ROWS_PER_TILE = 624
ROWS_LAST = N - (NS - 1) * ROWS_PER_TILE
ZR = 16


def _gelu(v):
    return v * 0.5 * (1.0 + lax.erf(v * 0.7071067811865476))



def _enc_body(x_ref, w_ref, o0_ref, o1_ref):
    h = jnp.dot(x_ref[...], w_ref[...], preferred_element_type=jnp.float32)
    o0_ref[...] = h[:, :DH]
    o1_ref[...] = h[:, DH:]


def _enc_matmul(x, w):
    return pl.pallas_call(
        _enc_body,
        out_shape=[jax.ShapeDtypeStruct((N, DH), jnp.float32),
                   jax.ShapeDtypeStruct((N, DH), jnp.float32)],
    )(x, w)


def _mlp_body(apply_act, h0_ref, h1_ref, a0_ref, a1_ref,
              w1_ref, w2_ref, g_ref, b_ref, *o_refs):
    m = jnp.concatenate(
        [h0_ref[...] + a0_ref[...], h1_ref[...] + a1_ref[...]], axis=1)
    hid = _gelu(jnp.dot(m, w1_ref[...], preferred_element_type=jnp.float32))
    o = jnp.dot(hid, w2_ref[...], preferred_element_type=jnp.float32)
    ones = jnp.ones((8, N), jnp.float32)
    s1 = jnp.dot(ones, o, preferred_element_type=jnp.float32,
                 precision=lax.Precision.HIGHEST)[0:1]
    s2 = jnp.dot(ones, o * o, preferred_element_type=jnp.float32,
                 precision=lax.Precision.HIGHEST)[0:1]
    mean = s1 * (1.0 / N)
    var = s2 * (1.0 / N) - mean * mean
    inv = lax.rsqrt(var + BN_EPS)
    out = (o - mean) * inv * g_ref[...][None, :] + b_ref[...][None, :]
    if apply_act:
        out = _gelu(out)
        o_refs[0][...] = out[:, :DH]
        o_refs[1][...] = out[:, DH:]
    else:
        o_refs[0][...] = out


def _mlp(h0, h1, a0, a1, w1, w2, gamma, beta, apply_act):
    if apply_act:
        shapes = [jax.ShapeDtypeStruct((N, DH), jnp.float32),
                  jax.ShapeDtypeStruct((N, DH), jnp.float32)]
    else:
        shapes = [jax.ShapeDtypeStruct((N, D), jnp.float32)]
    return pl.pallas_call(
        functools.partial(_mlp_body, apply_act),
        out_shape=shapes,
    )(h0, h1, a0, a1, w1, w2, gamma, beta)



def _seg_body(h0_hbm, h1_hbm, edge_hbm, out0_hbm, out1_hbm, *scr):
    sidx_v, didx_v = scr[0], scr[1]
    bufs = scr[2:2 + NBUF]
    acc_sh = scr[2 + NBUF]
    gsems = scr[3 + NBUF:3 + 2 * NBUF]
    ssems = scr[3 + 2 * NBUF:3 + 3 * NBUF]
    buf0 = bufs[0]
    c = lax.axis_index("c")
    s = lax.axis_index("s")

    pltpu.async_copy(edge_hbm.at[0, s], sidx_v, gsems[1])
    pltpu.async_copy(edge_hbm.at[1, s], didx_v, gsems[2])

    def zrow(i, _):
        def zcol(j, _):
            buf0[i, pl.ds(j * 16, 16)] = jnp.zeros((16,), jnp.float32)
            return 0
        return lax.fori_loop(0, DH // 16, zcol, 0)
    lax.fori_loop(0, ZR, zrow, 0)
    base = s * ROWS_PER_TILE
    nzk = jnp.where(s == NS - 1, ROWS_LAST // ZR, ROWS_PER_TILE // ZR)
    def zcopy(k, _):
        pltpu.async_copy(buf0.at[pl.ds(0, ZR)],
                         acc_sh.at[pl.ds(base + k * ZR, ZR)], gsems[0])
        return 0
    lax.fori_loop(0, nzk, zcopy, 0)
    def zdrain(k, _):
        pltpu.make_async_copy(buf0.at[pl.ds(0, ZR)],
                              acc_sh.at[pl.ds(base, ZR)], gsems[0]).wait()
        return 0
    lax.fori_loop(0, nzk, zdrain, 0)
    pltpu.make_async_copy(edge_hbm.at[0, s], sidx_v, gsems[1]).wait()
    pltpu.make_async_copy(edge_hbm.at[1, s], didx_v, gsems[2]).wait()
    plsc.subcore_barrier()

    def run(h_hbm):
        for b in range(NBUF):
            pltpu.async_copy(h_hbm.at[sidx_v.at[b]], bufs[b], gsems[b])

        def step(j, _):
            e0 = j * NBUF
            for b in range(NBUF):
                pltpu.make_async_copy(
                    h_hbm.at[sidx_v.at[e0 + b]], bufs[b], gsems[b]).wait()
                pltpu.async_copy(bufs[b], acc_sh.at[didx_v.at[e0 + b]],
                                 ssems[b], add=True)
            for b in range(NBUF):
                e2 = e0 + NBUF + b

                @pl.when(e2 < NCHUNK)
                def _():
                    pltpu.make_async_copy(
                        bufs[b], acc_sh.at[didx_v.at[e0 + b]],
                        ssems[b]).wait()
                    pltpu.async_copy(h_hbm.at[sidx_v.at[e2]], bufs[b],
                                     gsems[b])
            return 0
        lax.fori_loop(0, NCHUNK // NBUF, step, 0)
        for b in range(NBUF):
            pltpu.make_async_copy(
                bufs[b], acc_sh.at[didx_v.at[NCHUNK - NBUF + b]],
                ssems[b]).wait()

    @pl.when(c == 0)
    def _():
        run(h0_hbm)

    @pl.when(c == 1)
    def _():
        run(h1_hbm)

    plsc.subcore_barrier()

    def writeback(out_hbm):
        @pl.when(s < NS - 1)
        def _():
            pltpu.sync_copy(acc_sh.at[pl.ds(base, ROWS_PER_TILE)],
                            out_hbm.at[pl.ds(base, ROWS_PER_TILE)])

        @pl.when(s == NS - 1)
        def _():
            last = (NS - 1) * ROWS_PER_TILE
            pltpu.sync_copy(acc_sh.at[pl.ds(last, ROWS_LAST)],
                            out_hbm.at[pl.ds(last, ROWS_LAST)])

    @pl.when(c == 0)
    def _():
        writeback(out0_hbm)

    @pl.when(c == 1)
    def _():
        writeback(out1_hbm)


def _seg_sum(h0, h1, edge4):
    mesh = plsc.VectorSubcoreMesh(core_axis_name="c", subcore_axis_name="s")
    kern = pl.kernel(
        _seg_body,
        out_type=[jax.ShapeDtypeStruct((N, DH), jnp.float32),
                  jax.ShapeDtypeStruct((N, DH), jnp.float32)],
        mesh=mesh,
        compiler_params=pltpu.CompilerParams(use_tc_tiling_on_sc=False),
        scratch_types=(
            [pltpu.VMEM((NCHUNK, CHUNK), jnp.int32),
             pltpu.VMEM((NCHUNK, CHUNK), jnp.int32)]
            + [pltpu.VMEM((CHUNK, DH), jnp.float32)] * NBUF
            + [pltpu.VMEM_SHARED((N, DH), jnp.float32)]
            + [pltpu.SemaphoreType.DMA] * (2 * NBUF)
        ),
    )
    return kern(h0, h1, edge4)


def kernel(x, edge_index, W_enc, W1_0, W2_0, gamma_0, beta_0,
           W1_1, W2_1, gamma_1, beta_1):
    edge4 = edge_index.reshape(2, NS, NCHUNK, CHUNK)
    h0, h1 = _enc_matmul(x, W_enc)
    a0, a1 = _seg_sum(h0, h1, edge4)
    h0, h1 = _mlp(h0, h1, a0, a1, W1_0, W2_0, gamma_0, beta_0, True)
    a0, a1 = _seg_sum(h0, h1, edge4)
    (out,) = _mlp(h0, h1, a0, a1, W1_1, W2_1, gamma_1, beta_1, False)
    return out

# --- scband reference (transcript-rebuilt; emitter-appended) ---
"""Pipeline reference for scband-gnn-node-76802605187181 (READ-ONLY COPY).

The authoritative reference and input builder live on the scoring server;
editing this copy changes nothing except your own understanding.
"""

import jax, jax.numpy as jnp
import numpy as np

N = 10000
E = 320000
D_IN = 128
EMB = 128
BN_EPS = 1e-5


def setup_inputs(seed: int = 0) -> dict:
    key = jax.random.key(seed)
    ks = jax.random.split(key, 16)
    x = jax.random.normal(ks[0], (N, D_IN), dtype=jnp.float32)
    edge_index = jax.random.randint(ks[1], (2, E), 0, N, dtype=jnp.int32)

    def kaiming(k, fan_in, shape):
        return jax.random.normal(k, shape, dtype=jnp.float32) * np.sqrt(2.0 / fan_in)

    W_enc = kaiming(ks[2], D_IN, (D_IN, EMB))
    W1_0 = kaiming(ks[3], EMB, (EMB, 2 * EMB))
    W2_0 = kaiming(ks[4], 2 * EMB, (2 * EMB, EMB))
    gamma_0 = jnp.ones((EMB,), dtype=jnp.float32)
    beta_0 = jnp.zeros((EMB,), dtype=jnp.float32)
    W1_1 = kaiming(ks[5], EMB, (EMB, 2 * EMB))
    W2_1 = kaiming(ks[6], 2 * EMB, (2 * EMB, EMB))
    gamma_1 = jnp.ones((EMB,), dtype=jnp.float32)
    beta_1 = jnp.zeros((EMB,), dtype=jnp.float32)
    return {"x": x, "edge_index": edge_index, "W_enc": W_enc,
            "W1_0": W1_0, "W2_0": W2_0, "gamma_0": gamma_0, "beta_0": beta_0,
            "W1_1": W1_1, "W2_1": W2_1, "gamma_1": gamma_1, "beta_1": beta_1}


def _gin_layer(h, src, dst, W1, W2, gamma, beta, apply_act):
    # GINConv (aggr='add', eps=0): nn((1+eps)*h + sum_{j in N(i)} h_j)
    msgs = jnp.take(h, src, axis=0)
    agg = jax.ops.segment_sum(msgs, dst, num_segments=N)
    m = h + agg
    # MLP: Linear(emb, 2*emb, bias=False) -> GELU -> Linear(2*emb, emb, bias=False)
    hid = jax.nn.gelu(m @ W1, approximate=False)
    out = hid @ W2
    # BatchNorm1d in training mode (batch statistics), weight=gamma, bias=beta
    mean = jnp.mean(out, axis=0)
    var = jnp.var(out, axis=0)
    out = (out - mean) / jnp.sqrt(var + BN_EPS) * gamma + beta
    if apply_act:
        out = jax.nn.gelu(out, approximate=False)
    return out


def reference(x, edge_index, W_enc, W1_0, W2_0, gamma_0, beta_0, W1_1, W2_1, gamma_1, beta_1):
    src = edge_index[0]
    dst = edge_index[1]
    # node_encoder: Linear(input_dim, emb_dim, bias=False)
    h = x @ W_enc
    # layer 0 (not last): conv -> bn -> gelu (dropout p=0.0 -> identity)
    h = _gin_layer(h, src, dst, W1_0, W2_0, gamma_0, beta_0, True)
    # layer 1 (last): conv -> bn (dropout p=0.0 -> identity), JK='last'
    h = _gin_layer(h, src, dst, W1_1, W2_1, gamma_1, beta_1, False)
    return h

if __name__ == "__main__":
    import jax
    _d = setup_inputs()
    print(jax.jit(kernel)(*tuple(_d.values())))

</pallas_src>

<mosaic_0001>
#map = affine_map<(d0, d1) -> (0, 0)>
#map1 = affine_map<(d0, d1) -> (0, 0, 0, 0)>
module attributes {stable_mosaic.version = 14 : i64} {
  func.func @_seg_body(%arg0: i32, %arg1: i32, %arg2: memref<10000x64xf32, #tpu.memory_space<hbm>>, %arg3: memref<10000x64xf32, #tpu.memory_space<hbm>>, %arg4: memref<2x16x160x125xi32, #tpu.memory_space<hbm>>, %arg5: memref<10000x64xf32, #tpu.memory_space<hbm>>, %arg6: memref<10000x64xf32, #tpu.memory_space<hbm>>, %arg7: memref<160x125xi32, #tpu.memory_space<vmem>>, %arg8: memref<160x125xi32, #tpu.memory_space<vmem>>, %arg9: memref<125x64xf32, #tpu.memory_space<vmem>>, %arg10: memref<125x64xf32, #tpu.memory_space<vmem>>, %arg11: memref<125x64xf32, #tpu.memory_space<vmem>>, %arg12: memref<125x64xf32, #tpu.memory_space<vmem>>, %arg13: memref<125x64xf32, #tpu.memory_space<vmem>>, %arg14: memref<10000x64xf32, #tpu.memory_space<vmem_shared>>, %arg15: memref<!tpu.dma_semaphore, #tpu.memory_space<semaphore_mem>>, %arg16: memref<!tpu.dma_semaphore, #tpu.memory_space<semaphore_mem>>, %arg17: memref<!tpu.dma_semaphore, #tpu.memory_space<semaphore_mem>>, %arg18: memref<!tpu.dma_semaphore, #tpu.memory_space<semaphore_mem>>, %arg19: memref<!tpu.dma_semaphore, #tpu.memory_space<semaphore_mem>>, %arg20: memref<!tpu.dma_semaphore, #tpu.memory_space<semaphore_mem>>, %arg21: memref<!tpu.dma_semaphore, #tpu.memory_space<semaphore_mem>>, %arg22: memref<!tpu.dma_semaphore, #tpu.memory_space<semaphore_mem>>, %arg23: memref<!tpu.dma_semaphore, #tpu.memory_space<semaphore_mem>>, %arg24: memref<!tpu.dma_semaphore, #tpu.memory_space<semaphore_mem>>) attributes {dimension_semantics = [#tpu.dimension_semantics<core_parallel>, #tpu.dimension_semantics<subcore_parallel>], iteration_bounds = array<i64: 2, 16>, scalar_prefetch = 0 : i64, scratch_operands = 18 : i64, tpu.core_type = #tpu.core_type<sc_vector_subcore>, window_params = [{transform_indices = #map}, {transform_indices = #map}, {transform_indices = #map1}, {transform_indices = #map}, {transform_indices = #map}]} {
    %dma_start3A = arith.constant 0 : i32
    %dma_start3A_0 = arith.constant 0 : i32
    %dma_start3A_1 = arith.constant 0 : i32
    %dma_start3A_2 = tpu.memref_slice %arg4[%dma_start3A, %arg1, %dma_start3A_0, %dma_start3A_1] : memref<2x16x160x125xi32, #tpu.memory_space<hbm>> -> memref<1x1x160x125xi32, #tpu.memory_space<hbm>>
    %dma_start3A_3 = tpu.memref_squeeze %dma_start3A_2 : memref<1x1x160x125xi32, #tpu.memory_space<hbm>> -> memref<160x125xi32, #tpu.memory_space<hbm>>
    %dma_start3A_4 = arith.constant 0 : i32
    %dma_start3A_5 = arith.constant 0 : i32
    %dma_start3A_6 = tpu.memref_slice %arg4[%dma_start3A, %arg1, %dma_start3A_4, %dma_start3A_5] : memref<2x16x160x125xi32, #tpu.memory_space<hbm>> -> memref<1x1x160x125xi32, #tpu.memory_space<hbm>>
    %dma_start3A_7 = tpu.memref_squeeze %dma_start3A_6 : memref<1x1x160x125xi32, #tpu.memory_space<hbm>> -> memref<160x125xi32, #tpu.memory_space<hbm>>
    tpu.enqueue_dma source(%dma_start3A_7 : memref<160x125xi32, #tpu.memory_space<hbm>>) target(%arg7 : memref<160x125xi32, #tpu.memory_space<vmem>>) target_semaphore(%arg16 : memref<!tpu.dma_semaphore, #tpu.memory_space<semaphore_mem>>)
    %dma_start3A_8 = arith.constant 1 : i32
    %dma_start3A_9 = arith.constant 0 : i32
    %dma_start3A_10 = arith.constant 0 : i32
    %dma_start3A_11 = tpu.memref_slice %arg4[%dma_start3A_8, %arg1, %dma_start3A_9, %dma_start3A_10] : memref<2x16x160x125xi32, #tpu.memory_space<hbm>> -> memref<1x1x160x125xi32, #tpu.memory_space<hbm>>
    %dma_start3A_12 = tpu.memref_squeeze %dma_start3A_11 : memref<1x1x160x125xi32, #tpu.memory_space<hbm>> -> memref<160x125xi32, #tpu.memory_space<hbm>>
    %dma_start3A_13 = arith.constant 0 : i32
    %dma_start3A_14 = arith.constant 0 : i32
    %dma_start3A_15 = tpu.memref_slice %arg4[%dma_start3A_8, %arg1, %dma_start3A_13, %dma_start3A_14] : memref<2x16x160x125xi32, #tpu.memory_space<hbm>> -> memref<1x1x160x125xi32, #tpu.memory_space<hbm>>
    %dma_start3A_16 = tpu.memref_squeeze %dma_start3A_15 : memref<1x1x160x125xi32, #tpu.memory_space<hbm>> -> memref<160x125xi32, #tpu.memory_space<hbm>>
    tpu.enqueue_dma source(%dma_start3A_16 : memref<160x125xi32, #tpu.memory_space<hbm>>) target(%arg8 : memref<160x125xi32, #tpu.memory_space<vmem>>) target_semaphore(%arg17 : memref<!tpu.dma_semaphore, #tpu.memory_space<semaphore_mem>>)
    %scan3A = arith.constant 0 : i32
    %scan3A_17 = arith.constant 0 : i32
    %scan3A_18 = arith.constant 16 : i32
    %scan3A_19 = arith.addi %scan3A_17, %scan3A_18 : i32
    %scan3A_20 = arith.constant 1 : i32
    %scan3A_21 = scf.for %scan3A_85 = %scan3A_17 to %scan3A_19 step %scan3A_20 iter_args(%scan3A_86 = %scan3A) -> (i32)  : i32 {
      %scan3A_87 = arith.constant 0 : i32
      %scan3A_88 = arith.constant 0 : i32
      %scan3A_89 = arith.constant 4 : i32
      %scan3A_90 = arith.addi %scan3A_88, %scan3A_89 : i32
      %scan3A_91 = arith.constant 1 : i32
      %scan3A_92 = scf.for %scan3A_94 = %scan3A_88 to %scan3A_90 step %scan3A_91 iter_args(%scan3A_95 = %scan3A_87) -> (i32)  : i32 {
        %broadcast_in_dim3A = arith.constant 0.000000e+00 : f32
        %broadcast_in_dim3A_96 = vector.broadcast %broadcast_in_dim3A : f32 to vector<16xf32>
        %mul3A_97 = arith.constant 16 : i32
        %mul3A_98 = arith.muli %scan3A_94, %mul3A_97 : i32
        %swap3A = arith.index_cast %scan3A_85 : i32 to index
        %swap3A_99 = arith.index_cast %mul3A_98 : i32 to index
        %swap3A_100 = tpu.vector_load %arg9[%swap3A, %swap3A_99] {strides = array<i32>} : memref<125x64xf32, #tpu.memory_space<vmem>>, vector<1x16xf32>,
        %swap3A_101 = vector.shape_cast %swap3A_100 : vector<1x16xf32> to vector<16xf32>
        %swap3A_102 = vector.shape_cast %broadcast_in_dim3A_96 : vector<16xf32> to vector<1x16xf32>
        tpu.vector_store %arg9[%swap3A, %swap3A_99], %swap3A_102 {strides = array<i32>} : memref<125x64xf32, #tpu.memory_space<vmem>>, vector<1x16xf32>,
        %scan3A_103 = arith.constant 0 : i32
        scf.yield %scan3A_103 : i32
      }
      %scan3A_93 = arith.constant 4 : i32
      scf.yield %scan3A_92 : i32
    }
    %scan3A_22 = arith.constant 16 : i32
    %mul3A = arith.constant 624 : i32
    %mul3A_23 = arith.muli %arg1, %mul3A : i32
    %eq3A = arith.constant 15 : i32
    %eq3A_24 = arith.cmpi eq, %arg1, %eq3A : i32
    %jit3A = arith.constant 40 : i32
    %jit3A_25 = arith.constant 39 : i32
    %select_n3A = arith.select %eq3A_24, %jit3A, %jit3A_25 : i32
    %while3A = arith.constant 0 : i32
    %while3A_26 = arith.constant 0 : i32
    %while3A_27 = arith.subi %select_n3A, %while3A : i32
    %while3A_28 = arith.addi %while3A, %while3A_27 : i32
    %while3A_29 = arith.constant 1 : i32
    %while3A_30 = arith.divsi %while3A_27, %while3A_29 : i32
    %while3A_31 = arith.muli %while3A_30, %while3A_29 : i32
    %while3A_32 = arith.addi %while3A, %while3A_31 : i32
    %while3A_33 = arith.constant 1 : i32
    %while3A_34 = scf.for %while3A_85 = %while3A to %while3A_32 step %while3A_33 iter_args(%while3A_86 = %while3A_26) -> (i32)  : i32 {
      %mul3A_87 = arith.constant 16 : i32
      %mul3A_88 = arith.muli %while3A_85, %mul3A_87 : i32
      %add3A = arith.addi %mul3A_23, %mul3A_88 : i32
      %dma_start3A_89 = arith.constant 0 : i32
      %dma_start3A_90 = arith.constant 0 : i32
      %dma_start3A_91 = tpu.memref_slice %arg9[%dma_start3A_89, %dma_start3A_90] : memref<125x64xf32, #tpu.memory_space<vmem>> -> memref<16x64xf32, #tpu.memory_space<vmem>>
      %dma_start3A_92 = arith.constant 0 : i32
      %dma_start3A_93 = tpu.memref_slice %arg14[%add3A, %dma_start3A_92] : memref<10000x64xf32, #tpu.memory_space<vmem_shared>> -> memref<16x64xf32, #tpu.memory_space<vmem_shared>>
      %dma_start3A_94 = arith.constant 0 : i32
      %dma_start3A_95 = tpu.memref_slice %arg14[%add3A, %dma_start3A_94] : memref<10000x64xf32, #tpu.memory_space<vmem_shared>> -> memref<16x64xf32, #tpu.memory_space<vmem_shared>>
      %dma_start3A_96 = arith.constant 0 : i32
      %dma_start3A_97 = arith.constant 0 : i32
      %dma_start3A_98 = tpu.memref_slice %arg9[%dma_start3A_96, %dma_start3A_97] : memref<125x64xf32, #tpu.memory_space<vmem>> -> memref<16x64xf32, #tpu.memory_space<vmem>>
      tpu.enqueue_dma source(%dma_start3A_98 : memref<16x64xf32, #tpu.memory_space<vmem>>) target(%dma_start3A_95 : memref<16x64xf32, #tpu.memory_space<vmem_shared>>) target_semaphore(%arg15 : memref<!tpu.dma_semaphore, #tpu.memory_space<semaphore_mem>>)
      %while3A_99 = arith.constant 0 : i32
      scf.yield %while3A_99 : i32
    }
    %while3A_35 = arith.constant 1 : i32
    %while3A_36 = scf.for %while3A_85 = %while3A_32 to %while3A_28 step %while3A_35 iter_args(%while3A_86 = %while3A_34) -> (i32)  : i32 {
      %mul3A_87 = arith.constant 16 : i32
      %mul3A_88 = arith.muli %while3A_85, %mul3A_87 : i32
      %add3A = arith.addi %mul3A_23, %mul3A_88 : i32
      %dma_start3A_89 = arith.constant 0 : i32
      %dma_start3A_90 = arith.constant 0 : i32
      %dma_start3A_91 = tpu.memref_slice %arg9[%dma_start3A_89, %dma_start3A_90] : memref<125x64xf32, #tpu.memory_space<vmem>> -> memref<16x64xf32, #tpu.memory_space<vmem>>
      %dma_start3A_92 = arith.constant 0 : i32
      %dma_start3A_93 = tpu.memref_slice %arg14[%add3A, %dma_start3A_92] : memref<10000x64xf32, #tpu.memory_space<vmem_shared>> -> memref<16x64xf32, #tpu.memory_space<vmem_shared>>
      %dma_start3A_94 = arith.constant 0 : i32
      %dma_start3A_95 = tpu.memref_slice %arg14[%add3A, %dma_start3A_94] : memref<10000x64xf32, #tpu.memory_space<vmem_shared>> -> memref<16x64xf32, #tpu.memory_space<vmem_shared>>
      %dma_start3A_96 = arith.constant 0 : i32
      %dma_start3A_97 = arith.constant 0 : i32
      %dma_start3A_98 = tpu.memref_slice %arg9[%dma_start3A_96, %dma_start3A_97] : memref<125x64xf32, #tpu.memory_space<vmem>> -> memref<16x64xf32, #tpu.memory_space<vmem>>
      tpu.enqueue_dma source(%dma_start3A_98 : memref<16x64xf32, #tpu.memory_space<vmem>>) target(%dma_start3A_95 : memref<16x64xf32, #tpu.memory_space<vmem_shared>>) target_semaphore(%arg15 : memref<!tpu.dma_semaphore, #tpu.memory_space<semaphore_mem>>)
      %while3A_99 = arith.constant 0 : i32
      scf.yield %while3A_99 : i32
    }
    %while3A_37 = arith.constant 0 : i32
    %while3A_38 = arith.constant 0 : i32
    %while3A_39 = arith.subi %select_n3A, %while3A_37 : i32
    %while3A_40 = arith.addi %while3A_37, %while3A_39 : i32
    %while3A_41 = arith.constant 1 : i32
    %while3A_42 = arith.divsi %while3A_39, %while3A_41 : i32
    %while3A_43 = arith.muli %while3A_42, %while3A_41 : i32
    %while3A_44 = arith.addi %while3A_37, %while3A_43 : i32
    %while3A_45 = arith.constant 1 : i32
    %while3A_46 = scf.for %while3A_85 = %while3A_37 to %while3A_44 step %while3A_45 iter_args(%while3A_86 = %while3A_38) -> (i32)  : i32 {
      %dma_wait3A_87 = arith.constant 0 : i32
      %dma_wait3A_88 = arith.constant 0 : i32
      %dma_wait3A_89 = tpu.memref_slice %arg9[%dma_wait3A_87, %dma_wait3A_88] : memref<125x64xf32, #tpu.memory_space<vmem>> -> memref<16x64xf32, #tpu.memory_space<vmem>>
      %dma_wait3A_90 = arith.constant 0 : i32
      %dma_wait3A_91 = tpu.memref_slice %arg14[%mul3A_23, %dma_wait3A_90] : memref<10000x64xf32, #tpu.memory_space<vmem_shared>> -> memref<16x64xf32, #tpu.memory_space<vmem_shared>>
      %dma_wait3A_92 = arith.constant 0 : i32
      %dma_wait3A_93 = tpu.memref_slice %arg14[%mul3A_23, %dma_wait3A_92] : memref<10000x64xf32, #tpu.memory_space<vmem_shared>> -> memref<16x64xf32, #tpu.memory_space<vmem_shared>>
      %dma_wait3A_94 = arith.constant 0 : i32
      %dma_wait3A_95 = arith.constant 0 : i32
      %dma_wait3A_96 = tpu.memref_slice %arg9[%dma_wait3A_94, %dma_wait3A_95] : memref<125x64xf32, #tpu.memory_space<vmem>> -> memref<16x64xf32, #tpu.memory_space<vmem>>
      tpu.wait_dma2 semaphore(%arg15 : memref<!tpu.dma_semaphore, #tpu.memory_space<semaphore_mem>>) src(%dma_wait3A_96 : memref<16x64xf32, #tpu.memory_space<vmem>>) dst(%dma_wait3A_93 : memref<16x64xf32, #tpu.memory_space<vmem_shared>>)
      %while3A_97 = arith.constant 0 : i32
      scf.yield %while3A_97 : i32
    }
    %while3A_47 = arith.constant 1 : i32
    %while3A_48 = scf.for %while3A_85 = %while3A_44 to %while3A_40 step %while3A_47 iter_args(%while3A_86 = %while3A_46) -> (i32)  : i32 {
      %dma_wait3A_87 = arith.constant 0 : i32
      %dma_wait3A_88 = arith.constant 0 : i32
      %dma_wait3A_89 = tpu.memref_slice %arg9[%dma_wait3A_87, %dma_wait3A_88] : memref<125x64xf32, #tpu.memory_space<vmem>> -> memref<16x64xf32, #tpu.memory_space<vmem>>
      %dma_wait3A_90 = arith.constant 0 : i32
      %dma_wait3A_91 = tpu.memref_slice %arg14[%mul3A_23, %dma_wait3A_90] : memref<10000x64xf32, #tpu.memory_space<vmem_shared>> -> memref<16x64xf32, #tpu.memory_space<vmem_shared>>
      %dma_wait3A_92 = arith.constant 0 : i32
      %dma_wait3A_93 = tpu.memref_slice %arg14[%mul3A_23, %dma_wait3A_92] : memref<10000x64xf32, #tpu.memory_space<vmem_shared>> -> memref<16x64xf32, #tpu.memory_space<vmem_shared>>
      %dma_wait3A_94 = arith.constant 0 : i32
      %dma_wait3A_95 = arith.constant 0 : i32
      %dma_wait3A_96 = tpu.memref_slice %arg9[%dma_wait3A_94, %dma_wait3A_95] : memref<125x64xf32, #tpu.memory_space<vmem>> -> memref<16x64xf32, #tpu.memory_space<vmem>>
      tpu.wait_dma2 semaphore(%arg15 : memref<!tpu.dma_semaphore, #tpu.memory_space<semaphore_mem>>) src(%dma_wait3A_96 : memref<16x64xf32, #tpu.memory_space<vmem>>) dst(%dma_wait3A_93 : memref<16x64xf32, #tpu.memory_space<vmem_shared>>)
      %while3A_97 = arith.constant 0 : i32
      scf.yield %while3A_97 : i32
    }
    %dma_wait3A = arith.constant 0 : i32
    %dma_wait3A_49 = arith.constant 0 : i32
    %dma_wait3A_50 = arith.constant 0 : i32
    %dma_wait3A_51 = tpu.memref_slice %arg4[%dma_wait3A, %arg1, %dma_wait3A_49, %dma_wait3A_50] : memref<2x16x160x125xi32, #tpu.memory_space<hbm>> -> memref<1x1x160x125xi32, #tpu.memory_space<hbm>>
    %dma_wait3A_52 = tpu.memref_squeeze %dma_wait3A_51 : memref<1x1x160x125xi32, #tpu.memory_space<hbm>> -> memref<160x125xi32, #tpu.memory_space<hbm>>
    %dma_wait3A_53 = arith.constant 0 : i32
    %dma_wait3A_54 = arith.constant 0 : i32
    %dma_wait3A_55 = tpu.memref_slice %arg4[%dma_wait3A, %arg1, %dma_wait3A_53, %dma_wait3A_54] : memref<2x16x160x125xi32, #tpu.memory_space<hbm>> -> memref<1x1x160x125xi32, #tpu.memory_space<hbm>>
    %dma_wait3A_56 = tpu.memref_squeeze %dma_wait3A_55 : memref<1x1x160x125xi32, #tpu.memory_space<hbm>> -> memref<160x125xi32, #tpu.memory_space<hbm>>
    tpu.wait_dma2 semaphore(%arg16 : memref<!tpu.dma_semaphore, #tpu.memory_space<semaphore_mem>>) src(%dma_wait3A_56 : memref<160x125xi32, #tpu.memory_space<hbm>>) dst(%arg7 : memref<160x125xi32, #tpu.memory_space<vmem>>)
    %dma_wait3A_57 = arith.constant 1 : i32
    %dma_wait3A_58 = arith.constant 0 : i32
    %dma_wait3A_59 = arith.constant 0 : i32
    %dma_wait3A_60 = tpu.memref_slice %arg4[%dma_wait3A_57, %arg1, %dma_wait3A_58, %dma_wait3A_59] : memref<2x16x160x125xi32, #tpu.memory_space<hbm>> -> memref<1x1x160x125xi32, #tpu.memory_space<hbm>>
    %dma_wait3A_61 = tpu.memref_squeeze %dma_wait3A_60 : memref<1x1x160x125xi32, #tpu.memory_space<hbm>> -> memref<160x125xi32, #tpu.memory_space<hbm>>
    %dma_wait3A_62 = arith.constant 0 : i32
    %dma_wait3A_63 = arith.constant 0 : i32
    %dma_wait3A_64 = tpu.memref_slice %arg4[%dma_wait3A_57, %arg1, %dma_wait3A_62, %dma_wait3A_63] : memref<2x16x160x125xi32, #tpu.memory_space<hbm>> -> memref<1x1x160x125xi32, #tpu.memory_space<hbm>>
    %dma_wait3A_65 = tpu.memref_squeeze %dma_wait3A_64 : memref<1x1x160x125xi32, #tpu.memory_space<hbm>> -> memref<160x125xi32, #tpu.memory_space<hbm>>
    tpu.wait_dma2 semaphore(%arg17 : memref<!tpu.dma_semaphore, #tpu.memory_space<semaphore_mem>>) src(%dma_wait3A_65 : memref<160x125xi32, #tpu.memory_space<hbm>>) dst(%arg8 : memref<160x125xi32, #tpu.memory_space<vmem>>)
    %barrier3A = arith.constant 0 : index
    tpu.barrier barrier_id(%barrier3A)
    %eq3A_66 = arith.constant 0 : i32
    %eq3A_67 = arith.cmpi eq, %arg0, %eq3A_66 : i32
    %convert_element_type3A = arith.extui %eq3A_67 : i1 to i32
    %cond3A = arith.constant 0 : i32
    %cond3A_68 = arith.cmpi ne, %convert_element_type3A, %cond3A : i32
    scf.if %cond3A_68 {
      %dma_start3A_85 = arith.constant 0 : i32
      %dma_start3A_86 = arith.constant 0 : i32
      %dma_start3A_87 = tpu.memref_slice %arg7[%dma_start3A_85, %dma_start3A_86] : memref<160x125xi32, #tpu.memory_space<vmem>> -> memref<1x125xi32, #tpu.memory_space<vmem>>
      %dma_start3A_88 = tpu.memref_squeeze %dma_start3A_87 : memref<1x125xi32, #tpu.memory_space<vmem>> -> memref<125xi32, #tpu.memory_space<vmem>>
      %dma_start3A_89 = arith.constant 0 : i32
      %dma_start3A_90 = arith.constant 0 : i32
      %dma_start3A_91 = tpu.memref_slice %arg2[%dma_start3A_89, %dma_start3A_90] : memref<10000x64xf32, #tpu.memory_space<hbm>> -> memref<10000x64xf32, #tpu.memory_space<hbm>>
      tpu.enqueue_indirect_dma source(%dma_start3A_91 : memref<10000x64xf32, #tpu.memory_space<hbm>>) target(%arg9 : memref<125x64xf32, #tpu.memory_space<vmem>>) offsets(%dma_start3A_88 : memref<125xi32, #tpu.memory_space<vmem>>) semaphore(%arg15 : memref<!tpu.dma_semaphore, #tpu.memory_space<semaphore_mem>>)
      %dma_start3A_92 = arith.constant 1 : i32
      %dma_start3A_93 = arith.constant 0 : i32
      %dma_start3A_94 = tpu.memref_slice %arg7[%dma_start3A_92, %dma_start3A_93] : memref<160x125xi32, #tpu.memory_space<vmem>> -> memref<1x125xi32, #tpu.memory_space<vmem>>
      %dma_start3A_95 = tpu.memref_squeeze %dma_start3A_94 : memref<1x125xi32, #tpu.memory_space<vmem>> -> memref<125xi32, #tpu.memory_space<vmem>>
      %dma_start3A_96 = arith.constant 0 : i32
      %dma_start3A_97 = arith.constant 0 : i32
      %dma_start3A_98 = tpu.memref_slice %arg2[%dma_start3A_96, %dma_start3A_97] : memref<10000x64xf32, #tpu.memory_space<hbm>> -> memref<10000x64xf32, #tpu.memory_space<hbm>>
      tpu.enqueue_indirect_dma source(%dma_start3A_98 : memref<10000x64xf32, #tpu.memory_space<hbm>>) target(%arg10 : memref<125x64xf32, #tpu.memory_space<vmem>>) offsets(%dma_start3A_95 : memref<125xi32, #tpu.memory_space<vmem>>) semaphore(%arg16 : memref<!tpu.dma_semaphore, #tpu.memory_space<semaphore_mem>>)
      %dma_start3A_99 = arith.constant 2 : i32
      %dma_start3A_100 = arith.constant 0 : i32
      %dma_start3A_101 = tpu.memref_slice %arg7[%dma_start3A_99, %dma_start3A_100] : memref<160x125xi32, #tpu.memory_space<vmem>> -> memref<1x125xi32, #tpu.memory_space<vmem>>
      %dma_start3A_102 = tpu.memref_squeeze %dma_start3A_101 : memref<1x125xi32, #tpu.memory_space<vmem>> -> memref<125xi32, #tpu.memory_space<vmem>>
      %dma_start3A_103 = arith.constant 0 : i32
      %dma_start3A_104 = arith.constant 0 : i32
      %dma_start3A_105 = tpu.memref_slice %arg2[%dma_start3A_103, %dma_start3A_104] : memref<10000x64xf32, #tpu.memory_space<hbm>> -> memref<10000x64xf32, #tpu.memory_space<hbm>>
      tpu.enqueue_indirect_dma source(%dma_start3A_105 : memref<10000x64xf32, #tpu.memory_space<hbm>>) target(%arg11 : memref<125x64xf32, #tpu.memory_space<vmem>>) offsets(%dma_start3A_102 : memref<125xi32, #tpu.memory_space<vmem>>) semaphore(%arg17 : memref<!tpu.dma_semaphore, #tpu.memory_space<semaphore_mem>>)
      %dma_start3A_106 = arith.constant 3 : i32
      %dma_start3A_107 = arith.constant 0 : i32
      %dma_start3A_108 = tpu.memref_slice %arg7[%dma_start3A_106, %dma_start3A_107] : memref<160x125xi32, #tpu.memory_space<vmem>> -> memref<1x125xi32, #tpu.memory_space<vmem>>
      %dma_start3A_109 = tpu.memref_squeeze %dma_start3A_108 : memref<1x125xi32, #tpu.memory_space<vmem>> -> memref<125xi32, #tpu.memory_space<vmem>>
      %dma_start3A_110 = arith.constant 0 : i32
      %dma_start3A_111 = arith.constant 0 : i32
      %dma_start3A_112 = tpu.memref_slice %arg2[%dma_start3A_110, %dma_start3A_111] : memref<10000x64xf32, #tpu.memory_space<hbm>> -> memref<10000x64xf32, #tpu.memory_space<hbm>>
      tpu.enqueue_indirect_dma source(%dma_start3A_112 : memref<10000x64xf32, #tpu.memory_space<hbm>>) target(%arg12 : memref<125x64xf32, #tpu.memory_space<vmem>>) offsets(%dma_start3A_109 : memref<125xi32, #tpu.memory_space<vmem>>) semaphore(%arg18 : memref<!tpu.dma_semaphore, #tpu.memory_space<semaphore_mem>>)
      %dma_start3A_113 = arith.constant 4 : i32
      %dma_start3A_114 = arith.constant 0 : i32
      %dma_start3A_115 = tpu.memref_slice %arg7[%dma_start3A_113, %dma_start3A_114] : memref<160x125xi32, #tpu.memory_space<vmem>> -> memref<1x125xi32, #tpu.memory_space<vmem>>
      %dma_start3A_116 = tpu.memref_squeeze %dma_start3A_115 : memref<1x125xi32, #tpu.memory_space<vmem>> -> memref<125xi32, #tpu.memory_space<vmem>>
      %dma_start3A_117 = arith.constant 0 : i32
      %dma_start3A_118 = arith.constant 0 : i32
      %dma_start3A_119 = tpu.memref_slice %arg2[%dma_start3A_117, %dma_start3A_118] : memref<10000x64xf32, #tpu.memory_space<hbm>> -> memref<10000x64xf32, #tpu.memory_space<hbm>>
      tpu.enqueue_indirect_dma source(%dma_start3A_119 : memref<10000x64xf32, #tpu.memory_space<hbm>>) target(%arg13 : memref<125x64xf32, #tpu.memory_space<vmem>>) offsets(%dma_start3A_116 : memref<125xi32, #tpu.memory_space<vmem>>) semaphore(%arg19 : memref<!tpu.dma_semaphore, #tpu.memory_space<semaphore_mem>>)
      %scan3A_120 = arith.constant 0 : i32
      %scan3A_121 = arith.constant 0 : i32
      %scan3A_122 = arith.constant 32 : i32
      %scan3A_123 = arith.addi %scan3A_121, %scan3A_122 : i32
      %scan3A_124 = arith.constant 1 : i32
      %scan3A_125 = scf.for %scan3A_162 = %scan3A_121 to %scan3A_123 step %scan3A_124 iter_args(%scan3A_163 = %scan3A_120) -> (i32)  : i32 {
        %mul3A_164 = arith.constant 5 : i32
        %mul3A_165 = arith.muli %scan3A_162, %mul3A_164 : i32
        %add3A = arith.constant 0 : i32
        %add3A_166 = arith.addi %mul3A_165, %add3A : i32
        %dma_wait3A_167 = arith.constant 0 : i32
        %dma_wait3A_168 = tpu.memref_slice %arg7[%add3A_166, %dma_wait3A_167] : memref<160x125xi32, #tpu.memory_space<vmem>> -> memref<1x125xi32, #tpu.memory_space<vmem>>
        %dma_wait3A_169 = tpu.memref_squeeze %dma_wait3A_168 : memref<1x125xi32, #tpu.memory_space<vmem>> -> memref<125xi32, #tpu.memory_space<vmem>>
        %dma_wait3A_170 = arith.constant 0 : i32
        %dma_wait3A_171 = arith.constant 0 : i32
        %dma_wait3A_172 = tpu.memref_slice %arg2[%dma_wait3A_170, %dma_wait3A_171] : memref<10000x64xf32, #tpu.memory_space<hbm>> -> memref<10000x64xf32, #tpu.memory_space<hbm>>
        tpu.wait_indirect_dma semaphore(%arg15 : memref<!tpu.dma_semaphore, #tpu.memory_space<semaphore_mem>>) src(%dma_wait3A_172 : memref<10000x64xf32, #tpu.memory_space<hbm>>) dst(%arg9 : memref<125x64xf32, #tpu.memory_space<vmem>>)
        %add3A_173 = arith.constant 0 : i32
        %add3A_174 = arith.addi %mul3A_165, %add3A_173 : i32
        %dma_start3A_175 = arith.constant 0 : i32
        %dma_start3A_176 = tpu.memref_slice %arg8[%add3A_174, %dma_start3A_175] : memref<160x125xi32, #tpu.memory_space<vmem>> -> memref<1x125xi32, #tpu.memory_space<vmem>>
        %dma_start3A_177 = tpu.memref_squeeze %dma_start3A_176 : memref<1x125xi32, #tpu.memory_space<vmem>> -> memref<125xi32, #tpu.memory_space<vmem>>
        %dma_start3A_178 = arith.constant 0 : i32
        %dma_start3A_179 = arith.constant 0 : i32
        %dma_start3A_180 = tpu.memref_slice %arg14[%dma_start3A_178, %dma_start3A_179] : memref<10000x64xf32, #tpu.memory_space<vmem_shared>> -> memref<10000x64xf32, #tpu.memory_space<vmem_shared>>
        tpu.enqueue_indirect_dma source(%arg9 : memref<125x64xf32, #tpu.memory_space<vmem>>) target(%dma_start3A_180 : memref<10000x64xf32, #tpu.memory_space<vmem_shared>>) offsets(%dma_start3A_177 : memref<125xi32, #tpu.memory_space<vmem>>) semaphore(%arg20 : memref<!tpu.dma_semaphore, #tpu.memory_space<semaphore_mem>>) {add = true}
        %add3A_181 = arith.constant 1 : i32
        %add3A_182 = arith.addi %mul3A_165, %add3A_181 : i32
        %dma_wait3A_183 = arith.constant 0 : i32
        %dma_wait3A_184 = tpu.memref_slice %arg7[%add3A_182, %dma_wait3A_183] : memref<160x125xi32, #tpu.memory_space<vmem>> -> memref<1x125xi32, #tpu.memory_space<vmem>>
        %dma_wait3A_185 = tpu.memref_squeeze %dma_wait3A_184 : memref<1x125xi32, #tpu.memory_space<vmem>> -> memref<125xi32, #tpu.memory_space<vmem>>
        %dma_wait3A_186 = arith.constant 0 : i32
        %dma_wait3A_187 = arith.constant 0 : i32
        %dma_wait3A_188 = tpu.memref_slice %arg2[%dma_wait3A_186, %dma_wait3A_187] : memref<10000x64xf32, #tpu.memory_space<hbm>> -> memref<10000x64xf32, #tpu.memory_space<hbm>>
        tpu.wait_indirect_dma semaphore(%arg16 : memref<!tpu.dma_semaphore, #tpu.memory_space<semaphore_mem>>) src(%dma_wait3A_188 : memref<10000x64xf32, #tpu.memory_space<hbm>>) dst(%arg10 : memref<125x64xf32, #tpu.memory_space<vmem>>)
        %add3A_189 = arith.constant 1 : i32
        %add3A_190 = arith.addi %mul3A_165, %add3A_189 : i32
        %dma_start3A_191 = arith.constant 0 : i32
        %dma_start3A_192 = tpu.memref_slice %arg8[%add3A_190, %dma_start3A_191] : memref<160x125xi32, #tpu.memory_space<vmem>> -> memref<1x125xi32, #tpu.memory_space<vmem>>
        %dma_start3A_193 = tpu.memref_squeeze %dma_start3A_192 : memref<1x125xi32, #tpu.memory_space<vmem>> -> memref<125xi32, #tpu.memory_space<vmem>>
        %dma_start3A_194 = arith.constant 0 : i32
        %dma_start3A_195 = arith.constant 0 : i32
        %dma_start3A_196 = tpu.memref_slice %arg14[%dma_start3A_194, %dma_start3A_195] : memref<10000x64xf32, #tpu.memory_space<vmem_shared>> -> memref<10000x64xf32, #tpu.memory_space<vmem_shared>>
        tpu.enqueue_indirect_dma source(%arg10 : memref<125x64xf32, #tpu.memory_space<vmem>>) target(%dma_start3A_196 : memref<10000x64xf32, #tpu.memory_space<vmem_shared>>) offsets(%dma_start3A_193 : memref<125xi32, #tpu.memory_space<vmem>>) semaphore(%arg21 : memref<!tpu.dma_semaphore, #tpu.memory_space<semaphore_mem>>) {add = true}
        %add3A_197 = arith.constant 2 : i32
        %add3A_198 = arith.addi %mul3A_165, %add3A_197 : i32
        %dma_wait3A_199 = arith.constant 0 : i32
        %dma_wait3A_200 = tpu.memref_slice %arg7[%add3A_198, %dma_wait3A_199] : memref<160x125xi32, #tpu.memory_space<vmem>> -> memref<1x125xi32, #tpu.memory_space<vmem>>
        %dma_wait3A_201 = tpu.memref_squeeze %dma_wait3A_200 : memref<1x125xi32, #tpu.memory_space<vmem>> -> memref<125xi32, #tpu.memory_space<vmem>>
        %dma_wait3A_202 = arith.constant 0 : i32
        %dma_wait3A_203 = arith.constant 0 : i32
        %dma_wait3A_204 = tpu.memref_slice %arg2[%dma_wait3A_202, %dma_wait3A_203] : memref<10000x64xf32, #tpu.memory_space<hbm>> -> memref<10000x64xf32, #tpu.memory_space<hbm>>
        tpu.wait_indirect_dma semaphore(%arg17 : memref<!tpu.dma_semaphore, #tpu.memory_space<semaphore_mem>>) src(%dma_wait3A_204 : memref<10000x64xf32, #tpu.memory_space<hbm>>) dst(%arg11 : memref<125x64xf32, #tpu.memory_space<vmem>>)
        %add3A_205 = arith.constant 2 : i32
        %add3A_206 = arith.addi %mul3A_165, %add3A_205 : i32
        %dma_start3A_207 = arith.constant 0 : i32
        %dma_start3A_208 = tpu.memref_slice %arg8[%add3A_206, %dma_start3A_207] : memref<160x125xi32, #tpu.memory_space<vmem>> -> memref<1x125xi32, #tpu.memory_space<vmem>>
        %dma_start3A_209 = tpu.memref_squeeze %dma_start3A_208 : memref<1x125xi32, #tpu.memory_space<vmem>> -> memref<125xi32, #tpu.memory_space<vmem>>
        %dma_start3A_210 = arith.constant 0 : i32
        %dma_start3A_211 = arith.constant 0 : i32
        %dma_start3A_212 = tpu.memref_slice %arg14[%dma_start3A_210, %dma_start3A_211] : memref<10000x64xf32, #tpu.memory_space<vmem_shared>> -> memref<10000x64xf32, #tpu.memory_space<vmem_shared>>
        tpu.enqueue_indirect_dma source(%arg11 : memref<125x64xf32, #tpu.memory_space<vmem>>) target(%dma_start3A_212 : memref<10000x64xf32, #tpu.memory_space<vmem_shared>>) offsets(%dma_start3A_209 : memref<125xi32, #tpu.memory_space<vmem>>) semaphore(%arg22 : memref<!tpu.dma_semaphore, #tpu.memory_space<semaphore_mem>>) {add = true}
        %add3A_213 = arith.constant 3 : i32
        %add3A_214 = arith.addi %mul3A_165, %add3A_213 : i32
        %dma_wait3A_215 = arith.constant 0 : i32
        %dma_wait3A_216 = tpu.memref_slice %arg7[%add3A_214, %dma_wait3A_215] : memref<160x125xi32, #tpu.memory_space<vmem>> -> memref<1x125xi32, #tpu.memory_space<vmem>>
        %dma_wait3A_217 = tpu.memref_squeeze %dma_wait3A_216 : memref<1x125xi32, #tpu.memory_space<vmem>> -> memref<125xi32, #tpu.memory_space<vmem>>
        %dma_wait3A_218 = arith.constant 0 : i32
        %dma_wait3A_219 = arith.constant 0 : i32
        %dma_wait3A_220 = tpu.memref_slice %arg2[%dma_wait3A_218, %dma_wait3A_219] : memref<10000x64xf32, #tpu.memory_space<hbm>> -> memref<10000x64xf32, #tpu.memory_space<hbm>>
        tpu.wait_indirect_dma semaphore(%arg18 : memref<!tpu.dma_semaphore, #tpu.memory_space<semaphore_mem>>) src(%dma_wait3A_220 : memref<10000x64xf32, #tpu.memory_space<hbm>>) dst(%arg12 : memref<125x64xf32, #tpu.memory_space<vmem>>)
        %add3A_221 = arith.constant 3 : i32
        %add3A_222 = arith.addi %mul3A_165, %add3A_221 : i32
        %dma_start3A_223 = arith.constant 0 : i32
        %dma_start3A_224 = tpu.memref_slice %arg8[%add3A_222, %dma_start3A_223] : memref<160x125xi32, #tpu.memory_space<vmem>> -> memref<1x125xi32, #tpu.memory_space<vmem>>
        %dma_start3A_225 = tpu.memref_squeeze %dma_start3A_224 : memref<1x125xi32, #tpu.memory_space<vmem>> -> memref<125xi32, #tpu.memory_space<vmem>>
        %dma_start3A_226 = arith.constant 0 : i32
        %dma_start3A_227 = arith.constant 0 : i32
        %dma_start3A_228 = tpu.memref_slice %arg14[%dma_start3A_226, %dma_start3A_227] : memref<10000x64xf32, #tpu.memory_space<vmem_shared>> -> memref<10000x64xf32, #tpu.memory_space<vmem_shared>>
        tpu.enqueue_indirect_dma source(%arg12 : memref<125x64xf32, #tpu.memory_space<vmem>>) target(%dma_start3A_228 : memref<10000x64xf32, #tpu.memory_space<vmem_shared>>) offsets(%dma_start3A_225 : memref<125xi32, #tpu.memory_space<vmem>>) semaphore(%arg23 : memref<!tpu.dma_semaphore, #tpu.memory_space<semaphore_mem>>) {add = true}
        %add3A_229 = arith.constant 4 : i32
        %add3A_230 = arith.addi %mul3A_165, %add3A_229 : i32
        %dma_wait3A_231 = arith.constant 0 : i32
        %dma_wait3A_232 = tpu.memref_slice %arg7[%add3A_230, %dma_wait3A_231] : memref<160x125xi32, #tpu.memory_space<vmem>> -> memref<1x125xi32, #tpu.memory_space<vmem>>
        %dma_wait3A_233 = tpu.memref_squeeze %dma_wait3A_232 : memref<1x125xi32, #tpu.memory_space<vmem>> -> memref<125xi32, #tpu.memory_space<vmem>>
        %dma_wait3A_234 = arith.constant 0 : i32
        %dma_wait3A_235 = arith.constant 0 : i32
        %dma_wait3A_236 = tpu.memref_slice %arg2[%dma_wait3A_234, %dma_wait3A_235] : memref<10000x64xf32, #tpu.memory_space<hbm>> -> memref<10000x64xf32, #tpu.memory_space<hbm>>
        tpu.wait_indirect_dma semaphore(%arg19 : memref<!tpu.dma_semaphore, #tpu.memory_space<semaphore_mem>>) src(%dma_wait3A_236 : memref<10000x64xf32, #tpu.memory_space<hbm>>) dst(%arg13 : memref<125x64xf32, #tpu.memory_space<vmem>>)
        %add3A_237 = arith.constant 4 : i32
        %add3A_238 = arith.addi %mul3A_165, %add3A_237 : i32
        %dma_start3A_239 = arith.constant 0 : i32
        %dma_start3A_240 = tpu.memref_slice %arg8[%add3A_238, %dma_start3A_239] : memref<160x125xi32, #tpu.memory_space<vmem>> -> memref<1x125xi32, #tpu.memory_space<vmem>>
        %dma_start3A_241 = tpu.memref_squeeze %dma_start3A_240 : memref<1x125xi32, #tpu.memory_space<vmem>> -> memref<125xi32, #tpu.memory_space<vmem>>
        %dma_start3A_242 = arith.constant 0 : i32
        %dma_start3A_243 = arith.constant 0 : i32
        %dma_start3A_244 = tpu.memref_slice %arg14[%dma_start3A_242, %dma_start3A_243] : memref<10000x64xf32, #tpu.memory_space<vmem_shared>> -> memref<10000x64xf32, #tpu.memory_space<vmem_shared>>
        tpu.enqueue_indirect_dma source(%arg13 : memref<125x64xf32, #tpu.memory_space<vmem>>) target(%dma_start3A_244 : memref<10000x64xf32, #tpu.memory_space<vmem_shared>>) offsets(%dma_start3A_241 : memref<125xi32, #tpu.memory_space<vmem>>) semaphore(%arg24 : memref<!tpu.dma_semaphore, #tpu.memory_space<semaphore_mem>>) {add = true}
        %add3A_245 = arith.constant 5 : i32
        %add3A_246 = arith.addi %mul3A_165, %add3A_245 : i32
        %add3A_247 = arith.constant 0 : i32
        %add3A_248 = arith.addi %add3A_246, %add3A_247 : i32
        %lt3A = arith.constant 160 : i32
        %lt3A_249 = arith.cmpi slt, %add3A_248, %lt3A : i32
        %convert_element_type3A_250 = arith.extui %lt3A_249 : i1 to i32
        %cond3A_251 = arith.constant 0 : i32
        %cond3A_252 = arith.cmpi ne, %convert_element_type3A_250, %cond3A_251 : i32
        scf.if %cond3A_252 {
          %add3A_290 = arith.constant 0 : i32
          %add3A_291 = arith.addi %mul3A_165, %add3A_290 : i32
          %dma_wait3A_292 = arith.constant 0 : i32
          %dma_wait3A_293 = tpu.memref_slice %arg8[%add3A_291, %dma_wait3A_292] : memref<160x125xi32, #tpu.memory_space<vmem>> -> memref<1x125xi32, #tpu.memory_space<vmem>>
          %dma_wait3A_294 = tpu.memref_squeeze %dma_wait3A_293 : memref<1x125xi32, #tpu.memory_space<vmem>> -> memref<125xi32, #tpu.memory_space<vmem>>
          %dma_wait3A_295 = arith.constant 0 : i32
          %dma_wait3A_296 = arith.constant 0 : i32
          %dma_wait3A_297 = tpu.memref_slice %arg14[%dma_wait3A_295, %dma_wait3A_296] : memref<10000x64xf32, #tpu.memory_space<vmem_shared>> -> memref<10000x64xf32, #tpu.memory_space<vmem_shared>>
          tpu.wait_indirect_dma semaphore(%arg20 : memref<!tpu.dma_semaphore, #tpu.memory_space<semaphore_mem>>) src(%arg9 : memref<125x64xf32, #tpu.memory_space<vmem>>) dst(%dma_wait3A_297 : memref<10000x64xf32, #tpu.memory_space<vmem_shared>>)
          %dma_start3A_298 = arith.constant 0 : i32
          %dma_start3A_299 = tpu.memref_slice %arg7[%add3A_248, %dma_start3A_298] : memref<160x125xi32, #tpu.memory_space<vmem>> -> memref<1x125xi32, #tpu.memory_space<vmem>>
          %dma_start3A_300 = tpu.memref_squeeze %dma_start3A_299 : memref<1x125xi32, #tpu.memory_space<vmem>> -> memref<125xi32, #tpu.memory_space<vmem>>
          %dma_start3A_301 = arith.constant 0 : i32
          %dma_start3A_302 = arith.constant 0 : i32
          %dma_start3A_303 = tpu.memref_slice %arg2[%dma_start3A_301, %dma_start3A_302] : memref<10000x64xf32, #tpu.memory_space<hbm>> -> memref<10000x64xf32, #tpu.memory_space<hbm>>
          tpu.enqueue_indirect_dma source(%dma_start3A_303 : memref<10000x64xf32, #tpu.memory_space<hbm>>) target(%arg9 : memref<125x64xf32, #tpu.memory_space<vmem>>) offsets(%dma_start3A_300 : memref<125xi32, #tpu.memory_space<vmem>>) semaphore(%arg15 : memref<!tpu.dma_semaphore, #tpu.memory_space<semaphore_mem>>)
        } else {
        }
        %add3A_253 = arith.constant 5 : i32
        %add3A_254 = arith.addi %mul3A_165, %add3A_253 : i32
        %add3A_255 = arith.constant 1 : i32
        %add3A_256 = arith.addi %add3A_254, %add3A_255 : i32
        %lt3A_257 = arith.constant 160 : i32
        %lt3A_258 = arith.cmpi slt, %add3A_256, %lt3A_257 : i32
        %convert_element_type3A_259 = arith.extui %lt3A_258 : i1 to i32
        %cond3A_260 = arith.constant 0 : i32
        %cond3A_261 = arith.cmpi ne, %convert_element_type3A_259, %cond3A_260 : i32
        scf.if %cond3A_261 {
          %add3A_290 = arith.constant 1 : i32
          %add3A_291 = arith.addi %mul3A_165, %add3A_290 : i32
          %dma_wait3A_292 = arith.constant 0 : i32
          %dma_wait3A_293 = tpu.memref_slice %arg8[%add3A_291, %dma_wait3A_292] : memref<160x125xi32, #tpu.memory_space<vmem>> -> memref<1x125xi32, #tpu.memory_space<vmem>>
          %dma_wait3A_294 = tpu.memref_squeeze %dma_wait3A_293 : memref<1x125xi32, #tpu.memory_space<vmem>> -> memref<125xi32, #tpu.memory_space<vmem>>
          %dma_wait3A_295 = arith.constant 0 : i32
          %dma_wait3A_296 = arith.constant 0 : i32
          %dma_wait3A_297 = tpu.memref_slice %arg14[%dma_wait3A_295, %dma_wait3A_296] : memref<10000x64xf32, #tpu.memory_space<vmem_shared>> -> memref<10000x64xf32, #tpu.memory_space<vmem_shared>>
          tpu.wait_indirect_dma semaphore(%arg21 : memref<!tpu.dma_semaphore, #tpu.memory_space<semaphore_mem>>) src(%arg10 : memref<125x64xf32, #tpu.memory_space<vmem>>) dst(%dma_wait3A_297 : memref<10000x64xf32, #tpu.memory_space<vmem_shared>>)
          %dma_start3A_298 = arith.constant 0 : i32
          %dma_start3A_299 = tpu.memref_slice %arg7[%add3A_256, %dma_start3A_298] : memref<160x125xi32, #tpu.memory_space<vmem>> -> memref<1x125xi32, #tpu.memory_space<vmem>>
          %dma_start3A_300 = tpu.memref_squeeze %dma_start3A_299 : memref<1x125xi32, #tpu.memory_space<vmem>> -> memref<125xi32, #tpu.memory_space<vmem>>
          %dma_start3A_301 = arith.constant 0 : i32
          %dma_start3A_302 = arith.constant 0 : i32
          %dma_start3A_303 = tpu.memref_slice %arg2[%dma_start3A_301, %dma_start3A_302] : memref<10000x64xf32, #tpu.memory_space<hbm>> -> memref<10000x64xf32, #tpu.memory_space<hbm>>
          tpu.enqueue_indirect_dma source(%dma_start3A_303 : memref<10000x64xf32, #tpu.memory_space<hbm>>) target(%arg10 : memref<125x64xf32, #tpu.memory_space<vmem>>) offsets(%dma_start3A_300 : memref<125xi32, #tpu.memory_space<vmem>>) semaphore(%arg16 : memref<!tpu.dma_semaphore, #tpu.memory_space<semaphore_mem>>)
        } else {
        }
        %add3A_262 = arith.constant 5 : i32
        %add3A_263 = arith.addi %mul3A_165, %add3A_262 : i32
        %add3A_264 = arith.constant 2 : i32
        %add3A_265 = arith.addi %add3A_263, %add3A_264 : i32
        %lt3A_266 = arith.constant 160 : i32
        %lt3A_267 = arith.cmpi slt, %add3A_265, %lt3A_266 : i32
        %convert_element_type3A_268 = arith.extui %lt3A_267 : i1 to i32
        %cond3A_269 = arith.constant 0 : i32
        %cond3A_270 = arith.cmpi ne, %convert_element_type3A_268, %cond3A_269 : i32
        scf.if %cond3A_270 {
          %add3A_290 = arith.constant 2 : i32
          %add3A_291 = arith.addi %mul3A_165, %add3A_290 : i32
          %dma_wait3A_292 = arith.constant 0 : i32
          %dma_wait3A_293 = tpu.memref_slice %arg8[%add3A_291, %dma_wait3A_292] : memref<160x125xi32, #tpu.memory_space<vmem>> -> memref<1x125xi32, #tpu.memory_space<vmem>>
          %dma_wait3A_294 = tpu.memref_squeeze %dma_wait3A_293 : memref<1x125xi32, #tpu.memory_space<vmem>> -> memref<125xi32, #tpu.memory_space<vmem>>
          %dma_wait3A_295 = arith.constant 0 : i32
          %dma_wait3A_296 = arith.constant 0 : i32
          %dma_wait3A_297 = tpu.memref_slice %arg14[%dma_wait3A_295, %dma_wait3A_296] : memref<10000x64xf32, #tpu.memory_space<vmem_shared>> -> memref<10000x64xf32, #tpu.memory_space<vmem_shared>>
          tpu.wait_indirect_dma semaphore(%arg22 : memref<!tpu.dma_semaphore, #tpu.memory_space<semaphore_mem>>) src(%arg11 : memref<125x64xf32, #tpu.memory_space<vmem>>) dst(%dma_wait3A_297 : memref<10000x64xf32, #tpu.memory_space<vmem_shared>>)
          %dma_start3A_298 = arith.constant 0 : i32
          %dma_start3A_299 = tpu.memref_slice %arg7[%add3A_265, %dma_start3A_298] : memref<160x125xi32, #tpu.memory_space<vmem>> -> memref<1x125xi32, #tpu.memory_space<vmem>>
          %dma_start3A_300 = tpu.memref_squeeze %dma_start3A_299 : memref<1x125xi32, #tpu.memory_space<vmem>> -> memref<125xi32, #tpu.memory_space<vmem>>
          %dma_start3A_301 = arith.constant 0 : i32
          %dma_start3A_302 = arith.constant 0 : i32
          %dma_start3A_303 = tpu.memref_slice %arg2[%dma_start3A_301, %dma_start3A_302] : memref<10000x64xf32, #tpu.memory_space<hbm>> -> memref<10000x64xf32, #tpu.memory_space<hbm>>
          tpu.enqueue_indirect_dma source(%dma_start3A_303 : memref<10000x64xf32, #tpu.memory_space<hbm>>) target(%arg11 : memref<125x64xf32, #tpu.memory_space<vmem>>) offsets(%dma_start3A_300 : memref<125xi32, #tpu.memory_space<vmem>>) semaphore(%arg17 : memref<!tpu.dma_semaphore, #tpu.memory_space<semaphore_mem>>)
        } else {
        }
        %add3A_271 = arith.constant 5 : i32
        %add3A_272 = arith.addi %mul3A_165, %add3A_271 : i32
        %add3A_273 = arith.constant 3 : i32
        %add3A_274 = arith.addi %add3A_272, %add3A_273 : i32
        %lt3A_275 = arith.constant 160 : i32
        %lt3A_276 = arith.cmpi slt, %add3A_274, %lt3A_275 : i32
        %convert_element_type3A_277 = arith.extui %lt3A_276 : i1 to i32
        %cond3A_278 = arith.constant 0 : i32
        %cond3A_279 = arith.cmpi ne, %convert_element_type3A_277, %cond3A_278 : i32
        scf.if %cond3A_279 {
          %add3A_290 = arith.constant 3 : i32
          %add3A_291 = arith.addi %mul3A_165, %add3A_290 : i32
          %dma_wait3A_292 = arith.constant 0 : i32
          %dma_wait3A_293 = tpu.memref_slice %arg8[%add3A_291, %dma_wait3A_292] : memref<160x125xi32, #tpu.memory_space<vmem>> -> memref<1x125xi32, #tpu.memory_space<vmem>>
          %dma_wait3A_294 = tpu.memref_squeeze %dma_wait3A_293 : memref<1x125xi32, #tpu.memory_space<vmem>> -> memref<125xi32, #tpu.memory_space<vmem>>
          %dma_wait3A_295 = arith.constant 0 : i32
          %dma_wait3A_296 = arith.constant 0 : i32
          %dma_wait3A_297 = tpu.memref_slice %arg14[%dma_wait3A_295, %dma_wait3A_296] : memref<10000x64xf32, #tpu.memory_space<vmem_shared>> -> memref<10000x64xf32, #tpu.memory_space<vmem_shared>>
          tpu.wait_indirect_dma semaphore(%arg23 : memref<!tpu.dma_semaphore, #tpu.memory_space<semaphore_mem>>) src(%arg12 : memref<125x64xf32, #tpu.memory_space<vmem>>) dst(%dma_wait3A_297 : memref<10000x64xf32, #tpu.memory_space<vmem_shared>>)
          %dma_start3A_298 = arith.constant 0 : i32
          %dma_start3A_299 = tpu.memref_slice %arg7[%add3A_274, %dma_start3A_298] : memref<160x125xi32, #tpu.memory_space<vmem>> -> memref<1x125xi32, #tpu.memory_space<vmem>>
          %dma_start3A_300 = tpu.memref_squeeze %dma_start3A_299 : memref<1x125xi32, #tpu.memory_space<vmem>> -> memref<125xi32, #tpu.memory_space<vmem>>
          %dma_start3A_301 = arith.constant 0 : i32
          %dma_start3A_302 = arith.constant 0 : i32
          %dma_start3A_303 = tpu.memref_slice %arg2[%dma_start3A_301, %dma_start3A_302] : memref<10000x64xf32, #tpu.memory_space<hbm>> -> memref<10000x64xf32, #tpu.memory_space<hbm>>
          tpu.enqueue_indirect_dma source(%dma_start3A_303 : memref<10000x64xf32, #tpu.memory_space<hbm>>) target(%arg12 : memref<125x64xf32, #tpu.memory_space<vmem>>) offsets(%dma_start3A_300 : memref<125xi32, #tpu.memory_space<vmem>>) semaphore(%arg18 : memref<!tpu.dma_semaphore, #tpu.memory_space<semaphore_mem>>)
        } else {
        }
        %add3A_280 = arith.constant 5 : i32
        %add3A_281 = arith.addi %mul3A_165, %add3A_280 : i32
        %add3A_282 = arith.constant 4 : i32
        %add3A_283 = arith.addi %add3A_281, %add3A_282 : i32
        %lt3A_284 = arith.constant 160 : i32
        %lt3A_285 = arith.cmpi slt, %add3A_283, %lt3A_284 : i32
        %convert_element_type3A_286 = arith.extui %lt3A_285 : i1 to i32
        %cond3A_287 = arith.constant 0 : i32
        %cond3A_288 = arith.cmpi ne, %convert_element_type3A_286, %cond3A_287 : i32
        scf.if %cond3A_288 {
          %add3A_290 = arith.constant 4 : i32
          %add3A_291 = arith.addi %mul3A_165, %add3A_290 : i32
          %dma_wait3A_292 = arith.constant 0 : i32
          %dma_wait3A_293 = tpu.memref_slice %arg8[%add3A_291, %dma_wait3A_292] : memref<160x125xi32, #tpu.memory_space<vmem>> -> memref<1x125xi32, #tpu.memory_space<vmem>>
          %dma_wait3A_294 = tpu.memref_squeeze %dma_wait3A_293 : memref<1x125xi32, #tpu.memory_space<vmem>> -> memref<125xi32, #tpu.memory_space<vmem>>
          %dma_wait3A_295 = arith.constant 0 : i32
          %dma_wait3A_296 = arith.constant 0 : i32
          %dma_wait3A_297 = tpu.memref_slice %arg14[%dma_wait3A_295, %dma_wait3A_296] : memref<10000x64xf32, #tpu.memory_space<vmem_shared>> -> memref<10000x64xf32, #tpu.memory_space<vmem_shared>>
          tpu.wait_indirect_dma semaphore(%arg24 : memref<!tpu.dma_semaphore, #tpu.memory_space<semaphore_mem>>) src(%arg13 : memref<125x64xf32, #tpu.memory_space<vmem>>) dst(%dma_wait3A_297 : memref<10000x64xf32, #tpu.memory_space<vmem_shared>>)
          %dma_start3A_298 = arith.constant 0 : i32
          %dma_start3A_299 = tpu.memref_slice %arg7[%add3A_283, %dma_start3A_298] : memref<160x125xi32, #tpu.memory_space<vmem>> -> memref<1x125xi32, #tpu.memory_space<vmem>>
          %dma_start3A_300 = tpu.memref_squeeze %dma_start3A_299 : memref<1x125xi32, #tpu.memory_space<vmem>> -> memref<125xi32, #tpu.memory_space<vmem>>
          %dma_start3A_301 = arith.constant 0 : i32
          %dma_start3A_302 = arith.constant 0 : i32
          %dma_start3A_303 = tpu.memref_slice %arg2[%dma_start3A_301, %dma_start3A_302] : memref<10000x64xf32, #tpu.memory_space<hbm>> -> memref<10000x64xf32, #tpu.memory_space<hbm>>
          tpu.enqueue_indirect_dma source(%dma_start3A_303 : memref<10000x64xf32, #tpu.memory_space<hbm>>) target(%arg13 : memref<125x64xf32, #tpu.memory_space<vmem>>) offsets(%dma_start3A_300 : memref<125xi32, #tpu.memory_space<vmem>>) semaphore(%arg19 : memref<!tpu.dma_semaphore, #tpu.memory_space<semaphore_mem>>)
        } else {
        }
        %scan3A_289 = arith.constant 0 : i32
        scf.yield %scan3A_289 : i32
      }
      %scan3A_126 = arith.constant 32 : i32
      %dma_wait3A_127 = arith.constant 155 : i32
      %dma_wait3A_128 = arith.constant 0 : i32
      %dma_wait3A_129 = tpu.memref_slice %arg8[%dma_wait3A_127, %dma_wait3A_128] : memref<160x125xi32, #tpu.memory_space<vmem>> -> memref<1x125xi32, #tpu.memory_space<vmem>>
      %dma_wait3A_130 = tpu.memref_squeeze %dma_wait3A_129 : memref<1x125xi32, #tpu.memory_space<vmem>> -> memref<125xi32, #tpu.memory_space<vmem>>
      %dma_wait3A_131 = arith.constant 0 : i32
      %dma_wait3A_132 = arith.constant 0 : i32
      %dma_wait3A_133 = tpu.memref_slice %arg14[%dma_wait3A_131, %dma_wait3A_132] : memref<10000x64xf32, #tpu.memory_space<vmem_shared>> -> memref<10000x64xf32, #tpu.memory_space<vmem_shared>>
      tpu.wait_indirect_dma semaphore(%arg20 : memref<!tpu.dma_semaphore, #tpu.memory_space<semaphore_mem>>) src(%arg9 : memref<125x64xf32, #tpu.memory_space<vmem>>) dst(%dma_wait3A_133 : memref<10000x64xf32, #tpu.memory_space<vmem_shared>>)
      %dma_wait3A_134 = arith.constant 156 : i32
      %dma_wait3A_135 = arith.constant 0 : i32
      %dma_wait3A_136 = tpu.memref_slice %arg8[%dma_wait3A_134, %dma_wait3A_135] : memref<160x125xi32, #tpu.memory_space<vmem>> -> memref<1x125xi32, #tpu.memory_space<vmem>>
      %dma_wait3A_137 = tpu.memref_squeeze %dma_wait3A_136 : memref<1x125xi32, #tpu.memory_space<vmem>> -> memref<125xi32, #tpu.memory_space<vmem>>
      %dma_wait3A_138 = arith.constant 0 : i32
      %dma_wait3A_139 = arith.constant 0 : i32
      %dma_wait3A_140 = tpu.memref_slice %arg14[%dma_wait3A_138, %dma_wait3A_139] : memref<10000x64xf32, #tpu.memory_space<vmem_shared>> -> memref<10000x64xf32, #tpu.memory_space<vmem_shared>>
      tpu.wait_indirect_dma semaphore(%arg21 : memref<!tpu.dma_semaphore, #tpu.memory_space<semaphore_mem>>) src(%arg10 : memref<125x64xf32, #tpu.memory_space<vmem>>) dst(%dma_wait3A_140 : memref<10000x64xf32, #tpu.memory_space<vmem_shared>>)
      %dma_wait3A_141 = arith.constant 157 : i32
      %dma_wait3A_142 = arith.constant 0 : i32
      %dma_wait3A_143 = tpu.memref_slice %arg8[%dma_wait3A_141, %dma_wait3A_142] : memref<160x125xi32, #tpu.memory_space<vmem>> -> memref<1x125xi32, #tpu.memory_space<vmem>>
      %dma_wait3A_144 = tpu.memref_squeeze %dma_wait3A_143 : memref<1x125xi32, #tpu.memory_space<vmem>> -> memref<125xi32, #tpu.memory_space<vmem>>
      %dma_wait3A_145 = arith.constant 0 : i32
      %dma_wait3A_146 = arith.constant 0 : i32
      %dma_wait3A_147 = tpu.memref_slice %arg14[%dma_wait3A_145, %dma_wait3A_146] : memref<10000x64xf32, #tpu.memory_space<vmem_shared>> -> memref<10000x64xf32, #tpu.memory_space<vmem_shared>>
      tpu.wait_indirect_dma semaphore(%arg22 : memref<!tpu.dma_semaphore, #tpu.memory_space<semaphore_mem>>) src(%arg11 : memref<125x64xf32, #tpu.memory_space<vmem>>) dst(%dma_wait3A_147 : memref<10000x64xf32, #tpu.memory_space<vmem_shared>>)
      %dma_wait3A_148 = arith.constant 158 : i32
      %dma_wait3A_149 = arith.constant 0 : i32
      %dma_wait3A_150 = tpu.memref_slice %arg8[%dma_wait3A_148, %dma_wait3A_149] : memref<160x125xi32, #tpu.memory_space<vmem>> -> memref<1x125xi32, #tpu.memory_space<vmem>>
      %dma_wait3A_151 = tpu.memref_squeeze %dma_wait3A_150 : memref<1x125xi32, #tpu.memory_space<vmem>> -> memref<125xi32, #tpu.memory_space<vmem>>
      %dma_wait3A_152 = arith.constant 0 : i32
      %dma_wait3A_153 = arith.constant 0 : i32
      %dma_wait3A_154 = tpu.memref_slice %arg14[%dma_wait3A_152, %dma_wait3A_153] : memref<10000x64xf32, #tpu.memory_space<vmem_shared>> -> memref<10000x64xf32, #tpu.memory_space<vmem_shared>>
      tpu.wait_indirect_dma semaphore(%arg23 : memref<!tpu.dma_semaphore, #tpu.memory_space<semaphore_mem>>) src(%arg12 : memref<125x64xf32, #tpu.memory_space<vmem>>) dst(%dma_wait3A_154 : memref<10000x64xf32, #tpu.memory_space<vmem_shared>>)
      %dma_wait3A_155 = arith.constant 159 : i32
      %dma_wait3A_156 = arith.constant 0 : i32
      %dma_wait3A_157 = tpu.memref_slice %arg8[%dma_wait3A_155, %dma_wait3A_156] : memref<160x125xi32, #tpu.memory_space<vmem>> -> memref<1x125xi32, #tpu.memory_space<vmem>>
      %dma_wait3A_158 = tpu.memref_squeeze %dma_wait3A_157 : memref<1x125xi32, #tpu.memory_space<vmem>> -> memref<125xi32, #tpu.memory_space<vmem>>
      %dma_wait3A_159 = arith.constant 0 : i32
      %dma_wait3A_160 = arith.constant 0 : i32
      %dma_wait3A_161 = tpu.memref_slice %arg14[%dma_wait3A_159, %dma_wait3A_160] : memref<10000x64xf32, #tpu.memory_space<vmem_shared>> -> memref<10000x64xf32, #tpu.memory_space<vmem_shared>>
      tpu.wait_indirect_dma semaphore(%arg24 : memref<!tpu.dma_semaphore, #tpu.memory_space<semaphore_mem>>) src(%arg13 : memref<125x64xf32, #tpu.memory_space<vmem>>) dst(%dma_wait3A_161 : memref<10000x64xf32, #tpu.memory_space<vmem_shared>>)
    } else {
    }
    %eq3A_69 = arith.constant 1 : i32
    %eq3A_70 = arith.cmpi eq, %arg0, %eq3A_69 : i32
    %convert_element_type3A_71 = arith.extui %eq3A_70 : i1 to i32
    %cond3A_72 = arith.constant 0 : i32
    %cond3A_73 = arith.cmpi ne, %convert_element_type3A_71, %cond3A_72 : i32
    scf.if %cond3A_73 {
      %dma_start3A_85 = arith.constant 0 : i32
      %dma_start3A_86 = arith.constant 0 : i32
      %dma_start3A_87 = tpu.memref_slice %arg7[%dma_start3A_85, %dma_start3A_86] : memref<160x125xi32, #tpu.memory_space<vmem>> -> memref<1x125xi32, #tpu.memory_space<vmem>>
      %dma_start3A_88 = tpu.memref_squeeze %dma_start3A_87 : memref<1x125xi32, #tpu.memory_space<vmem>> -> memref<125xi32, #tpu.memory_space<vmem>>
      %dma_start3A_89 = arith.constant 0 : i32
      %dma_start3A_90 = arith.constant 0 : i32
      %dma_start3A_91 = tpu.memref_slice %arg3[%dma_start3A_89, %dma_start3A_90] : memref<10000x64xf32, #tpu.memory_space<hbm>> -> memref<10000x64xf32, #tpu.memory_space<hbm>>
      tpu.enqueue_indirect_dma source(%dma_start3A_91 : memref<10000x64xf32, #tpu.memory_space<hbm>>) target(%arg9 : memref<125x64xf32, #tpu.memory_space<vmem>>) offsets(%dma_start3A_88 : memref<125xi32, #tpu.memory_space<vmem>>) semaphore(%arg15 : memref<!tpu.dma_semaphore, #tpu.memory_space<semaphore_mem>>)
      %dma_start3A_92 = arith.constant 1 : i32
      %dma_start3A_93 = arith.constant 0 : i32
      %dma_start3A_94 = tpu.memref_slice %arg7[%dma_start3A_92, %dma_start3A_93] : memref<160x125xi32, #tpu.memory_space<vmem>> -> memref<1x125xi32, #tpu.memory_space<vmem>>
      %dma_start3A_95 = tpu.memref_squeeze %dma_start3A_94 : memref<1x125xi32, #tpu.memory_space<vmem>> -> memref<125xi32, #tpu.memory_space<vmem>>
      %dma_start3A_96 = arith.constant 0 : i32
      %dma_start3A_97 = arith.constant 0 : i32
      %dma_start3A_98 = tpu.memref_slice %arg3[%dma_start3A_96, %dma_start3A_97] : memref<10000x64xf32, #tpu.memory_space<hbm>> -> memref<10000x64xf32, #tpu.memory_space<hbm>>
      tpu.enqueue_indirect_dma source(%dma_start3A_98 : memref<10000x64xf32, #tpu.memory_space<hbm>>) target(%arg10 : memref<125x64xf32, #tpu.memory_space<vmem>>) offsets(%dma_start3A_95 : memref<125xi32, #tpu.memory_space<vmem>>) semaphore(%arg16 : memref<!tpu.dma_semaphore, #tpu.memory_space<semaphore_mem>>)
      %dma_start3A_99 = arith.constant 2 : i32
      %dma_start3A_100 = arith.constant 0 : i32
      %dma_start3A_101 = tpu.memref_slice %arg7[%dma_start3A_99, %dma_start3A_100] : memref<160x125xi32, #tpu.memory_space<vmem>> -> memref<1x125xi32, #tpu.memory_space<vmem>>
      %dma_start3A_102 = tpu.memref_squeeze %dma_start3A_101 : memref<1x125xi32, #tpu.memory_space<vmem>> -> memref<125xi32, #tpu.memory_space<vmem>>
      %dma_start3A_103 = arith.constant 0 : i32
      %dma_start3A_104 = arith.constant 0 : i32
      %dma_start3A_105 = tpu.memref_slice %arg3[%dma_start3A_103, %dma_start3A_104] : memref<10000x64xf32, #tpu.memory_space<hbm>> -> memref<10000x64xf32, #tpu.memory_space<hbm>>
      tpu.enqueue_indirect_dma source(%dma_start3A_105 : memref<10000x64xf32, #tpu.memory_space<hbm>>) target(%arg11 : memref<125x64xf32, #tpu.memory_space<vmem>>) offsets(%dma_start3A_102 : memref<125xi32, #tpu.memory_space<vmem>>) semaphore(%arg17 : memref<!tpu.dma_semaphore, #tpu.memory_space<semaphore_mem>>)
      %dma_start3A_106 = arith.constant 3 : i32
      %dma_start3A_107 = arith.constant 0 : i32
      %dma_start3A_108 = tpu.memref_slice %arg7[%dma_start3A_106, %dma_start3A_107] : memref<160x125xi32, #tpu.memory_space<vmem>> -> memref<1x125xi32, #tpu.memory_space<vmem>>
      %dma_start3A_109 = tpu.memref_squeeze %dma_start3A_108 : memref<1x125xi32, #tpu.memory_space<vmem>> -> memref<125xi32, #tpu.memory_space<vmem>>
      %dma_start3A_110 = arith.constant 0 : i32
      %dma_start3A_111 = arith.constant 0 : i32
      %dma_start3A_112 = tpu.memref_slice %arg3[%dma_start3A_110, %dma_start3A_111] : memref<10000x64xf32, #tpu.memory_space<hbm>> -> memref<10000x64xf32, #tpu.memory_space<hbm>>
      tpu.enqueue_indirect_dma source(%dma_start3A_112 : memref<10000x64xf32, #tpu.memory_space<hbm>>) target(%arg12 : memref<125x64xf32, #tpu.memory_space<vmem>>) offsets(%dma_start3A_109 : memref<125xi32, #tpu.memory_space<vmem>>) semaphore(%arg18 : memref<!tpu.dma_semaphore, #tpu.memory_space<semaphore_mem>>)
      %dma_start3A_113 = arith.constant 4 : i32
      %dma_start3A_114 = arith.constant 0 : i32
      %dma_start3A_115 = tpu.memref_slice %arg7[%dma_start3A_113, %dma_start3A_114] : memref<160x125xi32, #tpu.memory_space<vmem>> -> memref<1x125xi32, #tpu.memory_space<vmem>>
      %dma_start3A_116 = tpu.memref_squeeze %dma_start3A_115 : memref<1x125xi32, #tpu.memory_space<vmem>> -> memref<125xi32, #tpu.memory_space<vmem>>
      %dma_start3A_117 = arith.constant 0 : i32
      %dma_start3A_118 = arith.constant 0 : i32
      %dma_start3A_119 = tpu.memref_slice %arg3[%dma_start3A_117, %dma_start3A_118] : memref<10000x64xf32, #tpu.memory_space<hbm>> -> memref<10000x64xf32, #tpu.memory_space<hbm>>
      tpu.enqueue_indirect_dma source(%dma_start3A_119 : memref<10000x64xf32, #tpu.memory_space<hbm>>) target(%arg13 : memref<125x64xf32, #tpu.memory_space<vmem>>) offsets(%dma_start3A_116 : memref<125xi32, #tpu.memory_space<vmem>>) semaphore(%arg19 : memref<!tpu.dma_semaphore, #tpu.memory_space<semaphore_mem>>)
      %scan3A_120 = arith.constant 0 : i32
      %scan3A_121 = arith.constant 0 : i32
      %scan3A_122 = arith.constant 32 : i32
      %scan3A_123 = arith.addi %scan3A_121, %scan3A_122 : i32
      %scan3A_124 = arith.constant 1 : i32
      %scan3A_125 = scf.for %scan3A_162 = %scan3A_121 to %scan3A_123 step %scan3A_124 iter_args(%scan3A_163 = %scan3A_120) -> (i32)  : i32 {
        %mul3A_164 = arith.constant 5 : i32
        %mul3A_165 = arith.muli %scan3A_162, %mul3A_164 : i32
        %add3A = arith.constant 0 : i32
        %add3A_166 = arith.addi %mul3A_165, %add3A : i32
        %dma_wait3A_167 = arith.constant 0 : i32
        %dma_wait3A_168 = tpu.memref_slice %arg7[%add3A_166, %dma_wait3A_167] : memref<160x125xi32, #tpu.memory_space<vmem>> -> memref<1x125xi32, #tpu.memory_space<vmem>>
        %dma_wait3A_169 = tpu.memref_squeeze %dma_wait3A_168 : memref<1x125xi32, #tpu.memory_space<vmem>> -> memref<125xi32, #tpu.memory_space<vmem>>
        %dma_wait3A_170 = arith.constant 0 : i32
        %dma_wait3A_171 = arith.constant 0 : i32
        %dma_wait3A_172 = tpu.memref_slice %arg3[%dma_wait3A_170, %dma_wait3A_171] : memref<10000x64xf32, #tpu.memory_space<hbm>> -> memref<10000x64xf32, #tpu.memory_space<hbm>>
        tpu.wait_indirect_dma semaphore(%arg15 : memref<!tpu.dma_semaphore, #tpu.memory_space<semaphore_mem>>) src(%dma_wait3A_172 : memref<10000x64xf32, #tpu.memory_space<hbm>>) dst(%arg9 : memref<125x64xf32, #tpu.memory_space<vmem>>)
        %add3A_173 = arith.constant 0 : i32
        %add3A_174 = arith.addi %mul3A_165, %add3A_173 : i32
        %dma_start3A_175 = arith.constant 0 : i32
        %dma_start3A_176 = tpu.memref_slice %arg8[%add3A_174, %dma_start3A_175] : memref<160x125xi32, #tpu.memory_space<vmem>> -> memref<1x125xi32, #tpu.memory_space<vmem>>
        %dma_start3A_177 = tpu.memref_squeeze %dma_start3A_176 : memref<1x125xi32, #tpu.memory_space<vmem>> -> memref<125xi32, #tpu.memory_space<vmem>>
        %dma_start3A_178 = arith.constant 0 : i32
        %dma_start3A_179 = arith.constant 0 : i32
        %dma_start3A_180 = tpu.memref_slice %arg14[%dma_start3A_178, %dma_start3A_179] : memref<10000x64xf32, #tpu.memory_space<vmem_shared>> -> memref<10000x64xf32, #tpu.memory_space<vmem_shared>>
        tpu.enqueue_indirect_dma source(%arg9 : memref<125x64xf32, #tpu.memory_space<vmem>>) target(%dma_start3A_180 : memref<10000x64xf32, #tpu.memory_space<vmem_shared>>) offsets(%dma_start3A_177 : memref<125xi32, #tpu.memory_space<vmem>>) semaphore(%arg20 : memref<!tpu.dma_semaphore, #tpu.memory_space<semaphore_mem>>) {add = true}
        %add3A_181 = arith.constant 1 : i32
        %add3A_182 = arith.addi %mul3A_165, %add3A_181 : i32
        %dma_wait3A_183 = arith.constant 0 : i32
        %dma_wait3A_184 = tpu.memref_slice %arg7[%add3A_182, %dma_wait3A_183] : memref<160x125xi32, #tpu.memory_space<vmem>> -> memref<1x125xi32, #tpu.memory_space<vmem>>
        %dma_wait3A_185 = tpu.memref_squeeze %dma_wait3A_184 : memref<1x125xi32, #tpu.memory_space<vmem>> -> memref<125xi32, #tpu.memory_space<vmem>>
        %dma_wait3A_186 = arith.constant 0 : i32
        %dma_wait3A_187 = arith.constant 0 : i32
        %dma_wait3A_188 = tpu.memref_slice %arg3[%dma_wait3A_186, %dma_wait3A_187] : memref<10000x64xf32, #tpu.memory_space<hbm>> -> memref<10000x64xf32, #tpu.memory_space<hbm>>
        tpu.wait_indirect_dma semaphore(%arg16 : memref<!tpu.dma_semaphore, #tpu.memory_space<semaphore_mem>>) src(%dma_wait3A_188 : memref<10000x64xf32, #tpu.memory_space<hbm>>) dst(%arg10 : memref<125x64xf32, #tpu.memory_space<vmem>>)
        %add3A_189 = arith.constant 1 : i32
        %add3A_190 = arith.addi %mul3A_165, %add3A_189 : i32
        %dma_start3A_191 = arith.constant 0 : i32
        %dma_start3A_192 = tpu.memref_slice %arg8[%add3A_190, %dma_start3A_191] : memref<160x125xi32, #tpu.memory_space<vmem>> -> memref<1x125xi32, #tpu.memory_space<vmem>>
        %dma_start3A_193 = tpu.memref_squeeze %dma_start3A_192 : memref<1x125xi32, #tpu.memory_space<vmem>> -> memref<125xi32, #tpu.memory_space<vmem>>
        %dma_start3A_194 = arith.constant 0 : i32
        %dma_start3A_195 = arith.constant 0 : i32
        %dma_start3A_196 = tpu.memref_slice %arg14[%dma_start3A_194, %dma_start3A_195] : memref<10000x64xf32, #tpu.memory_space<vmem_shared>> -> memref<10000x64xf32, #tpu.memory_space<vmem_shared>>
        tpu.enqueue_indirect_dma source(%arg10 : memref<125x64xf32, #tpu.memory_space<vmem>>) target(%dma_start3A_196 : memref<10000x64xf32, #tpu.memory_space<vmem_shared>>) offsets(%dma_start3A_193 : memref<125xi32, #tpu.memory_space<vmem>>) semaphore(%arg21 : memref<!tpu.dma_semaphore, #tpu.memory_space<semaphore_mem>>) {add = true}
        %add3A_197 = arith.constant 2 : i32
        %add3A_198 = arith.addi %mul3A_165, %add3A_197 : i32
        %dma_wait3A_199 = arith.constant 0 : i32
        %dma_wait3A_200 = tpu.memref_slice %arg7[%add3A_198, %dma_wait3A_199] : memref<160x125xi32, #tpu.memory_space<vmem>> -> memref<1x125xi32, #tpu.memory_space<vmem>>
        %dma_wait3A_201 = tpu.memref_squeeze %dma_wait3A_200 : memref<1x125xi32, #tpu.memory_space<vmem>> -> memref<125xi32, #tpu.memory_space<vmem>>
        %dma_wait3A_202 = arith.constant 0 : i32
        %dma_wait3A_203 = arith.constant 0 : i32
        %dma_wait3A_204 = tpu.memref_slice %arg3[%dma_wait3A_202, %dma_wait3A_203] : memref<10000x64xf32, #tpu.memory_space<hbm>> -> memref<10000x64xf32, #tpu.memory_space<hbm>>
        tpu.wait_indirect_dma semaphore(%arg17 : memref<!tpu.dma_semaphore, #tpu.memory_space<semaphore_mem>>) src(%dma_wait3A_204 : memref<10000x64xf32, #tpu.memory_space<hbm>>) dst(%arg11 : memref<125x64xf32, #tpu.memory_space<vmem>>)
        %add3A_205 = arith.constant 2 : i32
        %add3A_206 = arith.addi %mul3A_165, %add3A_205 : i32
        %dma_start3A_207 = arith.constant 0 : i32
        %dma_start3A_208 = tpu.memref_slice %arg8[%add3A_206, %dma_start3A_207] : memref<160x125xi32, #tpu.memory_space<vmem>> -> memref<1x125xi32, #tpu.memory_space<vmem>>
        %dma_start3A_209 = tpu.memref_squeeze %dma_start3A_208 : memref<1x125xi32, #tpu.memory_space<vmem>> -> memref<125xi32, #tpu.memory_space<vmem>>
        %dma_start3A_210 = arith.constant 0 : i32
        %dma_start3A_211 = arith.constant 0 : i32
        %dma_start3A_212 = tpu.memref_slice %arg14[%dma_start3A_210, %dma_start3A_211] : memref<10000x64xf32, #tpu.memory_space<vmem_shared>> -> memref<10000x64xf32, #tpu.memory_space<vmem_shared>>
        tpu.enqueue_indirect_dma source(%arg11 : memref<125x64xf32, #tpu.memory_space<vmem>>) target(%dma_start3A_212 : memref<10000x64xf32, #tpu.memory_space<vmem_shared>>) offsets(%dma_start3A_209 : memref<125xi32, #tpu.memory_space<vmem>>) semaphore(%arg22 : memref<!tpu.dma_semaphore, #tpu.memory_space<semaphore_mem>>) {add = true}
        %add3A_213 = arith.constant 3 : i32
        %add3A_214 = arith.addi %mul3A_165, %add3A_213 : i32
        %dma_wait3A_215 = arith.constant 0 : i32
        %dma_wait3A_216 = tpu.memref_slice %arg7[%add3A_214, %dma_wait3A_215] : memref<160x125xi32, #tpu.memory_space<vmem>> -> memref<1x125xi32, #tpu.memory_space<vmem>>
        %dma_wait3A_217 = tpu.memref_squeeze %dma_wait3A_216 : memref<1x125xi32, #tpu.memory_space<vmem>> -> memref<125xi32, #tpu.memory_space<vmem>>
        %dma_wait3A_218 = arith.constant 0 : i32
        %dma_wait3A_219 = arith.constant 0 : i32
        %dma_wait3A_220 = tpu.memref_slice %arg3[%dma_wait3A_218, %dma_wait3A_219] : memref<10000x64xf32, #tpu.memory_space<hbm>> -> memref<10000x64xf32, #tpu.memory_space<hbm>>
        tpu.wait_indirect_dma semaphore(%arg18 : memref<!tpu.dma_semaphore, #tpu.memory_space<semaphore_mem>>) src(%dma_wait3A_220 : memref<10000x64xf32, #tpu.memory_space<hbm>>) dst(%arg12 : memref<125x64xf32, #tpu.memory_space<vmem>>)
        %add3A_221 = arith.constant 3 : i32
        %add3A_222 = arith.addi %mul3A_165, %add3A_221 : i32
        %dma_start3A_223 = arith.constant 0 : i32
        %dma_start3A_224 = tpu.memref_slice %arg8[%add3A_222, %dma_start3A_223] : memref<160x125xi32, #tpu.memory_space<vmem>> -> memref<1x125xi32, #tpu.memory_space<vmem>>
        %dma_start3A_225 = tpu.memref_squeeze %dma_start3A_224 : memref<1x125xi32, #tpu.memory_space<vmem>> -> memref<125xi32, #tpu.memory_space<vmem>>
        %dma_start3A_226 = arith.constant 0 : i32
        %dma_start3A_227 = arith.constant 0 : i32
        %dma_start3A_228 = tpu.memref_slice %arg14[%dma_start3A_226, %dma_start3A_227] : memref<10000x64xf32, #tpu.memory_space<vmem_shared>> -> memref<10000x64xf32, #tpu.memory_space<vmem_shared>>
        tpu.enqueue_indirect_dma source(%arg12 : memref<125x64xf32, #tpu.memory_space<vmem>>) target(%dma_start3A_228 : memref<10000x64xf32, #tpu.memory_space<vmem_shared>>) offsets(%dma_start3A_225 : memref<125xi32, #tpu.memory_space<vmem>>) semaphore(%arg23 : memref<!tpu.dma_semaphore, #tpu.memory_space<semaphore_mem>>) {add = true}
        %add3A_229 = arith.constant 4 : i32
        %add3A_230 = arith.addi %mul3A_165, %add3A_229 : i32
        %dma_wait3A_231 = arith.constant 0 : i32
        %dma_wait3A_232 = tpu.memref_slice %arg7[%add3A_230, %dma_wait3A_231] : memref<160x125xi32, #tpu.memory_space<vmem>> -> memref<1x125xi32, #tpu.memory_space<vmem>>
        %dma_wait3A_233 = tpu.memref_squeeze %dma_wait3A_232 : memref<1x125xi32, #tpu.memory_space<vmem>> -> memref<125xi32, #tpu.memory_space<vmem>>
        %dma_wait3A_234 = arith.constant 0 : i32
        %dma_wait3A_235 = arith.constant 0 : i32
        %dma_wait3A_236 = tpu.memref_slice %arg3[%dma_wait3A_234, %dma_wait3A_235] : memref<10000x64xf32, #tpu.memory_space<hbm>> -> memref<10000x64xf32, #tpu.memory_space<hbm>>
        tpu.wait_indirect_dma semaphore(%arg19 : memref<!tpu.dma_semaphore, #tpu.memory_space<semaphore_mem>>) src(%dma_wait3A_236 : memref<10000x64xf32, #tpu.memory_space<hbm>>) dst(%arg13 : memref<125x64xf32, #tpu.memory_space<vmem>>)
        %add3A_237 = arith.constant 4 : i32
        %add3A_238 = arith.addi %mul3A_165, %add3A_237 : i32
        %dma_start3A_239 = arith.constant 0 : i32
        %dma_start3A_240 = tpu.memref_slice %arg8[%add3A_238, %dma_start3A_239] : memref<160x125xi32, #tpu.memory_space<vmem>> -> memref<1x125xi32, #tpu.memory_space<vmem>>
        %dma_start3A_241 = tpu.memref_squeeze %dma_start3A_240 : memref<1x125xi32, #tpu.memory_space<vmem>> -> memref<125xi32, #tpu.memory_space<vmem>>
        %dma_start3A_242 = arith.constant 0 : i32
        %dma_start3A_243 = arith.constant 0 : i32
        %dma_start3A_244 = tpu.memref_slice %arg14[%dma_start3A_242, %dma_start3A_243] : memref<10000x64xf32, #tpu.memory_space<vmem_shared>> -> memref<10000x64xf32, #tpu.memory_space<vmem_shared>>
        tpu.enqueue_indirect_dma source(%arg13 : memref<125x64xf32, #tpu.memory_space<vmem>>) target(%dma_start3A_244 : memref<10000x64xf32, #tpu.memory_space<vmem_shared>>) offsets(%dma_start3A_241 : memref<125xi32, #tpu.memory_space<vmem>>) semaphore(%arg24 : memref<!tpu.dma_semaphore, #tpu.memory_space<semaphore_mem>>) {add = true}
        %add3A_245 = arith.constant 5 : i32
        %add3A_246 = arith.addi %mul3A_165, %add3A_245 : i32
        %add3A_247 = arith.constant 0 : i32
        %add3A_248 = arith.addi %add3A_246, %add3A_247 : i32
        %lt3A = arith.constant 160 : i32
        %lt3A_249 = arith.cmpi slt, %add3A_248, %lt3A : i32
        %convert_element_type3A_250 = arith.extui %lt3A_249 : i1 to i32
        %cond3A_251 = arith.constant 0 : i32
        %cond3A_252 = arith.cmpi ne, %convert_element_type3A_250, %cond3A_251 : i32
        scf.if %cond3A_252 {
          %add3A_290 = arith.constant 0 : i32
          %add3A_291 = arith.addi %mul3A_165, %add3A_290 : i32
          %dma_wait3A_292 = arith.constant 0 : i32
          %dma_wait3A_293 = tpu.memref_slice %arg8[%add3A_291, %dma_wait3A_292] : memref<160x125xi32, #tpu.memory_space<vmem>> -> memref<1x125xi32, #tpu.memory_space<vmem>>
          %dma_wait3A_294 = tpu.memref_squeeze %dma_wait3A_293 : memref<1x125xi32, #tpu.memory_space<vmem>> -> memref<125xi32, #tpu.memory_space<vmem>>
          %dma_wait3A_295 = arith.constant 0 : i32
          %dma_wait3A_296 = arith.constant 0 : i32
          %dma_wait3A_297 = tpu.memref_slice %arg14[%dma_wait3A_295, %dma_wait3A_296] : memref<10000x64xf32, #tpu.memory_space<vmem_shared>> -> memref<10000x64xf32, #tpu.memory_space<vmem_shared>>
          tpu.wait_indirect_dma semaphore(%arg20 : memref<!tpu.dma_semaphore, #tpu.memory_space<semaphore_mem>>) src(%arg9 : memref<125x64xf32, #tpu.memory_space<vmem>>) dst(%dma_wait3A_297 : memref<10000x64xf32, #tpu.memory_space<vmem_shared>>)
          %dma_start3A_298 = arith.constant 0 : i32
          %dma_start3A_299 = tpu.memref_slice %arg7[%add3A_248, %dma_start3A_298] : memref<160x125xi32, #tpu.memory_space<vmem>> -> memref<1x125xi32, #tpu.memory_space<vmem>>
          %dma_start3A_300 = tpu.memref_squeeze %dma_start3A_299 : memref<1x125xi32, #tpu.memory_space<vmem>> -> memref<125xi32, #tpu.memory_space<vmem>>
          %dma_start3A_301 = arith.constant 0 : i32
          %dma_start3A_302 = arith.constant 0 : i32
          %dma_start3A_303 = tpu.memref_slice %arg3[%dma_start3A_301, %dma_start3A_302] : memref<10000x64xf32, #tpu.memory_space<hbm>> -> memref<10000x64xf32, #tpu.memory_space<hbm>>
          tpu.enqueue_indirect_dma source(%dma_start3A_303 : memref<10000x64xf32, #tpu.memory_space<hbm>>) target(%arg9 : memref<125x64xf32, #tpu.memory_space<vmem>>) offsets(%dma_start3A_300 : memref<125xi32, #tpu.memory_space<vmem>>) semaphore(%arg15 : memref<!tpu.dma_semaphore, #tpu.memory_space<semaphore_mem>>)
        } else {
        }
        %add3A_253 = arith.constant 5 : i32
        %add3A_254 = arith.addi %mul3A_165, %add3A_253 : i32
        %add3A_255 = arith.constant 1 : i32
        %add3A_256 = arith.addi %add3A_254, %add3A_255 : i32
        %lt3A_257 = arith.constant 160 : i32
        %lt3A_258 = arith.cmpi slt, %add3A_256, %lt3A_257 : i32
        %convert_element_type3A_259 = arith.extui %lt3A_258 : i1 to i32
        %cond3A_260 = arith.constant 0 : i32
        %cond3A_261 = arith.cmpi ne, %convert_element_type3A_259, %cond3A_260 : i32
        scf.if %cond3A_261 {
          %add3A_290 = arith.constant 1 : i32
          %add3A_291 = arith.addi %mul3A_165, %add3A_290 : i32
          %dma_wait3A_292 = arith.constant 0 : i32
          %dma_wait3A_293 = tpu.memref_slice %arg8[%add3A_291, %dma_wait3A_292] : memref<160x125xi32, #tpu.memory_space<vmem>> -> memref<1x125xi32, #tpu.memory_space<vmem>>
          %dma_wait3A_294 = tpu.memref_squeeze %dma_wait3A_293 : memref<1x125xi32, #tpu.memory_space<vmem>> -> memref<125xi32, #tpu.memory_space<vmem>>
          %dma_wait3A_295 = arith.constant 0 : i32
          %dma_wait3A_296 = arith.constant 0 : i32
          %dma_wait3A_297 = tpu.memref_slice %arg14[%dma_wait3A_295, %dma_wait3A_296] : memref<10000x64xf32, #tpu.memory_space<vmem_shared>> -> memref<10000x64xf32, #tpu.memory_space<vmem_shared>>
          tpu.wait_indirect_dma semaphore(%arg21 : memref<!tpu.dma_semaphore, #tpu.memory_space<semaphore_mem>>) src(%arg10 : memref<125x64xf32, #tpu.memory_space<vmem>>) dst(%dma_wait3A_297 : memref<10000x64xf32, #tpu.memory_space<vmem_shared>>)
          %dma_start3A_298 = arith.constant 0 : i32
          %dma_start3A_299 = tpu.memref_slice %arg7[%add3A_256, %dma_start3A_298] : memref<160x125xi32, #tpu.memory_space<vmem>> -> memref<1x125xi32, #tpu.memory_space<vmem>>
          %dma_start3A_300 = tpu.memref_squeeze %dma_start3A_299 : memref<1x125xi32, #tpu.memory_space<vmem>> -> memref<125xi32, #tpu.memory_space<vmem>>
          %dma_start3A_301 = arith.constant 0 : i32
          %dma_start3A_302 = arith.constant 0 : i32
          %dma_start3A_303 = tpu.memref_slice %arg3[%dma_start3A_301, %dma_start3A_302] : memref<10000x64xf32, #tpu.memory_space<hbm>> -> memref<10000x64xf32, #tpu.memory_space<hbm>>
          tpu.enqueue_indirect_dma source(%dma_start3A_303 : memref<10000x64xf32, #tpu.memory_space<hbm>>) target(%arg10 : memref<125x64xf32, #tpu.memory_space<vmem>>) offsets(%dma_start3A_300 : memref<125xi32, #tpu.memory_space<vmem>>) semaphore(%arg16 : memref<!tpu.dma_semaphore, #tpu.memory_space<semaphore_mem>>)
        } else {
        }
        %add3A_262 = arith.constant 5 : i32
        %add3A_263 = arith.addi %mul3A_165, %add3A_262 : i32
        %add3A_264 = arith.constant 2 : i32
        %add3A_265 = arith.addi %add3A_263, %add3A_264 : i32
        %lt3A_266 = arith.constant 160 : i32
        %lt3A_267 = arith.cmpi slt, %add3A_265, %lt3A_266 : i32
        %convert_element_type3A_268 = arith.extui %lt3A_267 : i1 to i32
        %cond3A_269 = arith.constant 0 : i32
        %cond3A_270 = arith.cmpi ne, %convert_element_type3A_268, %cond3A_269 : i32
        scf.if %cond3A_270 {
          %add3A_290 = arith.constant 2 : i32
          %add3A_291 = arith.addi %mul3A_165, %add3A_290 : i32
          %dma_wait3A_292 = arith.constant 0 : i32
          %dma_wait3A_293 = tpu.memref_slice %arg8[%add3A_291, %dma_wait3A_292] : memref<160x125xi32, #tpu.memory_space<vmem>> -> memref<1x125xi32, #tpu.memory_space<vmem>>
          %dma_wait3A_294 = tpu.memref_squeeze %dma_wait3A_293 : memref<1x125xi32, #tpu.memory_space<vmem>> -> memref<125xi32, #tpu.memory_space<vmem>>
          %dma_wait3A_295 = arith.constant 0 : i32
          %dma_wait3A_296 = arith.constant 0 : i32
          %dma_wait3A_297 = tpu.memref_slice %arg14[%dma_wait3A_295, %dma_wait3A_296] : memref<10000x64xf32, #tpu.memory_space<vmem_shared>> -> memref<10000x64xf32, #tpu.memory_space<vmem_shared>>
          tpu.wait_indirect_dma semaphore(%arg22 : memref<!tpu.dma_semaphore, #tpu.memory_space<semaphore_mem>>) src(%arg11 : memref<125x64xf32, #tpu.memory_space<vmem>>) dst(%dma_wait3A_297 : memref<10000x64xf32, #tpu.memory_space<vmem_shared>>)
          %dma_start3A_298 = arith.constant 0 : i32
          %dma_start3A_299 = tpu.memref_slice %arg7[%add3A_265, %dma_start3A_298] : memref<160x125xi32, #tpu.memory_space<vmem>> -> memref<1x125xi32, #tpu.memory_space<vmem>>
          %dma_start3A_300 = tpu.memref_squeeze %dma_start3A_299 : memref<1x125xi32, #tpu.memory_space<vmem>> -> memref<125xi32, #tpu.memory_space<vmem>>
          %dma_start3A_301 = arith.constant 0 : i32
          %dma_start3A_302 = arith.constant 0 : i32
          %dma_start3A_303 = tpu.memref_slice %arg3[%dma_start3A_301, %dma_start3A_302] : memref<10000x64xf32, #tpu.memory_space<hbm>> -> memref<10000x64xf32, #tpu.memory_space<hbm>>
          tpu.enqueue_indirect_dma source(%dma_start3A_303 : memref<10000x64xf32, #tpu.memory_space<hbm>>) target(%arg11 : memref<125x64xf32, #tpu.memory_space<vmem>>) offsets(%dma_start3A_300 : memref<125xi32, #tpu.memory_space<vmem>>) semaphore(%arg17 : memref<!tpu.dma_semaphore, #tpu.memory_space<semaphore_mem>>)
        } else {
        }
        %add3A_271 = arith.constant 5 : i32
        %add3A_272 = arith.addi %mul3A_165, %add3A_271 : i32
        %add3A_273 = arith.constant 3 : i32
        %add3A_274 = arith.addi %add3A_272, %add3A_273 : i32
        %lt3A_275 = arith.constant 160 : i32
        %lt3A_276 = arith.cmpi slt, %add3A_274, %lt3A_275 : i32
        %convert_element_type3A_277 = arith.extui %lt3A_276 : i1 to i32
        %cond3A_278 = arith.constant 0 : i32
        %cond3A_279 = arith.cmpi ne, %convert_element_type3A_277, %cond3A_278 : i32
        scf.if %cond3A_279 {
          %add3A_290 = arith.constant 3 : i32
          %add3A_291 = arith.addi %mul3A_165, %add3A_290 : i32
          %dma_wait3A_292 = arith.constant 0 : i32
          %dma_wait3A_293 = tpu.memref_slice %arg8[%add3A_291, %dma_wait3A_292] : memref<160x125xi32, #tpu.memory_space<vmem>> -> memref<1x125xi32, #tpu.memory_space<vmem>>
          %dma_wait3A_294 = tpu.memref_squeeze %dma_wait3A_293 : memref<1x125xi32, #tpu.memory_space<vmem>> -> memref<125xi32, #tpu.memory_space<vmem>>
          %dma_wait3A_295 = arith.constant 0 : i32
          %dma_wait3A_296 = arith.constant 0 : i32
          %dma_wait3A_297 = tpu.memref_slice %arg14[%dma_wait3A_295, %dma_wait3A_296] : memref<10000x64xf32, #tpu.memory_space<vmem_shared>> -> memref<10000x64xf32, #tpu.memory_space<vmem_shared>>
          tpu.wait_indirect_dma semaphore(%arg23 : memref<!tpu.dma_semaphore, #tpu.memory_space<semaphore_mem>>) src(%arg12 : memref<125x64xf32, #tpu.memory_space<vmem>>) dst(%dma_wait3A_297 : memref<10000x64xf32, #tpu.memory_space<vmem_shared>>)
          %dma_start3A_298 = arith.constant 0 : i32
          %dma_start3A_299 = tpu.memref_slice %arg7[%add3A_274, %dma_start3A_298] : memref<160x125xi32, #tpu.memory_space<vmem>> -> memref<1x125xi32, #tpu.memory_space<vmem>>
          %dma_start3A_300 = tpu.memref_squeeze %dma_start3A_299 : memref<1x125xi32, #tpu.memory_space<vmem>> -> memref<125xi32, #tpu.memory_space<vmem>>
          %dma_start3A_301 = arith.constant 0 : i32
          %dma_start3A_302 = arith.constant 0 : i32
          %dma_start3A_303 = tpu.memref_slice %arg3[%dma_start3A_301, %dma_start3A_302] : memref<10000x64xf32, #tpu.memory_space<hbm>> -> memref<10000x64xf32, #tpu.memory_space<hbm>>
          tpu.enqueue_indirect_dma source(%dma_start3A_303 : memref<10000x64xf32, #tpu.memory_space<hbm>>) target(%arg12 : memref<125x64xf32, #tpu.memory_space<vmem>>) offsets(%dma_start3A_300 : memref<125xi32, #tpu.memory_space<vmem>>) semaphore(%arg18 : memref<!tpu.dma_semaphore, #tpu.memory_space<semaphore_mem>>)
        } else {
        }
        %add3A_280 = arith.constant 5 : i32
        %add3A_281 = arith.addi %mul3A_165, %add3A_280 : i32
        %add3A_282 = arith.constant 4 : i32
        %add3A_283 = arith.addi %add3A_281, %add3A_282 : i32
        %lt3A_284 = arith.constant 160 : i32
        %lt3A_285 = arith.cmpi slt, %add3A_283, %lt3A_284 : i32
        %convert_element_type3A_286 = arith.extui %lt3A_285 : i1 to i32
        %cond3A_287 = arith.constant 0 : i32
        %cond3A_288 = arith.cmpi ne, %convert_element_type3A_286, %cond3A_287 : i32
        scf.if %cond3A_288 {
          %add3A_290 = arith.constant 4 : i32
          %add3A_291 = arith.addi %mul3A_165, %add3A_290 : i32
          %dma_wait3A_292 = arith.constant 0 : i32
          %dma_wait3A_293 = tpu.memref_slice %arg8[%add3A_291, %dma_wait3A_292] : memref<160x125xi32, #tpu.memory_space<vmem>> -> memref<1x125xi32, #tpu.memory_space<vmem>>
          %dma_wait3A_294 = tpu.memref_squeeze %dma_wait3A_293 : memref<1x125xi32, #tpu.memory_space<vmem>> -> memref<125xi32, #tpu.memory_space<vmem>>
          %dma_wait3A_295 = arith.constant 0 : i32
          %dma_wait3A_296 = arith.constant 0 : i32
          %dma_wait3A_297 = tpu.memref_slice %arg14[%dma_wait3A_295, %dma_wait3A_296] : memref<10000x64xf32, #tpu.memory_space<vmem_shared>> -> memref<10000x64xf32, #tpu.memory_space<vmem_shared>>
          tpu.wait_indirect_dma semaphore(%arg24 : memref<!tpu.dma_semaphore, #tpu.memory_space<semaphore_mem>>) src(%arg13 : memref<125x64xf32, #tpu.memory_space<vmem>>) dst(%dma_wait3A_297 : memref<10000x64xf32, #tpu.memory_space<vmem_shared>>)
          %dma_start3A_298 = arith.constant 0 : i32
          %dma_start3A_299 = tpu.memref_slice %arg7[%add3A_283, %dma_start3A_298] : memref<160x125xi32, #tpu.memory_space<vmem>> -> memref<1x125xi32, #tpu.memory_space<vmem>>
          %dma_start3A_300 = tpu.memref_squeeze %dma_start3A_299 : memref<1x125xi32, #tpu.memory_space<vmem>> -> memref<125xi32, #tpu.memory_space<vmem>>
          %dma_start3A_301 = arith.constant 0 : i32
          %dma_start3A_302 = arith.constant 0 : i32
          %dma_start3A_303 = tpu.memref_slice %arg3[%dma_start3A_301, %dma_start3A_302] : memref<10000x64xf32, #tpu.memory_space<hbm>> -> memref<10000x64xf32, #tpu.memory_space<hbm>>
          tpu.enqueue_indirect_dma source(%dma_start3A_303 : memref<10000x64xf32, #tpu.memory_space<hbm>>) target(%arg13 : memref<125x64xf32, #tpu.memory_space<vmem>>) offsets(%dma_start3A_300 : memref<125xi32, #tpu.memory_space<vmem>>) semaphore(%arg19 : memref<!tpu.dma_semaphore, #tpu.memory_space<semaphore_mem>>)
        } else {
        }
        %scan3A_289 = arith.constant 0 : i32
        scf.yield %scan3A_289 : i32
      }
      %scan3A_126 = arith.constant 32 : i32
      %dma_wait3A_127 = arith.constant 155 : i32
      %dma_wait3A_128 = arith.constant 0 : i32
      %dma_wait3A_129 = tpu.memref_slice %arg8[%dma_wait3A_127, %dma_wait3A_128] : memref<160x125xi32, #tpu.memory_space<vmem>> -> memref<1x125xi32, #tpu.memory_space<vmem>>
      %dma_wait3A_130 = tpu.memref_squeeze %dma_wait3A_129 : memref<1x125xi32, #tpu.memory_space<vmem>> -> memref<125xi32, #tpu.memory_space<vmem>>
      %dma_wait3A_131 = arith.constant 0 : i32
      %dma_wait3A_132 = arith.constant 0 : i32
      %dma_wait3A_133 = tpu.memref_slice %arg14[%dma_wait3A_131, %dma_wait3A_132] : memref<10000x64xf32, #tpu.memory_space<vmem_shared>> -> memref<10000x64xf32, #tpu.memory_space<vmem_shared>>
      tpu.wait_indirect_dma semaphore(%arg20 : memref<!tpu.dma_semaphore, #tpu.memory_space<semaphore_mem>>) src(%arg9 : memref<125x64xf32, #tpu.memory_space<vmem>>) dst(%dma_wait3A_133 : memref<10000x64xf32, #tpu.memory_space<vmem_shared>>)
      %dma_wait3A_134 = arith.constant 156 : i32
      %dma_wait3A_135 = arith.constant 0 : i32
      %dma_wait3A_136 = tpu.memref_slice %arg8[%dma_wait3A_134, %dma_wait3A_135] : memref<160x125xi32, #tpu.memory_space<vmem>> -> memref<1x125xi32, #tpu.memory_space<vmem>>
      %dma_wait3A_137 = tpu.memref_squeeze %dma_wait3A_136 : memref<1x125xi32, #tpu.memory_space<vmem>> -> memref<125xi32, #tpu.memory_space<vmem>>
      %dma_wait3A_138 = arith.constant 0 : i32
      %dma_wait3A_139 = arith.constant 0 : i32
      %dma_wait3A_140 = tpu.memref_slice %arg14[%dma_wait3A_138, %dma_wait3A_139] : memref<10000x64xf32, #tpu.memory_space<vmem_shared>> -> memref<10000x64xf32, #tpu.memory_space<vmem_shared>>
      tpu.wait_indirect_dma semaphore(%arg21 : memref<!tpu.dma_semaphore, #tpu.memory_space<semaphore_mem>>) src(%arg10 : memref<125x64xf32, #tpu.memory_space<vmem>>) dst(%dma_wait3A_140 : memref<10000x64xf32, #tpu.memory_space<vmem_shared>>)
      %dma_wait3A_141 = arith.constant 157 : i32
      %dma_wait3A_142 = arith.constant 0 : i32
      %dma_wait3A_143 = tpu.memref_slice %arg8[%dma_wait3A_141, %dma_wait3A_142] : memref<160x125xi32, #tpu.memory_space<vmem>> -> memref<1x125xi32, #tpu.memory_space<vmem>>
      %dma_wait3A_144 = tpu.memref_squeeze %dma_wait3A_143 : memref<1x125xi32, #tpu.memory_space<vmem>> -> memref<125xi32, #tpu.memory_space<vmem>>
      %dma_wait3A_145 = arith.constant 0 : i32
      %dma_wait3A_146 = arith.constant 0 : i32
      %dma_wait3A_147 = tpu.memref_slice %arg14[%dma_wait3A_145, %dma_wait3A_146] : memref<10000x64xf32, #tpu.memory_space<vmem_shared>> -> memref<10000x64xf32, #tpu.memory_space<vmem_shared>>
      tpu.wait_indirect_dma semaphore(%arg22 : memref<!tpu.dma_semaphore, #tpu.memory_space<semaphore_mem>>) src(%arg11 : memref<125x64xf32, #tpu.memory_space<vmem>>) dst(%dma_wait3A_147 : memref<10000x64xf32, #tpu.memory_space<vmem_shared>>)
      %dma_wait3A_148 = arith.constant 158 : i32
      %dma_wait3A_149 = arith.constant 0 : i32
      %dma_wait3A_150 = tpu.memref_slice %arg8[%dma_wait3A_148, %dma_wait3A_149] : memref<160x125xi32, #tpu.memory_space<vmem>> -> memref<1x125xi32, #tpu.memory_space<vmem>>
      %dma_wait3A_151 = tpu.memref_squeeze %dma_wait3A_150 : memref<1x125xi32, #tpu.memory_space<vmem>> -> memref<125xi32, #tpu.memory_space<vmem>>
      %dma_wait3A_152 = arith.constant 0 : i32
      %dma_wait3A_153 = arith.constant 0 : i32
      %dma_wait3A_154 = tpu.memref_slice %arg14[%dma_wait3A_152, %dma_wait3A_153] : memref<10000x64xf32, #tpu.memory_space<vmem_shared>> -> memref<10000x64xf32, #tpu.memory_space<vmem_shared>>
      tpu.wait_indirect_dma semaphore(%arg23 : memref<!tpu.dma_semaphore, #tpu.memory_space<semaphore_mem>>) src(%arg12 : memref<125x64xf32, #tpu.memory_space<vmem>>) dst(%dma_wait3A_154 : memref<10000x64xf32, #tpu.memory_space<vmem_shared>>)
      %dma_wait3A_155 = arith.constant 159 : i32
      %dma_wait3A_156 = arith.constant 0 : i32
      %dma_wait3A_157 = tpu.memref_slice %arg8[%dma_wait3A_155, %dma_wait3A_156] : memref<160x125xi32, #tpu.memory_space<vmem>> -> memref<1x125xi32, #tpu.memory_space<vmem>>
      %dma_wait3A_158 = tpu.memref_squeeze %dma_wait3A_157 : memref<1x125xi32, #tpu.memory_space<vmem>> -> memref<125xi32, #tpu.memory_space<vmem>>
      %dma_wait3A_159 = arith.constant 0 : i32
      %dma_wait3A_160 = arith.constant 0 : i32
      %dma_wait3A_161 = tpu.memref_slice %arg14[%dma_wait3A_159, %dma_wait3A_160] : memref<10000x64xf32, #tpu.memory_space<vmem_shared>> -> memref<10000x64xf32, #tpu.memory_space<vmem_shared>>
      tpu.wait_indirect_dma semaphore(%arg24 : memref<!tpu.dma_semaphore, #tpu.memory_space<semaphore_mem>>) src(%arg13 : memref<125x64xf32, #tpu.memory_space<vmem>>) dst(%dma_wait3A_161 : memref<10000x64xf32, #tpu.memory_space<vmem_shared>>)
    } else {
    }
    %barrier3A_74 = arith.constant 0 : index
    tpu.barrier barrier_id(%barrier3A_74)
    %eq3A_75 = arith.constant 0 : i32
    %eq3A_76 = arith.cmpi eq, %arg0, %eq3A_75 : i32
    %convert_element_type3A_77 = arith.extui %eq3A_76 : i1 to i32
    %cond3A_78 = arith.constant 0 : i32
    %cond3A_79 = arith.cmpi ne, %convert_element_type3A_77, %cond3A_78 : i32
    scf.if %cond3A_79 {
      %lt3A = arith.constant 15 : i32
      %lt3A_85 = arith.cmpi slt, %arg1, %lt3A : i32
      %convert_element_type3A_86 = arith.extui %lt3A_85 : i1 to i32
      %cond3A_87 = arith.constant 0 : i32
      %cond3A_88 = arith.cmpi ne, %convert_element_type3A_86, %cond3A_87 : i32
      scf.if %cond3A_88 {
        "tpu.region"() ({
          %run_scoped3A = tpu.sem_alloc : memref<!tpu.dma_semaphore, #tpu.memory_space<semaphore_mem>>
          %dma_start3A_94 = arith.constant 0 : i32
          %dma_start3A_95 = tpu.memref_slice %arg5[%mul3A_23, %dma_start3A_94] : memref<10000x64xf32, #tpu.memory_space<hbm>> -> memref<624x64xf32, #tpu.memory_space<hbm>>
          %dma_start3A_96 = arith.constant 0 : i32
          %dma_start3A_97 = tpu.memref_slice %arg14[%mul3A_23, %dma_start3A_96] : memref<10000x64xf32, #tpu.memory_space<vmem_shared>> -> memref<624x64xf32, #tpu.memory_space<vmem_shared>>
          tpu.enqueue_dma source(%dma_start3A_97 : memref<624x64xf32, #tpu.memory_space<vmem_shared>>) target(%dma_start3A_95 : memref<624x64xf32, #tpu.memory_space<hbm>>) target_semaphore(%run_scoped3A : memref<!tpu.dma_semaphore, #tpu.memory_space<semaphore_mem>>)
          %dma_wait3A_98 = arith.constant 0 : i32
          %dma_wait3A_99 = tpu.memref_slice %arg5[%mul3A_23, %dma_wait3A_98] : memref<10000x64xf32, #tpu.memory_space<hbm>> -> memref<624x64xf32, #tpu.memory_space<hbm>>
          %dma_wait3A_100 = arith.constant 0 : i32
          %dma_wait3A_101 = tpu.memref_slice %arg14[%mul3A_23, %dma_wait3A_100] : memref<10000x64xf32, #tpu.memory_space<vmem_shared>> -> memref<624x64xf32, #tpu.memory_space<vmem_shared>>
          tpu.wait_dma2 semaphore(%run_scoped3A : memref<!tpu.dma_semaphore, #tpu.memory_space<semaphore_mem>>) src(%dma_wait3A_101 : memref<624x64xf32, #tpu.memory_space<vmem_shared>>) dst(%dma_wait3A_99 : memref<624x64xf32, #tpu.memory_space<hbm>>)
          tpu.yield
        }) : () -> ()
      } else {
      }
      %eq3A_89 = arith.constant 15 : i32
      %eq3A_90 = arith.cmpi eq, %arg1, %eq3A_89 : i32
      %convert_element_type3A_91 = arith.extui %eq3A_90 : i1 to i32
      %cond3A_92 = arith.constant 0 : i32
      %cond3A_93 = arith.cmpi ne, %convert_element_type3A_91, %cond3A_92 : i32
      scf.if %cond3A_93 {
        "tpu.region"() ({
          %run_scoped3A = tpu.sem_alloc : memref<!tpu.dma_semaphore, #tpu.memory_space<semaphore_mem>>
          %dma_start3A_94 = arith.constant 9360 : i32
          %dma_start3A_95 = arith.constant 0 : i32
          %dma_start3A_96 = tpu.memref_slice %arg5[%dma_start3A_94, %dma_start3A_95] : memref<10000x64xf32, #tpu.memory_space<hbm>> -> memref<640x64xf32, #tpu.memory_space<hbm>>
          %dma_start3A_97 = arith.constant 9360 : i32
          %dma_start3A_98 = arith.constant 0 : i32
          %dma_start3A_99 = tpu.memref_slice %arg14[%dma_start3A_97, %dma_start3A_98] : memref<10000x64xf32, #tpu.memory_space<vmem_shared>> -> memref<640x64xf32, #tpu.memory_space<vmem_shared>>
          tpu.enqueue_dma source(%dma_start3A_99 : memref<640x64xf32, #tpu.memory_space<vmem_shared>>) target(%dma_start3A_96 : memref<640x64xf32, #tpu.memory_space<hbm>>) target_semaphore(%run_scoped3A : memref<!tpu.dma_semaphore, #tpu.memory_space<semaphore_mem>>)
          %dma_wait3A_100 = arith.constant 9360 : i32
          %dma_wait3A_101 = arith.constant 0 : i32
          %dma_wait3A_102 = tpu.memref_slice %arg5[%dma_wait3A_100, %dma_wait3A_101] : memref<10000x64xf32, #tpu.memory_space<hbm>> -> memref<640x64xf32, #tpu.memory_space<hbm>>
          %dma_wait3A_103 = arith.constant 9360 : i32
          %dma_wait3A_104 = arith.constant 0 : i32
          %dma_wait3A_105 = tpu.memref_slice %arg14[%dma_wait3A_103, %dma_wait3A_104] : memref<10000x64xf32, #tpu.memory_space<vmem_shared>> -> memref<640x64xf32, #tpu.memory_space<vmem_shared>>
          tpu.wait_dma2 semaphore(%run_scoped3A : memref<!tpu.dma_semaphore, #tpu.memory_space<semaphore_mem>>) src(%dma_wait3A_105 : memref<640x64xf32, #tpu.memory_space<vmem_shared>>) dst(%dma_wait3A_102 : memref<640x64xf32, #tpu.memory_space<hbm>>)
          tpu.yield
        }) : () -> ()
      } else {
      }
    } else {
    }
    %eq3A_80 = arith.constant 1 : i32
    %eq3A_81 = arith.cmpi eq, %arg0, %eq3A_80 : i32
    %convert_element_type3A_82 = arith.extui %eq3A_81 : i1 to i32
    %cond3A_83 = arith.constant 0 : i32
    %cond3A_84 = arith.cmpi ne, %convert_element_type3A_82, %cond3A_83 : i32
    scf.if %cond3A_84 {
      %lt3A = arith.constant 15 : i32
      %lt3A_85 = arith.cmpi slt, %arg1, %lt3A : i32
      %convert_element_type3A_86 = arith.extui %lt3A_85 : i1 to i32
      %cond3A_87 = arith.constant 0 : i32
      %cond3A_88 = arith.cmpi ne, %convert_element_type3A_86, %cond3A_87 : i32
      scf.if %cond3A_88 {
        "tpu.region"() ({
          %run_scoped3A = tpu.sem_alloc : memref<!tpu.dma_semaphore, #tpu.memory_space<semaphore_mem>>
          %dma_start3A_94 = arith.constant 0 : i32
          %dma_start3A_95 = tpu.memref_slice %arg6[%mul3A_23, %dma_start3A_94] : memref<10000x64xf32, #tpu.memory_space<hbm>> -> memref<624x64xf32, #tpu.memory_space<hbm>>
          %dma_start3A_96 = arith.constant 0 : i32
          %dma_start3A_97 = tpu.memref_slice %arg14[%mul3A_23, %dma_start3A_96] : memref<10000x64xf32, #tpu.memory_space<vmem_shared>> -> memref<624x64xf32, #tpu.memory_space<vmem_shared>>
          tpu.enqueue_dma source(%dma_start3A_97 : memref<624x64xf32, #tpu.memory_space<vmem_shared>>) target(%dma_start3A_95 : memref<624x64xf32, #tpu.memory_space<hbm>>) target_semaphore(%run_scoped3A : memref<!tpu.dma_semaphore, #tpu.memory_space<semaphore_mem>>)
          %dma_wait3A_98 = arith.constant 0 : i32
          %dma_wait3A_99 = tpu.memref_slice %arg6[%mul3A_23, %dma_wait3A_98] : memref<10000x64xf32, #tpu.memory_space<hbm>> -> memref<624x64xf32, #tpu.memory_space<hbm>>
          %dma_wait3A_100 = arith.constant 0 : i32
          %dma_wait3A_101 = tpu.memref_slice %arg14[%mul3A_23, %dma_wait3A_100] : memref<10000x64xf32, #tpu.memory_space<vmem_shared>> -> memref<624x64xf32, #tpu.memory_space<vmem_shared>>
          tpu.wait_dma2 semaphore(%run_scoped3A : memref<!tpu.dma_semaphore, #tpu.memory_space<semaphore_mem>>) src(%dma_wait3A_101 : memref<624x64xf32, #tpu.memory_space<vmem_shared>>) dst(%dma_wait3A_99 : memref<624x64xf32, #tpu.memory_space<hbm>>)
          tpu.yield
        }) : () -> ()
      } else {
      }
      %eq3A_89 = arith.constant 15 : i32
      %eq3A_90 = arith.cmpi eq, %arg1, %eq3A_89 : i32
      %convert_element_type3A_91 = arith.extui %eq3A_90 : i1 to i32
      %cond3A_92 = arith.constant 0 : i32
      %cond3A_93 = arith.cmpi ne, %convert_element_type3A_91, %cond3A_92 : i32
      scf.if %cond3A_93 {
        "tpu.region"() ({
          %run_scoped3A = tpu.sem_alloc : memref<!tpu.dma_semaphore, #tpu.memory_space<semaphore_mem>>
          %dma_start3A_94 = arith.constant 9360 : i32
          %dma_start3A_95 = arith.constant 0 : i32
          %dma_start3A_96 = tpu.memref_slice %arg6[%dma_start3A_94, %dma_start3A_95] : memref<10000x64xf32, #tpu.memory_space<hbm>> -> memref<640x64xf32, #tpu.memory_space<hbm>>
          %dma_start3A_97 = arith.constant 9360 : i32
          %dma_start3A_98 = arith.constant 0 : i32
          %dma_start3A_99 = tpu.memref_slice %arg14[%dma_start3A_97, %dma_start3A_98] : memref<10000x64xf32, #tpu.memory_space<vmem_shared>> -> memref<640x64xf32, #tpu.memory_space<vmem_shared>>
          tpu.enqueue_dma source(%dma_start3A_99 : memref<640x64xf32, #tpu.memory_space<vmem_shared>>) target(%dma_start3A_96 : memref<640x64xf32, #tpu.memory_space<hbm>>) target_semaphore(%run_scoped3A : memref<!tpu.dma_semaphore, #tpu.memory_space<semaphore_mem>>)
          %dma_wait3A_100 = arith.constant 9360 : i32
          %dma_wait3A_101 = arith.constant 0 : i32
          %dma_wait3A_102 = tpu.memref_slice %arg6[%dma_wait3A_100, %dma_wait3A_101] : memref<10000x64xf32, #tpu.memory_space<hbm>> -> memref<640x64xf32, #tpu.memory_space<hbm>>
          %dma_wait3A_103 = arith.constant 9360 : i32
          %dma_wait3A_104 = arith.constant 0 : i32
          %dma_wait3A_105 = tpu.memref_slice %arg14[%dma_wait3A_103, %dma_wait3A_104] : memref<10000x64xf32, #tpu.memory_space<vmem_shared>> -> memref<640x64xf32, #tpu.memory_space<vmem_shared>>
          tpu.wait_dma2 semaphore(%run_scoped3A : memref<!tpu.dma_semaphore, #tpu.memory_space<semaphore_mem>>) src(%dma_wait3A_105 : memref<640x64xf32, #tpu.memory_space<vmem_shared>>) dst(%dma_wait3A_102 : memref<640x64xf32, #tpu.memory_space<hbm>>)
          tpu.yield
        }) : () -> ()
      } else {
      }
    } else {
    }
    return
  }
}

#map = affine_map<(d0, d1) -> (0, 0)>
#map1 = affine_map<(d0, d1) -> (0, 0, 0, 0)>
module attributes {stable_mosaic.version = 14 : i64} {
  func.func @_seg_body(%arg0: i32, %arg1: i32, %arg2: memref<10000x64xf32, #tpu.memory_space<hbm>>, %arg3: memref<10000x64xf32, #tpu.memory_space<hbm>>, %arg4: memref<2x16x160x125xi32, #tpu.memory_space<hbm>>, %arg5: memref<10000x64xf32, #tpu.memory_space<hbm>>, %arg6: memref<10000x64xf32, #tpu.memory_space<hbm>>, %arg7: memref<160x125xi32, #tpu.memory_space<vmem>>, %arg8: memref<160x125xi32, #tpu.memory_space<vmem>>, %arg9: memref<125x64xf32, #tpu.memory_space<vmem>>, %arg10: memref<125x64xf32, #tpu.memory_space<vmem>>, %arg11: memref<125x64xf32, #tpu.memory_space<vmem>>, %arg12: memref<125x64xf32, #tpu.memory_space<vmem>>, %arg13: memref<125x64xf32, #tpu.memory_space<vmem>>, %arg14: memref<10000x64xf32, #tpu.memory_space<vmem_shared>>, %arg15: memref<!tpu.dma_semaphore, #tpu.memory_space<semaphore_mem>>, %arg16: memref<!tpu.dma_semaphore, #tpu.memory_space<semaphore_mem>>, %arg17: memref<!tpu.dma_semaphore, #tpu.memory_space<semaphore_mem>>, %arg18: memref<!tpu.dma_semaphore, #tpu.memory_space<semaphore_mem>>, %arg19: memref<!tpu.dma_semaphore, #tpu.memory_space<semaphore_mem>>, %arg20: memref<!tpu.dma_semaphore, #tpu.memory_space<semaphore_mem>>, %arg21: memref<!tpu.dma_semaphore, #tpu.memory_space<semaphore_mem>>, %arg22: memref<!tpu.dma_semaphore, #tpu.memory_space<semaphore_mem>>, %arg23: memref<!tpu.dma_semaphore, #tpu.memory_space<semaphore_mem>>, %arg24: memref<!tpu.dma_semaphore, #tpu.memory_space<semaphore_mem>>) attributes {dimension_semantics = [#tpu.dimension_semantics<core_parallel>, #tpu.dimension_semantics<subcore_parallel>], iteration_bounds = array<i64: 2, 16>, scalar_prefetch = 0 : i64, scratch_operands = 18 : i64, tpu.core_type = #tpu.core_type<sc_vector_subcore>, window_params = [{transform_indices = #map}, {transform_indices = #map}, {transform_indices = #map1}, {transform_indices = #map}, {transform_indices = #map}]} {
    %dma_start3A = arith.constant 0 : i32
    %dma_start3A_0 = arith.constant 0 : i32
    %dma_start3A_1 = arith.constant 0 : i32
    %dma_start3A_2 = tpu.memref_slice %arg4[%dma_start3A, %arg1, %dma_start3A_0, %dma_start3A_1] : memref<2x16x160x125xi32, #tpu.memory_space<hbm>> -> memref<1x1x160x125xi32, #tpu.memory_space<hbm>>
    %dma_start3A_3 = tpu.memref_squeeze %dma_start3A_2 : memref<1x1x160x125xi32, #tpu.memory_space<hbm>> -> memref<160x125xi32, #tpu.memory_space<hbm>>
    %dma_start3A_4 = arith.constant 0 : i32
    %dma_start3A_5 = arith.constant 0 : i32
    %dma_start3A_6 = tpu.memref_slice %arg4[%dma_start3A, %arg1, %dma_start3A_4, %dma_start3A_5] : memref<2x16x160x125xi32, #tpu.memory_space<hbm>> -> memref<1x1x160x125xi32, #tpu.memory_space<hbm>>
    %dma_start3A_7 = tpu.memref_squeeze %dma_start3A_6 : memref<1x1x160x125xi32, #tpu.memory_space<hbm>> -> memref<160x125xi32, #tpu.memory_space<hbm>>
    tpu.enqueue_dma source(%dma_start3A_7 : memref<160x125xi32, #tpu.memory_space<hbm>>) target(%arg7 : memref<160x125xi32, #tpu.memory_space<vmem>>) target_semaphore(%arg16 : memref<!tpu.dma_semaphore, #tpu.memory_space<semaphore_mem>>)
    %dma_start3A_8 = arith.constant 1 : i32
    %dma_start3A_9 = arith.constant 0 : i32
    %dma_start3A_10 = arith.constant 0 : i32
    %dma_start3A_11 = tpu.memref_slice %arg4[%dma_start3A_8, %arg1, %dma_start3A_9, %dma_start3A_10] : memref<2x16x160x125xi32, #tpu.memory_space<hbm>> -> memref<1x1x160x125xi32, #tpu.memory_space<hbm>>
    %dma_start3A_12 = tpu.memref_squeeze %dma_start3A_11 : memref<1x1x160x125xi32, #tpu.memory_space<hbm>> -> memref<160x125xi32, #tpu.memory_space<hbm>>
    %dma_start3A_13 = arith.constant 0 : i32
    %dma_start3A_14 = arith.constant 0 : i32
    %dma_start3A_15 = tpu.memref_slice %arg4[%dma_start3A_8, %arg1, %dma_start3A_13, %dma_start3A_14] : memref<2x16x160x125xi32, #tpu.memory_space<hbm>> -> memref<1x1x160x125xi32, #tpu.memory_space<hbm>>
    %dma_start3A_16 = tpu.memref_squeeze %dma_start3A_15 : memref<1x1x160x125xi32, #tpu.memory_space<hbm>> -> memref<160x125xi32, #tpu.memory_space<hbm>>
    tpu.enqueue_dma source(%dma_start3A_16 : memref<160x125xi32, #tpu.memory_space<hbm>>) target(%arg8 : memref<160x125xi32, #tpu.memory_space<vmem>>) target_semaphore(%arg17 : memref<!tpu.dma_semaphore, #tpu.memory_space<semaphore_mem>>)
    %scan3A = arith.constant 0 : i32
    %scan3A_17 = arith.constant 0 : i32
    %scan3A_18 = arith.constant 16 : i32
    %scan3A_19 = arith.addi %scan3A_17, %scan3A_18 : i32
    %scan3A_20 = arith.constant 1 : i32
    %scan3A_21 = scf.for %scan3A_85 = %scan3A_17 to %scan3A_19 step %scan3A_20 iter_args(%scan3A_86 = %scan3A) -> (i32)  : i32 {
      %scan3A_87 = arith.constant 0 : i32
      %scan3A_88 = arith.constant 0 : i32
      %scan3A_89 = arith.constant 4 : i32
      %scan3A_90 = arith.addi %scan3A_88, %scan3A_89 : i32
      %scan3A_91 = arith.constant 1 : i32
      %scan3A_92 = scf.for %scan3A_94 = %scan3A_88 to %scan3A_90 step %scan3A_91 iter_args(%scan3A_95 = %scan3A_87) -> (i32)  : i32 {
        %broadcast_in_dim3A = arith.constant 0.000000e+00 : f32
        %broadcast_in_dim3A_96 = vector.broadcast %broadcast_in_dim3A : f32 to vector<16xf32>
        %mul3A_97 = arith.constant 16 : i32
        %mul3A_98 = arith.muli %scan3A_94, %mul3A_97 : i32
        %swap3A = arith.index_cast %scan3A_85 : i32 to index
        %swap3A_99 = arith.index_cast %mul3A_98 : i32 to index
        %swap3A_100 = tpu.vector_load %arg9[%swap3A, %swap3A_99] {strides = array<i32>} : memref<125x64xf32, #tpu.memory_space<vmem>>, vector<1x16xf32>,
        %swap3A_101 = vector.shape_cast %swap3A_100 : vector<1x16xf32> to vector<16xf32>
        %swap3A_102 = vector.shape_cast %broadcast_in_dim3A_96 : vector<16xf32> to vector<1x16xf32>
        tpu.vector_store %arg9[%swap3A, %swap3A_99], %swap3A_102 {strides = array<i32>} : memref<125x64xf32, #tpu.memory_space<vmem>>, vector<1x16xf32>,
        %scan3A_103 = arith.constant 0 : i32
        scf.yield %scan3A_103 : i32
      }
      %scan3A_93 = arith.constant 4 : i32
      scf.yield %scan3A_92 : i32
    }
    %scan3A_22 = arith.constant 16 : i32
    %mul3A = arith.constant 624 : i32
    %mul3A_23 = arith.muli %arg1, %mul3A : i32
    %eq3A = arith.constant 15 : i32
    %eq3A_24 = arith.cmpi eq, %arg1, %eq3A : i32
    %jit3A = arith.constant 40 : i32
    %jit3A_25 = arith.constant 39 : i32
    %select_n3A = arith.select %eq3A_24, %jit3A, %jit3A_25 : i32
    %while3A = arith.constant 0 : i32
    %while3A_26 = arith.constant 0 : i32
    %while3A_27 = arith.subi %select_n3A, %while3A : i32
    %while3A_28 = arith.addi %while3A, %while3A_27 : i32
    %while3A_29 = arith.constant 1 : i32
    %while3A_30 = arith.divsi %while3A_27, %while3A_29 : i32
    %while3A_31 = arith.muli %while3A_30, %while3A_29 : i32
    %while3A_32 = arith.addi %while3A, %while3A_31 : i32
    %while3A_33 = arith.constant 1 : i32
    %while3A_34 = scf.for %while3A_85 = %while3A to %while3A_32 step %while3A_33 iter_args(%while3A_86 = %while3A_26) -> (i32)  : i32 {
      %mul3A_87 = arith.constant 16 : i32
      %mul3A_88 = arith.muli %while3A_85, %mul3A_87 : i32
      %add3A = arith.addi %mul3A_23, %mul3A_88 : i32
      %dma_start3A_89 = arith.constant 0 : i32
      %dma_start3A_90 = arith.constant 0 : i32
      %dma_start3A_91 = tpu.memref_slice %arg9[%dma_start3A_89, %dma_start3A_90] : memref<125x64xf32, #tpu.memory_space<vmem>> -> memref<16x64xf32, #tpu.memory_space<vmem>>
      %dma_start3A_92 = arith.constant 0 : i32
      %dma_start3A_93 = tpu.memref_slice %arg14[%add3A, %dma_start3A_92] : memref<10000x64xf32, #tpu.memory_space<vmem_shared>> -> memref<16x64xf32, #tpu.memory_space<vmem_shared>>
      %dma_start3A_94 = arith.constant 0 : i32
      %dma_start3A_95 = tpu.memref_slice %arg14[%add3A, %dma_start3A_94] : memref<10000x64xf32, #tpu.memory_space<vmem_shared>> -> memref<16x64xf32, #tpu.memory_space<vmem_shared>>
      %dma_start3A_96 = arith.constant 0 : i32
      %dma_start3A_97 = arith.constant 0 : i32
      %dma_start3A_98 = tpu.memref_slice %arg9[%dma_start3A_96, %dma_start3A_97] : memref<125x64xf32, #tpu.memory_space<vmem>> -> memref<16x64xf32, #tpu.memory_space<vmem>>
      tpu.enqueue_dma source(%dma_start3A_98 : memref<16x64xf32, #tpu.memory_space<vmem>>) target(%dma_start3A_95 : memref<16x64xf32, #tpu.memory_space<vmem_shared>>) target_semaphore(%arg15 : memref<!tpu.dma_semaphore, #tpu.memory_space<semaphore_mem>>)
      %while3A_99 = arith.constant 0 : i32
      scf.yield %while3A_99 : i32
    }
    %while3A_35 = arith.constant 1 : i32
    %while3A_36 = scf.for %while3A_85 = %while3A_32 to %while3A_28 step %while3A_35 iter_args(%while3A_86 = %while3A_34) -> (i32)  : i32 {
      %mul3A_87 = arith.constant 16 : i32
      %mul3A_88 = arith.muli %while3A_85, %mul3A_87 : i32
      %add3A = arith.addi %mul3A_23, %mul3A_88 : i32
      %dma_start3A_89 = arith.constant 0 : i32
      %dma_start3A_90 = arith.constant 0 : i32
      %dma_start3A_91 = tpu.memref_slice %arg9[%dma_start3A_89, %dma_start3A_90] : memref<125x64xf32, #tpu.memory_space<vmem>> -> memref<16x64xf32, #tpu.memory_space<vmem>>
      %dma_start3A_92 = arith.constant 0 : i32
      %dma_start3A_93 = tpu.memref_slice %arg14[%add3A, %dma_start3A_92] : memref<10000x64xf32, #tpu.memory_space<vmem_shared>> -> memref<16x64xf32, #tpu.memory_space<vmem_shared>>
      %dma_start3A_94 = arith.constant 0 : i32
      %dma_start3A_95 = tpu.memref_slice %arg14[%add3A, %dma_start3A_94] : memref<10000x64xf32, #tpu.memory_space<vmem_shared>> -> memref<16x64xf32, #tpu.memory_space<vmem_shared>>
      %dma_start3A_96 = arith.constant 0 : i32
      %dma_start3A_97 = arith.constant 0 : i32
      %dma_start3A_98 = tpu.memref_slice %arg9[%dma_start3A_96, %dma_start3A_97] : memref<125x64xf32, #tpu.memory_space<vmem>> -> memref<16x64xf32, #tpu.memory_space<vmem>>
      tpu.enqueue_dma source(%dma_start3A_98 : memref<16x64xf32, #tpu.memory_space<vmem>>) target(%dma_start3A_95 : memref<16x64xf32, #tpu.memory_space<vmem_shared>>) target_semaphore(%arg15 : memref<!tpu.dma_semaphore, #tpu.memory_space<semaphore_mem>>)
      %while3A_99 = arith.constant 0 : i32
      scf.yield %while3A_99 : i32
    }
    %while3A_37 = arith.constant 0 : i32
    %while3A_38 = arith.constant 0 : i32
    %while3A_39 = arith.subi %select_n3A, %while3A_37 : i32
    %while3A_40 = arith.addi %while3A_37, %while3A_39 : i32
    %while3A_41 = arith.constant 1 : i32
    %while3A_42 = arith.divsi %while3A_39, %while3A_41 : i32
    %while3A_43 = arith.muli %while3A_42, %while3A_41 : i32
    %while3A_44 = arith.addi %while3A_37, %while3A_43 : i32
    %while3A_45 = arith.constant 1 : i32
    %while3A_46 = scf.for %while3A_85 = %while3A_37 to %while3A_44 step %while3A_45 iter_args(%while3A_86 = %while3A_38) -> (i32)  : i32 {
      %dma_wait3A_87 = arith.constant 0 : i32
      %dma_wait3A_88 = arith.constant 0 : i32
      %dma_wait3A_89 = tpu.memref_slice %arg9[%dma_wait3A_87, %dma_wait3A_88] : memref<125x64xf32, #tpu.memory_space<vmem>> -> memref<16x64xf32, #tpu.memory_space<vmem>>
      %dma_wait3A_90 = arith.constant 0 : i32
      %dma_wait3A_91 = tpu.memref_slice %arg14[%mul3A_23, %dma_wait3A_90] : memref<10000x64xf32, #tpu.memory_space<vmem_shared>> -> memref<16x64xf32, #tpu.memory_space<vmem_shared>>
      %dma_wait3A_92 = arith.constant 0 : i32
      %dma_wait3A_93 = tpu.memref_slice %arg14[%mul3A_23, %dma_wait3A_92] : memref<10000x64xf32, #tpu.memory_space<vmem_shared>> -> memref<16x64xf32, #tpu.memory_space<vmem_shared>>
      %dma_wait3A_94 = arith.constant 0 : i32
      %dma_wait3A_95 = arith.constant 0 : i32
      %dma_wait3A_96 = tpu.memref_slice %arg9[%dma_wait3A_94, %dma_wait3A_95] : memref<125x64xf32, #tpu.memory_space<vmem>> -> memref<16x64xf32, #tpu.memory_space<vmem>>
      tpu.wait_dma2 semaphore(%arg15 : memref<!tpu.dma_semaphore, #tpu.memory_space<semaphore_mem>>) src(%dma_wait3A_96 : memref<16x64xf32, #tpu.memory_space<vmem>>) dst(%dma_wait3A_93 : memref<16x64xf32, #tpu.memory_space<vmem_shared>>)
      %while3A_97 = arith.constant 0 : i32
      scf.yield %while3A_97 : i32
    }
    %while3A_47 = arith.constant 1 : i32
    %while3A_48 = scf.for %while3A_85 = %while3A_44 to %while3A_40 step %while3A_47 iter_args(%while3A_86 = %while3A_46) -> (i32)  : i32 {
      %dma_wait3A_87 = arith.constant 0 : i32
      %dma_wait3A_88 = arith.constant 0 : i32
      %dma_wait3A_89 = tpu.memref_slice %arg9[%dma_wait3A_87, %dma_wait3A_88] : memref<125x64xf32, #tpu.memory_space<vmem>> -> memref<16x64xf32, #tpu.memory_space<vmem>>
      %dma_wait3A_90 = arith.constant 0 : i32
      %dma_wait3A_91 = tpu.memref_slice %arg14[%mul3A_23, %dma_wait3A_90] : memref<10000x64xf32, #tpu.memory_space<vmem_shared>> -> memref<16x64xf32, #tpu.memory_space<vmem_shared>>
      %dma_wait3A_92 = arith.constant 0 : i32
      %dma_wait3A_93 = tpu.memref_slice %arg14[%mul3A_23, %dma_wait3A_92] : memref<10000x64xf32, #tpu.memory_space<vmem_shared>> -> memref<16x64xf32, #tpu.memory_space<vmem_shared>>
      %dma_wait3A_94 = arith.constant 0 : i32
      %dma_wait3A_95 = arith.constant 0 : i32
      %dma_wait3A_96 = tpu.memref_slice %arg9[%dma_wait3A_94, %dma_wait3A_95] : memref<125x64xf32, #tpu.memory_space<vmem>> -> memref<16x64xf32, #tpu.memory_space<vmem>>
      tpu.wait_dma2 semaphore(%arg15 : memref<!tpu.dma_semaphore, #tpu.memory_space<semaphore_mem>>) src(%dma_wait3A_96 : memref<16x64xf32, #tpu.memory_space<vmem>>) dst(%dma_wait3A_93 : memref<16x64xf32, #tpu.memory_space<vmem_shared>>)
      %while3A_97 = arith.constant 0 : i32
      scf.yield %while3A_97 : i32
    }
    %dma_wait3A = arith.constant 0 : i32
    %dma_wait3A_49 = arith.constant 0 : i32
    %dma_wait3A_50 = arith.constant 0 : i32
    %dma_wait3A_51 = tpu.memref_slice %arg4[%dma_wait3A, %arg1, %dma_wait3A_49, %dma_wait3A_50] : memref<2x16x160x125xi32, #tpu.memory_space<hbm>> -> memref<1x1x160x125xi32, #tpu.memory_space<hbm>>
    %dma_wait3A_52 = tpu.memref_squeeze %dma_wait3A_51 : memref<1x1x160x125xi32, #tpu.memory_space<hbm>> -> memref<160x125xi32, #tpu.memory_space<hbm>>
    %dma_wait3A_53 = arith.constant 0 : i32
    %dma_wait3A_54 = arith.constant 0 : i32
    %dma_wait3A_55 = tpu.memref_slice %arg4[%dma_wait3A, %arg1, %dma_wait3A_53, %dma_wait3A_54] : memref<2x16x160x125xi32, #tpu.memory_space<hbm>> -> memref<1x1x160x125xi32, #tpu.memory_space<hbm>>
    %dma_wait3A_56 = tpu.memref_squeeze %dma_wait3A_55 : memref<1x1x160x125xi32, #tpu.memory_space<hbm>> -> memref<160x125xi32, #tpu.memory_space<hbm>>
    tpu.wait_dma2 semaphore(%arg16 : memref<!tpu.dma_semaphore, #tpu.memory_space<semaphore_mem>>) src(%dma_wait3A_56 : memref<160x125xi32, #tpu.memory_space<hbm>>) dst(%arg7 : memref<160x125xi32, #tpu.memory_space<vmem>>)
    %dma_wait3A_57 = arith.constant 1 : i32
    %dma_wait3A_58 = arith.constant 0 : i32
    %dma_wait3A_59 = arith.constant 0 : i32
    %dma_wait3A_60 = tpu.memref_slice %arg4[%dma_wait3A_57, %arg1, %dma_wait3A_58, %dma_wait3A_59] : memref<2x16x160x125xi32, #tpu.memory_space<hbm>> -> memref<1x1x160x125xi32, #tpu.memory_space<hbm>>
    %dma_wait3A_61 = tpu.memref_squeeze %dma_wait3A_60 : memref<1x1x160x125xi32, #tpu.memory_space<hbm>> -> memref<160x125xi32, #tpu.memory_space<hbm>>
    %dma_wait3A_62 = arith.constant 0 : i32
    %dma_wait3A_63 = arith.constant 0 : i32
    %dma_wait3A_64 = tpu.memref_slice %arg4[%dma_wait3A_57, %arg1, %dma_wait3A_62, %dma_wait3A_63] : memref<2x16x160x125xi32, #tpu.memory_space<hbm>> -> memref<1x1x160x125xi32, #tpu.memory_space<hbm>>
    %dma_wait3A_65 = tpu.memref_squeeze %dma_wait3A_64 : memref<1x1x160x125xi32, #tpu.memory_space<hbm>> -> memref<160x125xi32, #tpu.memory_space<hbm>>
    tpu.wait_dma2 semaphore(%arg17 : memref<!tpu.dma_semaphore, #tpu.memory_space<semaphore_mem>>) src(%dma_wait3A_65 : memref<160x125xi32, #tpu.memory_space<hbm>>) dst(%arg8 : memref<160x125xi32, #tpu.memory_space<vmem>>)
    %barrier3A = arith.constant 0 : index
    tpu.barrier barrier_id(%barrier3A)
    %eq3A_66 = arith.constant 0 : i32
    %eq3A_67 = arith.cmpi eq, %arg0, %eq3A_66 : i32
    %convert_element_type3A = arith.extui %eq3A_67 : i1 to i32
    %cond3A = arith.constant 0 : i32
    %cond3A_68 = arith.cmpi ne, %convert_element_type3A, %cond3A : i32
    scf.if %cond3A_68 {
      %dma_start3A_85 = arith.constant 0 : i32
      %dma_start3A_86 = arith.constant 0 : i32
      %dma_start3A_87 = tpu.memref_slice %arg7[%dma_start3A_85, %dma_start3A_86] : memref<160x125xi32, #tpu.memory_space<vmem>> -> memref<1x125xi32, #tpu.memory_space<vmem>>
      %dma_start3A_88 = tpu.memref_squeeze %dma_start3A_87 : memref<1x125xi32, #tpu.memory_space<vmem>> -> memref<125xi32, #tpu.memory_space<vmem>>
      %dma_start3A_89 = arith.constant 0 : i32
      %dma_start3A_90 = arith.constant 0 : i32
      %dma_start3A_91 = tpu.memref_slice %arg2[%dma_start3A_89, %dma_start3A_90] : memref<10000x64xf32, #tpu.memory_space<hbm>> -> memref<10000x64xf32, #tpu.memory_space<hbm>>
      tpu.enqueue_indirect_dma source(%dma_start3A_91 : memref<10000x64xf32, #tpu.memory_space<hbm>>) target(%arg9 : memref<125x64xf32, #tpu.memory_space<vmem>>) offsets(%dma_start3A_88 : memref<125xi32, #tpu.memory_space<vmem>>) semaphore(%arg15 : memref<!tpu.dma_semaphore, #tpu.memory_space<semaphore_mem>>)
      %dma_start3A_92 = arith.constant 1 : i32
      %dma_start3A_93 = arith.constant 0 : i32
      %dma_start3A_94 = tpu.memref_slice %arg7[%dma_start3A_92, %dma_start3A_93] : memref<160x125xi32, #tpu.memory_space<vmem>> -> memref<1x125xi32, #tpu.memory_space<vmem>>
      %dma_start3A_95 = tpu.memref_squeeze %dma_start3A_94 : memref<1x125xi32, #tpu.memory_space<vmem>> -> memref<125xi32, #tpu.memory_space<vmem>>
      %dma_start3A_96 = arith.constant 0 : i32
      %dma_start3A_97 = arith.constant 0 : i32
      %dma_start3A_98 = tpu.memref_slice %arg2[%dma_start3A_96, %dma_start3A_97] : memref<10000x64xf32, #tpu.memory_space<hbm>> -> memref<10000x64xf32, #tpu.memory_space<hbm>>
      tpu.enqueue_indirect_dma source(%dma_start3A_98 : memref<10000x64xf32, #tpu.memory_space<hbm>>) target(%arg10 : memref<125x64xf32, #tpu.memory_space<vmem>>) offsets(%dma_start3A_95 : memref<125xi32, #tpu.memory_space<vmem>>) semaphore(%arg16 : memref<!tpu.dma_semaphore, #tpu.memory_space<semaphore_mem>>)
      %dma_start3A_99 = arith.constant 2 : i32
      %dma_start3A_100 = arith.constant 0 : i32
      %dma_start3A_101 = tpu.memref_slice %arg7[%dma_start3A_99, %dma_start3A_100] : memref<160x125xi32, #tpu.memory_space<vmem>> -> memref<1x125xi32, #tpu.memory_space<vmem>>
      %dma_start3A_102 = tpu.memref_squeeze %dma_start3A_101 : memref<1x125xi32, #tpu.memory_space<vmem>> -> memref<125xi32, #tpu.memory_space<vmem>>
      %dma_start3A_103 = arith.constant 0 : i32
      %dma_start3A_104 = arith.constant 0 : i32
      %dma_start3A_105 = tpu.memref_slice %arg2[%dma_start3A_103, %dma_start3A_104] : memref<10000x64xf32, #tpu.memory_space<hbm>> -> memref<10000x64xf32, #tpu.memory_space<hbm>>
      tpu.enqueue_indirect_dma source(%dma_start3A_105 : memref<10000x64xf32, #tpu.memory_space<hbm>>) target(%arg11 : memref<125x64xf32, #tpu.memory_space<vmem>>) offsets(%dma_start3A_102 : memref<125xi32, #tpu.memory_space<vmem>>) semaphore(%arg17 : memref<!tpu.dma_semaphore, #tpu.memory_space<semaphore_mem>>)
      %dma_start3A_106 = arith.constant 3 : i32
      %dma_start3A_107 = arith.constant 0 : i32
      %dma_start3A_108 = tpu.memref_slice %arg7[%dma_start3A_106, %dma_start3A_107] : memref<160x125xi32, #tpu.memory_space<vmem>> -> memref<1x125xi32, #tpu.memory_space<vmem>>
      %dma_start3A_109 = tpu.memref_squeeze %dma_start3A_108 : memref<1x125xi32, #tpu.memory_space<vmem>> -> memref<125xi32, #tpu.memory_space<vmem>>
      %dma_start3A_110 = arith.constant 0 : i32
      %dma_start3A_111 = arith.constant 0 : i32
      %dma_start3A_112 = tpu.memref_slice %arg2[%dma_start3A_110, %dma_start3A_111] : memref<10000x64xf32, #tpu.memory_space<hbm>> -> memref<10000x64xf32, #tpu.memory_space<hbm>>
      tpu.enqueue_indirect_dma source(%dma_start3A_112 : memref<10000x64xf32, #tpu.memory_space<hbm>>) target(%arg12 : memref<125x64xf32, #tpu.memory_space<vmem>>) offsets(%dma_start3A_109 : memref<125xi32, #tpu.memory_space<vmem>>) semaphore(%arg18 : memref<!tpu.dma_semaphore, #tpu.memory_space<semaphore_mem>>)
      %dma_start3A_113 = arith.constant 4 : i32
      %dma_start3A_114 = arith.constant 0 : i32
      %dma_start3A_115 = tpu.memref_slice %arg7[%dma_start3A_113, %dma_start3A_114] : memref<160x125xi32, #tpu.memory_space<vmem>> -> memref<1x125xi32, #tpu.memory_space<vmem>>
      %dma_start3A_116 = tpu.memref_squeeze %dma_start3A_115 : memref<1x125xi32, #tpu.memory_space<vmem>> -> memref<125xi32, #tpu.memory_space<vmem>>
      %dma_start3A_117 = arith.constant 0 : i32
      %dma_start3A_118 = arith.constant 0 : i32
      %dma_start3A_119 = tpu.memref_slice %arg2[%dma_start3A_117, %dma_start3A_118] : memref<10000x64xf32, #tpu.memory_space<hbm>> -> memref<10000x64xf32, #tpu.memory_space<hbm>>
      tpu.enqueue_indirect_dma source(%dma_start3A_119 : memref<10000x64xf32, #tpu.memory_space<hbm>>) target(%arg13 : memref<125x64xf32, #tpu.memory_space<vmem>>) offsets(%dma_start3A_116 : memref<125xi32, #tpu.memory_space<vmem>>) semaphore(%arg19 : memref<!tpu.dma_semaphore, #tpu.memory_space<semaphore_mem>>)
      %scan3A_120 = arith.constant 0 : i32
      %scan3A_121 = arith.constant 0 : i32
      %scan3A_122 = arith.constant 32 : i32
      %scan3A_123 = arith.addi %scan3A_121, %scan3A_122 : i32
      %scan3A_124 = arith.constant 1 : i32
      %scan3A_125 = scf.for %scan3A_162 = %scan3A_121 to %scan3A_123 step %scan3A_124 iter_args(%scan3A_163 = %scan3A_120) -> (i32)  : i32 {
        %mul3A_164 = arith.constant 5 : i32
        %mul3A_165 = arith.muli %scan3A_162, %mul3A_164 : i32
        %add3A = arith.constant 0 : i32
        %add3A_166 = arith.addi %mul3A_165, %add3A : i32
        %dma_wait3A_167 = arith.constant 0 : i32
        %dma_wait3A_168 = tpu.memref_slice %arg7[%add3A_166, %dma_wait3A_167] : memref<160x125xi32, #tpu.memory_space<vmem>> -> memref<1x125xi32, #tpu.memory_space<vmem>>
        %dma_wait3A_169 = tpu.memref_squeeze %dma_wait3A_168 : memref<1x125xi32, #tpu.memory_space<vmem>> -> memref<125xi32, #tpu.memory_space<vmem>>
        %dma_wait3A_170 = arith.constant 0 : i32
        %dma_wait3A_171 = arith.constant 0 : i32
        %dma_wait3A_172 = tpu.memref_slice %arg2[%dma_wait3A_170, %dma_wait3A_171] : memref<10000x64xf32, #tpu.memory_space<hbm>> -> memref<10000x64xf32, #tpu.memory_space<hbm>>
        tpu.wait_indirect_dma semaphore(%arg15 : memref<!tpu.dma_semaphore, #tpu.memory_space<semaphore_mem>>) src(%dma_wait3A_172 : memref<10000x64xf32, #tpu.memory_space<hbm>>) dst(%arg9 : memref<125x64xf32, #tpu.memory_space<vmem>>)
        %add3A_173 = arith.constant 0 : i32
        %add3A_174 = arith.addi %mul3A_165, %add3A_173 : i32
        %dma_start3A_175 = arith.constant 0 : i32
        %dma_start3A_176 = tpu.memref_slice %arg8[%add3A_174, %dma_start3A_175] : memref<160x125xi32, #tpu.memory_space<vmem>> -> memref<1x125xi32, #tpu.memory_space<vmem>>
        %dma_start3A_177 = tpu.memref_squeeze %dma_start3A_176 : memref<1x125xi32, #tpu.memory_space<vmem>> -> memref<125xi32, #tpu.memory_space<vmem>>
        %dma_start3A_178 = arith.constant 0 : i32
        %dma_start3A_179 = arith.constant 0 : i32
        %dma_start3A_180 = tpu.memref_slice %arg14[%dma_start3A_178, %dma_start3A_179] : memref<10000x64xf32, #tpu.memory_space<vmem_shared>> -> memref<10000x64xf32, #tpu.memory_space<vmem_shared>>
        tpu.enqueue_indirect_dma source(%arg9 : memref<125x64xf32, #tpu.memory_space<vmem>>) target(%dma_start3A_180 : memref<10000x64xf32, #tpu.memory_space<vmem_shared>>) offsets(%dma_start3A_177 : memref<125xi32, #tpu.memory_space<vmem>>) semaphore(%arg20 : memref<!tpu.dma_semaphore, #tpu.memory_space<semaphore_mem>>) {add = true}
        %add3A_181 = arith.constant 1 : i32
        %add3A_182 = arith.addi %mul3A_165, %add3A_181 : i32
        %dma_wait3A_183 = arith.constant 0 : i32
        %dma_wait3A_184 = tpu.memref_slice %arg7[%add3A_182, %dma_wait3A_183] : memref<160x125xi32, #tpu.memory_space<vmem>> -> memref<1x125xi32, #tpu.memory_space<vmem>>
        %dma_wait3A_185 = tpu.memref_squeeze %dma_wait3A_184 : memref<1x125xi32, #tpu.memory_space<vmem>> -> memref<125xi32, #tpu.memory_space<vmem>>
        %dma_wait3A_186 = arith.constant 0 : i32
        %dma_wait3A_187 = arith.constant 0 : i32
        %dma_wait3A_188 = tpu.memref_slice %arg2[%dma_wait3A_186, %dma_wait3A_187] : memref<10000x64xf32, #tpu.memory_space<hbm>> -> memref<10000x64xf32, #tpu.memory_space<hbm>>
        tpu.wait_indirect_dma semaphore(%arg16 : memref<!tpu.dma_semaphore, #tpu.memory_space<semaphore_mem>>) src(%dma_wait3A_188 : memref<10000x64xf32, #tpu.memory_space<hbm>>) dst(%arg10 : memref<125x64xf32, #tpu.memory_space<vmem>>)
        %add3A_189 = arith.constant 1 : i32
        %add3A_190 = arith.addi %mul3A_165, %add3A_189 : i32
        %dma_start3A_191 = arith.constant 0 : i32
        %dma_start3A_192 = tpu.memref_slice %arg8[%add3A_190, %dma_start3A_191] : memref<160x125xi32, #tpu.memory_space<vmem>> -> memref<1x125xi32, #tpu.memory_space<vmem>>
        %dma_start3A_193 = tpu.memref_squeeze %dma_start3A_192 : memref<1x125xi32, #tpu.memory_space<vmem>> -> memref<125xi32, #tpu.memory_space<vmem>>
        %dma_start3A_194 = arith.constant 0 : i32
        %dma_start3A_195 = arith.constant 0 : i32
        %dma_start3A_196 = tpu.memref_slice %arg14[%dma_start3A_194, %dma_start3A_195] : memref<10000x64xf32, #tpu.memory_space<vmem_shared>> -> memref<10000x64xf32, #tpu.memory_space<vmem_shared>>
        tpu.enqueue_indirect_dma source(%arg10 : memref<125x64xf32, #tpu.memory_space<vmem>>) target(%dma_start3A_196 : memref<10000x64xf32, #tpu.memory_space<vmem_shared>>) offsets(%dma_start3A_193 : memref<125xi32, #tpu.memory_space<vmem>>) semaphore(%arg21 : memref<!tpu.dma_semaphore, #tpu.memory_space<semaphore_mem>>) {add = true}
        %add3A_197 = arith.constant 2 : i32
        %add3A_198 = arith.addi %mul3A_165, %add3A_197 : i32
        %dma_wait3A_199 = arith.constant 0 : i32
        %dma_wait3A_200 = tpu.memref_slice %arg7[%add3A_198, %dma_wait3A_199] : memref<160x125xi32, #tpu.memory_space<vmem>> -> memref<1x125xi32, #tpu.memory_space<vmem>>
        %dma_wait3A_201 = tpu.memref_squeeze %dma_wait3A_200 : memref<1x125xi32, #tpu.memory_space<vmem>> -> memref<125xi32, #tpu.memory_space<vmem>>
        %dma_wait3A_202 = arith.constant 0 : i32
        %dma_wait3A_203 = arith.constant 0 : i32
        %dma_wait3A_204 = tpu.memref_slice %arg2[%dma_wait3A_202, %dma_wait3A_203] : memref<10000x64xf32, #tpu.memory_space<hbm>> -> memref<10000x64xf32, #tpu.memory_space<hbm>>
        tpu.wait_indirect_dma semaphore(%arg17 : memref<!tpu.dma_semaphore, #tpu.memory_space<semaphore_mem>>) src(%dma_wait3A_204 : memref<10000x64xf32, #tpu.memory_space<hbm>>) dst(%arg11 : memref<125x64xf32, #tpu.memory_space<vmem>>)
        %add3A_205 = arith.constant 2 : i32
        %add3A_206 = arith.addi %mul3A_165, %add3A_205 : i32
        %dma_start3A_207 = arith.constant 0 : i32
        %dma_start3A_208 = tpu.memref_slice %arg8[%add3A_206, %dma_start3A_207] : memref<160x125xi32, #tpu.memory_space<vmem>> -> memref<1x125xi32, #tpu.memory_space<vmem>>
        %dma_start3A_209 = tpu.memref_squeeze %dma_start3A_208 : memref<1x125xi32, #tpu.memory_space<vmem>> -> memref<125xi32, #tpu.memory_space<vmem>>
        %dma_start3A_210 = arith.constant 0 : i32
        %dma_start3A_211 = arith.constant 0 : i32
        %dma_start3A_212 = tpu.memref_slice %arg14[%dma_start3A_210, %dma_start3A_211] : memref<10000x64xf32, #tpu.memory_space<vmem_shared>> -> memref<10000x64xf32, #tpu.memory_space<vmem_shared>>
        tpu.enqueue_indirect_dma source(%arg11 : memref<125x64xf32, #tpu.memory_space<vmem>>) target(%dma_start3A_212 : memref<10000x64xf32, #tpu.memory_space<vmem_shared>>) offsets(%dma_start3A_209 : memref<125xi32, #tpu.memory_space<vmem>>) semaphore(%arg22 : memref<!tpu.dma_semaphore, #tpu.memory_space<semaphore_mem>>) {add = true}
        %add3A_213 = arith.constant 3 : i32
        %add3A_214 = arith.addi %mul3A_165, %add3A_213 : i32
        %dma_wait3A_215 = arith.constant 0 : i32
        %dma_wait3A_216 = tpu.memref_slice %arg7[%add3A_214, %dma_wait3A_215] : memref<160x125xi32, #tpu.memory_space<vmem>> -> memref<1x125xi32, #tpu.memory_space<vmem>>
        %dma_wait3A_217 = tpu.memref_squeeze %dma_wait3A_216 : memref<1x125xi32, #tpu.memory_space<vmem>> -> memref<125xi32, #tpu.memory_space<vmem>>
        %dma_wait3A_218 = arith.constant 0 : i32
        %dma_wait3A_219 = arith.constant 0 : i32
        %dma_wait3A_220 = tpu.memref_slice %arg2[%dma_wait3A_218, %dma_wait3A_219] : memref<10000x64xf32, #tpu.memory_space<hbm>> -> memref<10000x64xf32, #tpu.memory_space<hbm>>
        tpu.wait_indirect_dma semaphore(%arg18 : memref<!tpu.dma_semaphore, #tpu.memory_space<semaphore_mem>>) src(%dma_wait3A_220 : memref<10000x64xf32, #tpu.memory_space<hbm>>) dst(%arg12 : memref<125x64xf32, #tpu.memory_space<vmem>>)
        %add3A_221 = arith.constant 3 : i32
        %add3A_222 = arith.addi %mul3A_165, %add3A_221 : i32
        %dma_start3A_223 = arith.constant 0 : i32
        %dma_start3A_224 = tpu.memref_slice %arg8[%add3A_222, %dma_start3A_223] : memref<160x125xi32, #tpu.memory_space<vmem>> -> memref<1x125xi32, #tpu.memory_space<vmem>>
        %dma_start3A_225 = tpu.memref_squeeze %dma_start3A_224 : memref<1x125xi32, #tpu.memory_space<vmem>> -> memref<125xi32, #tpu.memory_space<vmem>>
        %dma_start3A_226 = arith.constant 0 : i32
        %dma_start3A_227 = arith.constant 0 : i32
        %dma_start3A_228 = tpu.memref_slice %arg14[%dma_start3A_226, %dma_start3A_227] : memref<10000x64xf32, #tpu.memory_space<vmem_shared>> -> memref<10000x64xf32, #tpu.memory_space<vmem_shared>>
        tpu.enqueue_indirect_dma source(%arg12 : memref<125x64xf32, #tpu.memory_space<vmem>>) target(%dma_start3A_228 : memref<10000x64xf32, #tpu.memory_space<vmem_shared>>) offsets(%dma_start3A_225 : memref<125xi32, #tpu.memory_space<vmem>>) semaphore(%arg23 : memref<!tpu.dma_semaphore, #tpu.memory_space<semaphore_mem>>) {add = true}
        %add3A_229 = arith.constant 4 : i32
        %add3A_230 = arith.addi %mul3A_165, %add3A_229 : i32
        %dma_wait3A_231 = arith.constant 0 : i32
        %dma_wait3A_232 = tpu.memref_slice %arg7[%add3A_230, %dma_wait3A_231] : memref<160x125xi32, #tpu.memory_space<vmem>> -> memref<1x125xi32, #tpu.memory_space<vmem>>
        %dma_wait3A_233 = tpu.memref_squeeze %dma_wait3A_232 : memref<1x125xi32, #tpu.memory_space<vmem>> -> memref<125xi32, #tpu.memory_space<vmem>>
        %dma_wait3A_234 = arith.constant 0 : i32
        %dma_wait3A_235 = arith.constant 0 : i32
        %dma_wait3A_236 = tpu.memref_slice %arg2[%dma_wait3A_234, %dma_wait3A_235] : memref<10000x64xf32, #tpu.memory_space<hbm>> -> memref<10000x64xf32, #tpu.memory_space<hbm>>
        tpu.wait_indirect_dma semaphore(%arg19 : memref<!tpu.dma_semaphore, #tpu.memory_space<semaphore_mem>>) src(%dma_wait3A_236 : memref<10000x64xf32, #tpu.memory_space<hbm>>) dst(%arg13 : memref<125x64xf32, #tpu.memory_space<vmem>>)
        %add3A_237 = arith.constant 4 : i32
        %add3A_238 = arith.addi %mul3A_165, %add3A_237 : i32
        %dma_start3A_239 = arith.constant 0 : i32
        %dma_start3A_240 = tpu.memref_slice %arg8[%add3A_238, %dma_start3A_239] : memref<160x125xi32, #tpu.memory_space<vmem>> -> memref<1x125xi32, #tpu.memory_space<vmem>>
        %dma_start3A_241 = tpu.memref_squeeze %dma_start3A_240 : memref<1x125xi32, #tpu.memory_space<vmem>> -> memref<125xi32, #tpu.memory_space<vmem>>
        %dma_start3A_242 = arith.constant 0 : i32
        %dma_start3A_243 = arith.constant 0 : i32
        %dma_start3A_244 = tpu.memref_slice %arg14[%dma_start3A_242, %dma_start3A_243] : memref<10000x64xf32, #tpu.memory_space<vmem_shared>> -> memref<10000x64xf32, #tpu.memory_space<vmem_shared>>
        tpu.enqueue_indirect_dma source(%arg13 : memref<125x64xf32, #tpu.memory_space<vmem>>) target(%dma_start3A_244 : memref<10000x64xf32, #tpu.memory_space<vmem_shared>>) offsets(%dma_start3A_241 : memref<125xi32, #tpu.memory_space<vmem>>) semaphore(%arg24 : memref<!tpu.dma_semaphore, #tpu.memory_space<semaphore_mem>>) {add = true}
        %add3A_245 = arith.constant 5 : i32
        %add3A_246 = arith.addi %mul3A_165, %add3A_245 : i32
        %add3A_247 = arith.constant 0 : i32
        %add3A_248 = arith.addi %add3A_246, %add3A_247 : i32
        %lt3A = arith.constant 160 : i32
        %lt3A_249 = arith.cmpi slt, %add3A_248, %lt3A : i32
        %convert_element_type3A_250 = arith.extui %lt3A_249 : i1 to i32
        %cond3A_251 = arith.constant 0 : i32
        %cond3A_252 = arith.cmpi ne, %convert_element_type3A_250, %cond3A_251 : i32
        scf.if %cond3A_252 {
          %add3A_290 = arith.constant 0 : i32
          %add3A_291 = arith.addi %mul3A_165, %add3A_290 : i32
          %dma_wait3A_292 = arith.constant 0 : i32
          %dma_wait3A_293 = tpu.memref_slice %arg8[%add3A_291, %dma_wait3A_292] : memref<160x125xi32, #tpu.memory_space<vmem>> -> memref<1x125xi32, #tpu.memory_space<vmem>>
          %dma_wait3A_294 = tpu.memref_squeeze %dma_wait3A_293 : memref<1x125xi32, #tpu.memory_space<vmem>> -> memref<125xi32, #tpu.memory_space<vmem>>
          %dma_wait3A_295 = arith.constant 0 : i32
          %dma_wait3A_296 = arith.constant 0 : i32
          %dma_wait3A_297 = tpu.memref_slice %arg14[%dma_wait3A_295, %dma_wait3A_296] : memref<10000x64xf32, #tpu.memory_space<vmem_shared>> -> memref<10000x64xf32, #tpu.memory_space<vmem_shared>>
          tpu.wait_indirect_dma semaphore(%arg20 : memref<!tpu.dma_semaphore, #tpu.memory_space<semaphore_mem>>) src(%arg9 : memref<125x64xf32, #tpu.memory_space<vmem>>) dst(%dma_wait3A_297 : memref<10000x64xf32, #tpu.memory_space<vmem_shared>>)
          %dma_start3A_298 = arith.constant 0 : i32
          %dma_start3A_299 = tpu.memref_slice %arg7[%add3A_248, %dma_start3A_298] : memref<160x125xi32, #tpu.memory_space<vmem>> -> memref<1x125xi32, #tpu.memory_space<vmem>>
          %dma_start3A_300 = tpu.memref_squeeze %dma_start3A_299 : memref<1x125xi32, #tpu.memory_space<vmem>> -> memref<125xi32, #tpu.memory_space<vmem>>
          %dma_start3A_301 = arith.constant 0 : i32
          %dma_start3A_302 = arith.constant 0 : i32
          %dma_start3A_303 = tpu.memref_slice %arg2[%dma_start3A_301, %dma_start3A_302] : memref<10000x64xf32, #tpu.memory_space<hbm>> -> memref<10000x64xf32, #tpu.memory_space<hbm>>
          tpu.enqueue_indirect_dma source(%dma_start3A_303 : memref<10000x64xf32, #tpu.memory_space<hbm>>) target(%arg9 : memref<125x64xf32, #tpu.memory_space<vmem>>) offsets(%dma_start3A_300 : memref<125xi32, #tpu.memory_space<vmem>>) semaphore(%arg15 : memref<!tpu.dma_semaphore, #tpu.memory_space<semaphore_mem>>)
        } else {
        }
        %add3A_253 = arith.constant 5 : i32
        %add3A_254 = arith.addi %mul3A_165, %add3A_253 : i32
        %add3A_255 = arith.constant 1 : i32
        %add3A_256 = arith.addi %add3A_254, %add3A_255 : i32
        %lt3A_257 = arith.constant 160 : i32
        %lt3A_258 = arith.cmpi slt, %add3A_256, %lt3A_257 : i32
        %convert_element_type3A_259 = arith.extui %lt3A_258 : i1 to i32
        %cond3A_260 = arith.constant 0 : i32
        %cond3A_261 = arith.cmpi ne, %convert_element_type3A_259, %cond3A_260 : i32
        scf.if %cond3A_261 {
          %add3A_290 = arith.constant 1 : i32
          %add3A_291 = arith.addi %mul3A_165, %add3A_290 : i32
          %dma_wait3A_292 = arith.constant 0 : i32
          %dma_wait3A_293 = tpu.memref_slice %arg8[%add3A_291, %dma_wait3A_292] : memref<160x125xi32, #tpu.memory_space<vmem>> -> memref<1x125xi32, #tpu.memory_space<vmem>>
          %dma_wait3A_294 = tpu.memref_squeeze %dma_wait3A_293 : memref<1x125xi32, #tpu.memory_space<vmem>> -> memref<125xi32, #tpu.memory_space<vmem>>
          %dma_wait3A_295 = arith.constant 0 : i32
          %dma_wait3A_296 = arith.constant 0 : i32
          %dma_wait3A_297 = tpu.memref_slice %arg14[%dma_wait3A_295, %dma_wait3A_296] : memref<10000x64xf32, #tpu.memory_space<vmem_shared>> -> memref<10000x64xf32, #tpu.memory_space<vmem_shared>>
          tpu.wait_indirect_dma semaphore(%arg21 : memref<!tpu.dma_semaphore, #tpu.memory_space<semaphore_mem>>) src(%arg10 : memref<125x64xf32, #tpu.memory_space<vmem>>) dst(%dma_wait3A_297 : memref<10000x64xf32, #tpu.memory_space<vmem_shared>>)
          %dma_start3A_298 = arith.constant 0 : i32
          %dma_start3A_299 = tpu.memref_slice %arg7[%add3A_256, %dma_start3A_298] : memref<160x125xi32, #tpu.memory_space<vmem>> -> memref<1x125xi32, #tpu.memory_space<vmem>>
          %dma_start3A_300 = tpu.memref_squeeze %dma_start3A_299 : memref<1x125xi32, #tpu.memory_space<vmem>> -> memref<125xi32, #tpu.memory_space<vmem>>
          %dma_start3A_301 = arith.constant 0 : i32
          %dma_start3A_302 = arith.constant 0 : i32
          %dma_start3A_303 = tpu.memref_slice %arg2[%dma_start3A_301, %dma_start3A_302] : memref<10000x64xf32, #tpu.memory_space<hbm>> -> memref<10000x64xf32, #tpu.memory_space<hbm>>
          tpu.enqueue_indirect_dma source(%dma_start3A_303 : memref<10000x64xf32, #tpu.memory_space<hbm>>) target(%arg10 : memref<125x64xf32, #tpu.memory_space<vmem>>) offsets(%dma_start3A_300 : memref<125xi32, #tpu.memory_space<vmem>>) semaphore(%arg16 : memref<!tpu.dma_semaphore, #tpu.memory_space<semaphore_mem>>)
        } else {
        }
        %add3A_262 = arith.constant 5 : i32
        %add3A_263 = arith.addi %mul3A_165, %add3A_262 : i32
        %add3A_264 = arith.constant 2 : i32
        %add3A_265 = arith.addi %add3A_263, %add3A_264 : i32
        %lt3A_266 = arith.constant 160 : i32
        %lt3A_267 = arith.cmpi slt, %add3A_265, %lt3A_266 : i32
        %convert_element_type3A_268 = arith.extui %lt3A_267 : i1 to i32
        %cond3A_269 = arith.constant 0 : i32
        %cond3A_270 = arith.cmpi ne, %convert_element_type3A_268, %cond3A_269 : i32
        scf.if %cond3A_270 {
          %add3A_290 = arith.constant 2 : i32
          %add3A_291 = arith.addi %mul3A_165, %add3A_290 : i32
          %dma_wait3A_292 = arith.constant 0 : i32
          %dma_wait3A_293 = tpu.memref_slice %arg8[%add3A_291, %dma_wait3A_292] : memref<160x125xi32, #tpu.memory_space<vmem>> -> memref<1x125xi32, #tpu.memory_space<vmem>>
          %dma_wait3A_294 = tpu.memref_squeeze %dma_wait3A_293 : memref<1x125xi32, #tpu.memory_space<vmem>> -> memref<125xi32, #tpu.memory_space<vmem>>
          %dma_wait3A_295 = arith.constant 0 : i32
          %dma_wait3A_296 = arith.constant 0 : i32
          %dma_wait3A_297 = tpu.memref_slice %arg14[%dma_wait3A_295, %dma_wait3A_296] : memref<10000x64xf32, #tpu.memory_space<vmem_shared>> -> memref<10000x64xf32, #tpu.memory_space<vmem_shared>>
          tpu.wait_indirect_dma semaphore(%arg22 : memref<!tpu.dma_semaphore, #tpu.memory_space<semaphore_mem>>) src(%arg11 : memref<125x64xf32, #tpu.memory_space<vmem>>) dst(%dma_wait3A_297 : memref<10000x64xf32, #tpu.memory_space<vmem_shared>>)
          %dma_start3A_298 = arith.constant 0 : i32
          %dma_start3A_299 = tpu.memref_slice %arg7[%add3A_265, %dma_start3A_298] : memref<160x125xi32, #tpu.memory_space<vmem>> -> memref<1x125xi32, #tpu.memory_space<vmem>>
          %dma_start3A_300 = tpu.memref_squeeze %dma_start3A_299 : memref<1x125xi32, #tpu.memory_space<vmem>> -> memref<125xi32, #tpu.memory_space<vmem>>
          %dma_start3A_301 = arith.constant 0 : i32
          %dma_start3A_302 = arith.constant 0 : i32
          %dma_start3A_303 = tpu.memref_slice %arg2[%dma_start3A_301, %dma_start3A_302] : memref<10000x64xf32, #tpu.memory_space<hbm>> -> memref<10000x64xf32, #tpu.memory_space<hbm>>
          tpu.enqueue_indirect_dma source(%dma_start3A_303 : memref<10000x64xf32, #tpu.memory_space<hbm>>) target(%arg11 : memref<125x64xf32, #tpu.memory_space<vmem>>) offsets(%dma_start3A_300 : memref<125xi32, #tpu.memory_space<vmem>>) semaphore(%arg17 : memref<!tpu.dma_semaphore, #tpu.memory_space<semaphore_mem>>)
        } else {
        }
        %add3A_271 = arith.constant 5 : i32
        %add3A_272 = arith.addi %mul3A_165, %add3A_271 : i32
        %add3A_273 = arith.constant 3 : i32
        %add3A_274 = arith.addi %add3A_272, %add3A_273 : i32
        %lt3A_275 = arith.constant 160 : i32
        %lt3A_276 = arith.cmpi slt, %add3A_274, %lt3A_275 : i32
        %convert_element_type3A_277 = arith.extui %lt3A_276 : i1 to i32
        %cond3A_278 = arith.constant 0 : i32
        %cond3A_279 = arith.cmpi ne, %convert_element_type3A_277, %cond3A_278 : i32
        scf.if %cond3A_279 {
          %add3A_290 = arith.constant 3 : i32
          %add3A_291 = arith.addi %mul3A_165, %add3A_290 : i32
          %dma_wait3A_292 = arith.constant 0 : i32
          %dma_wait3A_293 = tpu.memref_slice %arg8[%add3A_291, %dma_wait3A_292] : memref<160x125xi32, #tpu.memory_space<vmem>> -> memref<1x125xi32, #tpu.memory_space<vmem>>
          %dma_wait3A_294 = tpu.memref_squeeze %dma_wait3A_293 : memref<1x125xi32, #tpu.memory_space<vmem>> -> memref<125xi32, #tpu.memory_space<vmem>>
          %dma_wait3A_295 = arith.constant 0 : i32
          %dma_wait3A_296 = arith.constant 0 : i32
          %dma_wait3A_297 = tpu.memref_slice %arg14[%dma_wait3A_295, %dma_wait3A_296] : memref<10000x64xf32, #tpu.memory_space<vmem_shared>> -> memref<10000x64xf32, #tpu.memory_space<vmem_shared>>
          tpu.wait_indirect_dma semaphore(%arg23 : memref<!tpu.dma_semaphore, #tpu.memory_space<semaphore_mem>>) src(%arg12 : memref<125x64xf32, #tpu.memory_space<vmem>>) dst(%dma_wait3A_297 : memref<10000x64xf32, #tpu.memory_space<vmem_shared>>)
          %dma_start3A_298 = arith.constant 0 : i32
          %dma_start3A_299 = tpu.memref_slice %arg7[%add3A_274, %dma_start3A_298] : memref<160x125xi32, #tpu.memory_space<vmem>> -> memref<1x125xi32, #tpu.memory_space<vmem>>
          %dma_start3A_300 = tpu.memref_squeeze %dma_start3A_299 : memref<1x125xi32, #tpu.memory_space<vmem>> -> memref<125xi32, #tpu.memory_space<vmem>>
          %dma_start3A_301 = arith.constant 0 : i32
          %dma_start3A_302 = arith.constant 0 : i32
          %dma_start3A_303 = tpu.memref_slice %arg2[%dma_start3A_301, %dma_start3A_302] : memref<10000x64xf32, #tpu.memory_space<hbm>> -> memref<10000x64xf32, #tpu.memory_space<hbm>>
          tpu.enqueue_indirect_dma source(%dma_start3A_303 : memref<10000x64xf32, #tpu.memory_space<hbm>>) target(%arg12 : memref<125x64xf32, #tpu.memory_space<vmem>>) offsets(%dma_start3A_300 : memref<125xi32, #tpu.memory_space<vmem>>) semaphore(%arg18 : memref<!tpu.dma_semaphore, #tpu.memory_space<semaphore_mem>>)
        } else {
        }
        %add3A_280 = arith.constant 5 : i32
        %add3A_281 = arith.addi %mul3A_165, %add3A_280 : i32
        %add3A_282 = arith.constant 4 : i32
        %add3A_283 = arith.addi %add3A_281, %add3A_282 : i32
        %lt3A_284 = arith.constant 160 : i32
        %lt3A_285 = arith.cmpi slt, %add3A_283, %lt3A_284 : i32
        %convert_element_type3A_286 = arith.extui %lt3A_285 : i1 to i32
        %cond3A_287 = arith.constant 0 : i32
        %cond3A_288 = arith.cmpi ne, %convert_element_type3A_286, %cond3A_287 : i32
        scf.if %cond3A_288 {
          %add3A_290 = arith.constant 4 : i32
          %add3A_291 = arith.addi %mul3A_165, %add3A_290 : i32
          %dma_wait3A_292 = arith.constant 0 : i32
          %dma_wait3A_293 = tpu.memref_slice %arg8[%add3A_291, %dma_wait3A_292] : memref<160x125xi32, #tpu.memory_space<vmem>> -> memref<1x125xi32, #tpu.memory_space<vmem>>
          %dma_wait3A_294 = tpu.memref_squeeze %dma_wait3A_293 : memref<1x125xi32, #tpu.memory_space<vmem>> -> memref<125xi32, #tpu.memory_space<vmem>>
          %dma_wait3A_295 = arith.constant 0 : i32
          %dma_wait3A_296 = arith.constant 0 : i32
          %dma_wait3A_297 = tpu.memref_slice %arg14[%dma_wait3A_295, %dma_wait3A_296] : memref<10000x64xf32, #tpu.memory_space<vmem_shared>> -> memref<10000x64xf32, #tpu.memory_space<vmem_shared>>
          tpu.wait_indirect_dma semaphore(%arg24 : memref<!tpu.dma_semaphore, #tpu.memory_space<semaphore_mem>>) src(%arg13 : memref<125x64xf32, #tpu.memory_space<vmem>>) dst(%dma_wait3A_297 : memref<10000x64xf32, #tpu.memory_space<vmem_shared>>)
          %dma_start3A_298 = arith.constant 0 : i32
          %dma_start3A_299 = tpu.memref_slice %arg7[%add3A_283, %dma_start3A_298] : memref<160x125xi32, #tpu.memory_space<vmem>> -> memref<1x125xi32, #tpu.memory_space<vmem>>
          %dma_start3A_300 = tpu.memref_squeeze %dma_start3A_299 : memref<1x125xi32, #tpu.memory_space<vmem>> -> memref<125xi32, #tpu.memory_space<vmem>>
          %dma_start3A_301 = arith.constant 0 : i32
          %dma_start3A_302 = arith.constant 0 : i32
          %dma_start3A_303 = tpu.memref_slice %arg2[%dma_start3A_301, %dma_start3A_302] : memref<10000x64xf32, #tpu.memory_space<hbm>> -> memref<10000x64xf32, #tpu.memory_space<hbm>>
          tpu.enqueue_indirect_dma source(%dma_start3A_303 : memref<10000x64xf32, #tpu.memory_space<hbm>>) target(%arg13 : memref<125x64xf32, #tpu.memory_space<vmem>>) offsets(%dma_start3A_300 : memref<125xi32, #tpu.memory_space<vmem>>) semaphore(%arg19 : memref<!tpu.dma_semaphore, #tpu.memory_space<semaphore_mem>>)
        } else {
        }
        %scan3A_289 = arith.constant 0 : i32
        scf.yield %scan3A_289 : i32
      }
      %scan3A_126 = arith.constant 32 : i32
      %dma_wait3A_127 = arith.constant 155 : i32
      %dma_wait3A_128 = arith.constant 0 : i32
      %dma_wait3A_129 = tpu.memref_slice %arg8[%dma_wait3A_127, %dma_wait3A_128] : memref<160x125xi32, #tpu.memory_space<vmem>> -> memref<1x125xi32, #tpu.memory_space<vmem>>
      %dma_wait3A_130 = tpu.memref_squeeze %dma_wait3A_129 : memref<1x125xi32, #tpu.memory_space<vmem>> -> memref<125xi32, #tpu.memory_space<vmem>>
      %dma_wait3A_131 = arith.constant 0 : i32
      %dma_wait3A_132 = arith.constant 0 : i32
      %dma_wait3A_133 = tpu.memref_slice %arg14[%dma_wait3A_131, %dma_wait3A_132] : memref<10000x64xf32, #tpu.memory_space<vmem_shared>> -> memref<10000x64xf32, #tpu.memory_space<vmem_shared>>
      tpu.wait_indirect_dma semaphore(%arg20 : memref<!tpu.dma_semaphore, #tpu.memory_space<semaphore_mem>>) src(%arg9 : memref<125x64xf32, #tpu.memory_space<vmem>>) dst(%dma_wait3A_133 : memref<10000x64xf32, #tpu.memory_space<vmem_shared>>)
      %dma_wait3A_134 = arith.constant 156 : i32
      %dma_wait3A_135 = arith.constant 0 : i32
      %dma_wait3A_136 = tpu.memref_slice %arg8[%dma_wait3A_134, %dma_wait3A_135] : memref<160x125xi32, #tpu.memory_space<vmem>> -> memref<1x125xi32, #tpu.memory_space<vmem>>
      %dma_wait3A_137 = tpu.memref_squeeze %dma_wait3A_136 : memref<1x125xi32, #tpu.memory_space<vmem>> -> memref<125xi32, #tpu.memory_space<vmem>>
      %dma_wait3A_138 = arith.constant 0 : i32
      %dma_wait3A_139 = arith.constant 0 : i32
      %dma_wait3A_140 = tpu.memref_slice %arg14[%dma_wait3A_138, %dma_wait3A_139] : memref<10000x64xf32, #tpu.memory_space<vmem_shared>> -> memref<10000x64xf32, #tpu.memory_space<vmem_shared>>
      tpu.wait_indirect_dma semaphore(%arg21 : memref<!tpu.dma_semaphore, #tpu.memory_space<semaphore_mem>>) src(%arg10 : memref<125x64xf32, #tpu.memory_space<vmem>>) dst(%dma_wait3A_140 : memref<10000x64xf32, #tpu.memory_space<vmem_shared>>)
      %dma_wait3A_141 = arith.constant 157 : i32
      %dma_wait3A_142 = arith.constant 0 : i32
      %dma_wait3A_143 = tpu.memref_slice %arg8[%dma_wait3A_141, %dma_wait3A_142] : memref<160x125xi32, #tpu.memory_space<vmem>> -> memref<1x125xi32, #tpu.memory_space<vmem>>
      %dma_wait3A_144 = tpu.memref_squeeze %dma_wait3A_143 : memref<1x125xi32, #tpu.memory_space<vmem>> -> memref<125xi32, #tpu.memory_space<vmem>>
      %dma_wait3A_145 = arith.constant 0 : i32
      %dma_wait3A_146 = arith.constant 0 : i32
      %dma_wait3A_147 = tpu.memref_slice %arg14[%dma_wait3A_145, %dma_wait3A_146] : memref<10000x64xf32, #tpu.memory_space<vmem_shared>> -> memref<10000x64xf32, #tpu.memory_space<vmem_shared>>
      tpu.wait_indirect_dma semaphore(%arg22 : memref<!tpu.dma_semaphore, #tpu.memory_space<semaphore_mem>>) src(%arg11 : memref<125x64xf32, #tpu.memory_space<vmem>>) dst(%dma_wait3A_147 : memref<10000x64xf32, #tpu.memory_space<vmem_shared>>)
      %dma_wait3A_148 = arith.constant 158 : i32
      %dma_wait3A_149 = arith.constant 0 : i32
      %dma_wait3A_150 = tpu.memref_slice %arg8[%dma_wait3A_148, %dma_wait3A_149] : memref<160x125xi32, #tpu.memory_space<vmem>> -> memref<1x125xi32, #tpu.memory_space<vmem>>
      %dma_wait3A_151 = tpu.memref_squeeze %dma_wait3A_150 : memref<1x125xi32, #tpu.memory_space<vmem>> -> memref<125xi32, #tpu.memory_space<vmem>>
      %dma_wait3A_152 = arith.constant 0 : i32
      %dma_wait3A_153 = arith.constant 0 : i32
      %dma_wait3A_154 = tpu.memref_slice %arg14[%dma_wait3A_152, %dma_wait3A_153] : memref<10000x64xf32, #tpu.memory_space<vmem_shared>> -> memref<10000x64xf32, #tpu.memory_space<vmem_shared>>
      tpu.wait_indirect_dma semaphore(%arg23 : memref<!tpu.dma_semaphore, #tpu.memory_space<semaphore_mem>>) src(%arg12 : memref<125x64xf32, #tpu.memory_space<vmem>>) dst(%dma_wait3A_154 : memref<10000x64xf32, #tpu.memory_space<vmem_shared>>)
      %dma_wait3A_155 = arith.constant 159 : i32
      %dma_wait3A_156 = arith.constant 0 : i32
      %dma_wait3A_157 = tpu.memref_slice %arg8[%dma_wait3A_155, %dma_wait3A_156] : memref<160x125xi32, #tpu.memory_space<vmem>> -> memref<1x125xi32, #tpu.memory_space<vmem>>
      %dma_wait3A_158 = tpu.memref_squeeze %dma_wait3A_157 : memref<1x125xi32, #tpu.memory_space<vmem>> -> memref<125xi32, #tpu.memory_space<vmem>>
      %dma_wait3A_159 = arith.constant 0 : i32
      %dma_wait3A_160 = arith.constant 0 : i32
      %dma_wait3A_161 = tpu.memref_slice %arg14[%dma_wait3A_159, %dma_wait3A_160] : memref<10000x64xf32, #tpu.memory_space<vmem_shared>> -> memref<10000x64xf32, #tpu.memory_space<vmem_shared>>
      tpu.wait_indirect_dma semaphore(%arg24 : memref<!tpu.dma_semaphore, #tpu.memory_space<semaphore_mem>>) src(%arg13 : memref<125x64xf32, #tpu.memory_space<vmem>>) dst(%dma_wait3A_161 : memref<10000x64xf32, #tpu.memory_space<vmem_shared>>)
    } else {
    }
    %eq3A_69 = arith.constant 1 : i32
    %eq3A_70 = arith.cmpi eq, %arg0, %eq3A_69 : i32
    %convert_element_type3A_71 = arith.extui %eq3A_70 : i1 to i32
    %cond3A_72 = arith.constant 0 : i32
    %cond3A_73 = arith.cmpi ne, %convert_element_type3A_71, %cond3A_72 : i32
    scf.if %cond3A_73 {
      %dma_start3A_85 = arith.constant 0 : i32
      %dma_start3A_86 = arith.constant 0 : i32
      %dma_start3A_87 = tpu.memref_slice %arg7[%dma_start3A_85, %dma_start3A_86] : memref<160x125xi32, #tpu.memory_space<vmem>> -> memref<1x125xi32, #tpu.memory_space<vmem>>
      %dma_start3A_88 = tpu.memref_squeeze %dma_start3A_87 : memref<1x125xi32, #tpu.memory_space<vmem>> -> memref<125xi32, #tpu.memory_space<vmem>>
      %dma_start3A_89 = arith.constant 0 : i32
      %dma_start3A_90 = arith.constant 0 : i32
      %dma_start3A_91 = tpu.memref_slice %arg3[%dma_start3A_89, %dma_start3A_90] : memref<10000x64xf32, #tpu.memory_space<hbm>> -> memref<10000x64xf32, #tpu.memory_space<hbm>>
      tpu.enqueue_indirect_dma source(%dma_start3A_91 : memref<10000x64xf32, #tpu.memory_space<hbm>>) target(%arg9 : memref<125x64xf32, #tpu.memory_space<vmem>>) offsets(%dma_start3A_88 : memref<125xi32, #tpu.memory_space<vmem>>) semaphore(%arg15 : memref<!tpu.dma_semaphore, #tpu.memory_space<semaphore_mem>>)
      %dma_start3A_92 = arith.constant 1 : i32
      %dma_start3A_93 = arith.constant 0 : i32
      %dma_start3A_94 = tpu.memref_slice %arg7[%dma_start3A_92, %dma_start3A_93] : memref<160x125xi32, #tpu.memory_space<vmem>> -> memref<1x125xi32, #tpu.memory_space<vmem>>
      %dma_start3A_95 = tpu.memref_squeeze %dma_start3A_94 : memref<1x125xi32, #tpu.memory_space<vmem>> -> memref<125xi32, #tpu.memory_space<vmem>>
      %dma_start3A_96 = arith.constant 0 : i32
      %dma_start3A_97 = arith.constant 0 : i32
      %dma_start3A_98 = tpu.memref_slice %arg3[%dma_start3A_96, %dma_start3A_97] : memref<10000x64xf32, #tpu.memory_space<hbm>> -> memref<10000x64xf32, #tpu.memory_space<hbm>>
      tpu.enqueue_indirect_dma source(%dma_start3A_98 : memref<10000x64xf32, #tpu.memory_space<hbm>>) target(%arg10 : memref<125x64xf32, #tpu.memory_space<vmem>>) offsets(%dma_start3A_95 : memref<125xi32, #tpu.memory_space<vmem>>) semaphore(%arg16 : memref<!tpu.dma_semaphore, #tpu.memory_space<semaphore_mem>>)
      %dma_start3A_99 = arith.constant 2 : i32
      %dma_start3A_100 = arith.constant 0 : i32
      %dma_start3A_101 = tpu.memref_slice %arg7[%dma_start3A_99, %dma_start3A_100] : memref<160x125xi32, #tpu.memory_space<vmem>> -> memref<1x125xi32, #tpu.memory_space<vmem>>
      %dma_start3A_102 = tpu.memref_squeeze %dma_start3A_101 : memref<1x125xi32, #tpu.memory_space<vmem>> -> memref<125xi32, #tpu.memory_space<vmem>>
      %dma_start3A_103 = arith.constant 0 : i32
      %dma_start3A_104 = arith.constant 0 : i32
      %dma_start3A_105 = tpu.memref_slice %arg3[%dma_start3A_103, %dma_start3A_104] : memref<10000x64xf32, #tpu.memory_space<hbm>> -> memref<10000x64xf32, #tpu.memory_space<hbm>>
      tpu.enqueue_indirect_dma source(%dma_start3A_105 : memref<10000x64xf32, #tpu.memory_space<hbm>>) target(%arg11 : memref<125x64xf32, #tpu.memory_space<vmem>>) offsets(%dma_start3A_102 : memref<125xi32, #tpu.memory_space<vmem>>) semaphore(%arg17 : memref<!tpu.dma_semaphore, #tpu.memory_space<semaphore_mem>>)
      %dma_start3A_106 = arith.constant 3 : i32
      %dma_start3A_107 = arith.constant 0 : i32
      %dma_start3A_108 = tpu.memref_slice %arg7[%dma_start3A_106, %dma_start3A_107] : memref<160x125xi32, #tpu.memory_space<vmem>> -> memref<1x125xi32, #tpu.memory_space<vmem>>
      %dma_start3A_109 = tpu.memref_squeeze %dma_start3A_108 : memref<1x125xi32, #tpu.memory_space<vmem>> -> memref<125xi32, #tpu.memory_space<vmem>>
      %dma_start3A_110 = arith.constant 0 : i32
      %dma_start3A_111 = arith.constant 0 : i32
      %dma_start3A_112 = tpu.memref_slice %arg3[%dma_start3A_110, %dma_start3A_111] : memref<10000x64xf32, #tpu.memory_space<hbm>> -> memref<10000x64xf32, #tpu.memory_space<hbm>>
      tpu.enqueue_indirect_dma source(%dma_start3A_112 : memref<10000x64xf32, #tpu.memory_space<hbm>>) target(%arg12 : memref<125x64xf32, #tpu.memory_space<vmem>>) offsets(%dma_start3A_109 : memref<125xi32, #tpu.memory_space<vmem>>) semaphore(%arg18 : memref<!tpu.dma_semaphore, #tpu.memory_space<semaphore_mem>>)
      %dma_start3A_113 = arith.constant 4 : i32
      %dma_start3A_114 = arith.constant 0 : i32
      %dma_start3A_115 = tpu.memref_slice %arg7[%dma_start3A_113, %dma_start3A_114] : memref<160x125xi32, #tpu.memory_space<vmem>> -> memref<1x125xi32, #tpu.memory_space<vmem>>
      %dma_start3A_116 = tpu.memref_squeeze %dma_start3A_115 : memref<1x125xi32, #tpu.memory_space<vmem>> -> memref<125xi32, #tpu.memory_space<vmem>>
      %dma_start3A_117 = arith.constant 0 : i32
      %dma_start3A_118 = arith.constant 0 : i32
      %dma_start3A_119 = tpu.memref_slice %arg3[%dma_start3A_117, %dma_start3A_118] : memref<10000x64xf32, #tpu.memory_space<hbm>> -> memref<10000x64xf32, #tpu.memory_space<hbm>>
      tpu.enqueue_indirect_dma source(%dma_start3A_119 : memref<10000x64xf32, #tpu.memory_space<hbm>>) target(%arg13 : memref<125x64xf32, #tpu.memory_space<vmem>>) offsets(%dma_start3A_116 : memref<125xi32, #tpu.memory_space<vmem>>) semaphore(%arg19 : memref<!tpu.dma_semaphore, #tpu.memory_space<semaphore_mem>>)
      %scan3A_120 = arith.constant 0 : i32
      %scan3A_121 = arith.constant 0 : i32
      %scan3A_122 = arith.constant 32 : i32
      %scan3A_123 = arith.addi %scan3A_121, %scan3A_122 : i32
      %scan3A_124 = arith.constant 1 : i32
      %scan3A_125 = scf.for %scan3A_162 = %scan3A_121 to %scan3A_123 step %scan3A_124 iter_args(%scan3A_163 = %scan3A_120) -> (i32)  : i32 {
        %mul3A_164 = arith.constant 5 : i32
        %mul3A_165 = arith.muli %scan3A_162, %mul3A_164 : i32
        %add3A = arith.constant 0 : i32
        %add3A_166 = arith.addi %mul3A_165, %add3A : i32
        %dma_wait3A_167 = arith.constant 0 : i32
        %dma_wait3A_168 = tpu.memref_slice %arg7[%add3A_166, %dma_wait3A_167] : memref<160x125xi32, #tpu.memory_space<vmem>> -> memref<1x125xi32, #tpu.memory_space<vmem>>
        %dma_wait3A_169 = tpu.memref_squeeze %dma_wait3A_168 : memref<1x125xi32, #tpu.memory_space<vmem>> -> memref<125xi32, #tpu.memory_space<vmem>>
        %dma_wait3A_170 = arith.constant 0 : i32
        %dma_wait3A_171 = arith.constant 0 : i32
        %dma_wait3A_172 = tpu.memref_slice %arg3[%dma_wait3A_170, %dma_wait3A_171] : memref<10000x64xf32, #tpu.memory_space<hbm>> -> memref<10000x64xf32, #tpu.memory_space<hbm>>
        tpu.wait_indirect_dma semaphore(%arg15 : memref<!tpu.dma_semaphore, #tpu.memory_space<semaphore_mem>>) src(%dma_wait3A_172 : memref<10000x64xf32, #tpu.memory_space<hbm>>) dst(%arg9 : memref<125x64xf32, #tpu.memory_space<vmem>>)
        %add3A_173 = arith.constant 0 : i32
        %add3A_174 = arith.addi %mul3A_165, %add3A_173 : i32
        %dma_start3A_175 = arith.constant 0 : i32
        %dma_start3A_176 = tpu.memref_slice %arg8[%add3A_174, %dma_start3A_175] : memref<160x125xi32, #tpu.memory_space<vmem>> -> memref<1x125xi32, #tpu.memory_space<vmem>>
        %dma_start3A_177 = tpu.memref_squeeze %dma_start3A_176 : memref<1x125xi32, #tpu.memory_space<vmem>> -> memref<125xi32, #tpu.memory_space<vmem>>
        %dma_start3A_178 = arith.constant 0 : i32
        %dma_start3A_179 = arith.constant 0 : i32
        %dma_start3A_180 = tpu.memref_slice %arg14[%dma_start3A_178, %dma_start3A_179] : memref<10000x64xf32, #tpu.memory_space<vmem_shared>> -> memref<10000x64xf32, #tpu.memory_space<vmem_shared>>
        tpu.enqueue_indirect_dma source(%arg9 : memref<125x64xf32, #tpu.memory_space<vmem>>) target(%dma_start3A_180 : memref<10000x64xf32, #tpu.memory_space<vmem_shared>>) offsets(%dma_start3A_177 : memref<125xi32, #tpu.memory_space<vmem>>) semaphore(%arg20 : memref<!tpu.dma_semaphore, #tpu.memory_space<semaphore_mem>>) {add = true}
        %add3A_181 = arith.constant 1 : i32
        %add3A_182 = arith.addi %mul3A_165, %add3A_181 : i32
        %dma_wait3A_183 = arith.constant 0 : i32
        %dma_wait3A_184 = tpu.memref_slice %arg7[%add3A_182, %dma_wait3A_183] : memref<160x125xi32, #tpu.memory_space<vmem>> -> memref<1x125xi32, #tpu.memory_space<vmem>>
        %dma_wait3A_185 = tpu.memref_squeeze %dma_wait3A_184 : memref<1x125xi32, #tpu.memory_space<vmem>> -> memref<125xi32, #tpu.memory_space<vmem>>
        %dma_wait3A_186 = arith.constant 0 : i32
        %dma_wait3A_187 = arith.constant 0 : i32
        %dma_wait3A_188 = tpu.memref_slice %arg3[%dma_wait3A_186, %dma_wait3A_187] : memref<10000x64xf32, #tpu.memory_space<hbm>> -> memref<10000x64xf32, #tpu.memory_space<hbm>>
        tpu.wait_indirect_dma semaphore(%arg16 : memref<!tpu.dma_semaphore, #tpu.memory_space<semaphore_mem>>) src(%dma_wait3A_188 : memref<10000x64xf32, #tpu.memory_space<hbm>>) dst(%arg10 : memref<125x64xf32, #tpu.memory_space<vmem>>)
        %add3A_189 = arith.constant 1 : i32
        %add3A_190 = arith.addi %mul3A_165, %add3A_189 : i32
        %dma_start3A_191 = arith.constant 0 : i32
        %dma_start3A_192 = tpu.memref_slice %arg8[%add3A_190, %dma_start3A_191] : memref<160x125xi32, #tpu.memory_space<vmem>> -> memref<1x125xi32, #tpu.memory_space<vmem>>
        %dma_start3A_193 = tpu.memref_squeeze %dma_start3A_192 : memref<1x125xi32, #tpu.memory_space<vmem>> -> memref<125xi32, #tpu.memory_space<vmem>>
        %dma_start3A_194 = arith.constant 0 : i32
        %dma_start3A_195 = arith.constant 0 : i32
        %dma_start3A_196 = tpu.memref_slice %arg14[%dma_start3A_194, %dma_start3A_195] : memref<10000x64xf32, #tpu.memory_space<vmem_shared>> -> memref<10000x64xf32, #tpu.memory_space<vmem_shared>>
        tpu.enqueue_indirect_dma source(%arg10 : memref<125x64xf32, #tpu.memory_space<vmem>>) target(%dma_start3A_196 : memref<10000x64xf32, #tpu.memory_space<vmem_shared>>) offsets(%dma_start3A_193 : memref<125xi32, #tpu.memory_space<vmem>>) semaphore(%arg21 : memref<!tpu.dma_semaphore, #tpu.memory_space<semaphore_mem>>) {add = true}
        %add3A_197 = arith.constant 2 : i32
        %add3A_198 = arith.addi %mul3A_165, %add3A_197 : i32
        %dma_wait3A_199 = arith.constant 0 : i32
        %dma_wait3A_200 = tpu.memref_slice %arg7[%add3A_198, %dma_wait3A_199] : memref<160x125xi32, #tpu.memory_space<vmem>> -> memref<1x125xi32, #tpu.memory_space<vmem>>
        %dma_wait3A_201 = tpu.memref_squeeze %dma_wait3A_200 : memref<1x125xi32, #tpu.memory_space<vmem>> -> memref<125xi32, #tpu.memory_space<vmem>>
        %dma_wait3A_202 = arith.constant 0 : i32
        %dma_wait3A_203 = arith.constant 0 : i32
        %dma_wait3A_204 = tpu.memref_slice %arg3[%dma_wait3A_202, %dma_wait3A_203] : memref<10000x64xf32, #tpu.memory_space<hbm>> -> memref<10000x64xf32, #tpu.memory_space<hbm>>
        tpu.wait_indirect_dma semaphore(%arg17 : memref<!tpu.dma_semaphore, #tpu.memory_space<semaphore_mem>>) src(%dma_wait3A_204 : memref<10000x64xf32, #tpu.memory_space<hbm>>) dst(%arg11 : memref<125x64xf32, #tpu.memory_space<vmem>>)
        %add3A_205 = arith.constant 2 : i32
        %add3A_206 = arith.addi %mul3A_165, %add3A_205 : i32
        %dma_start3A_207 = arith.constant 0 : i32
        %dma_start3A_208 = tpu.memref_slice %arg8[%add3A_206, %dma_start3A_207] : memref<160x125xi32, #tpu.memory_space<vmem>> -> memref<1x125xi32, #tpu.memory_space<vmem>>
        %dma_start3A_209 = tpu.memref_squeeze %dma_start3A_208 : memref<1x125xi32, #tpu.memory_space<vmem>> -> memref<125xi32, #tpu.memory_space<vmem>>
        %dma_start3A_210 = arith.constant 0 : i32
        %dma_start3A_211 = arith.constant 0 : i32
        %dma_start3A_212 = tpu.memref_slice %arg14[%dma_start3A_210, %dma_start3A_211] : memref<10000x64xf32, #tpu.memory_space<vmem_shared>> -> memref<10000x64xf32, #tpu.memory_space<vmem_shared>>
        tpu.enqueue_indirect_dma source(%arg11 : memref<125x64xf32, #tpu.memory_space<vmem>>) target(%dma_start3A_212 : memref<10000x64xf32, #tpu.memory_space<vmem_shared>>) offsets(%dma_start3A_209 : memref<125xi32, #tpu.memory_space<vmem>>) semaphore(%arg22 : memref<!tpu.dma_semaphore, #tpu.memory_space<semaphore_mem>>) {add = true}
        %add3A_213 = arith.constant 3 : i32
        %add3A_214 = arith.addi %mul3A_165, %add3A_213 : i32
        %dma_wait3A_215 = arith.constant 0 : i32
        %dma_wait3A_216 = tpu.memref_slice %arg7[%add3A_214, %dma_wait3A_215] : memref<160x125xi32, #tpu.memory_space<vmem>> -> memref<1x125xi32, #tpu.memory_space<vmem>>
        %dma_wait3A_217 = tpu.memref_squeeze %dma_wait3A_216 : memref<1x125xi32, #tpu.memory_space<vmem>> -> memref<125xi32, #tpu.memory_space<vmem>>
        %dma_wait3A_218 = arith.constant 0 : i32
        %dma_wait3A_219 = arith.constant 0 : i32
        %dma_wait3A_220 = tpu.memref_slice %arg3[%dma_wait3A_218, %dma_wait3A_219] : memref<10000x64xf32, #tpu.memory_space<hbm>> -> memref<10000x64xf32, #tpu.memory_space<hbm>>
        tpu.wait_indirect_dma semaphore(%arg18 : memref<!tpu.dma_semaphore, #tpu.memory_space<semaphore_mem>>) src(%dma_wait3A_220 : memref<10000x64xf32, #tpu.memory_space<hbm>>) dst(%arg12 : memref<125x64xf32, #tpu.memory_space<vmem>>)
        %add3A_221 = arith.constant 3 : i32
        %add3A_222 = arith.addi %mul3A_165, %add3A_221 : i32
        %dma_start3A_223 = arith.constant 0 : i32
        %dma_start3A_224 = tpu.memref_slice %arg8[%add3A_222, %dma_start3A_223] : memref<160x125xi32, #tpu.memory_space<vmem>> -> memref<1x125xi32, #tpu.memory_space<vmem>>
        %dma_start3A_225 = tpu.memref_squeeze %dma_start3A_224 : memref<1x125xi32, #tpu.memory_space<vmem>> -> memref<125xi32, #tpu.memory_space<vmem>>
        %dma_start3A_226 = arith.constant 0 : i32
        %dma_start3A_227 = arith.constant 0 : i32
        %dma_start3A_228 = tpu.memref_slice %arg14[%dma_start3A_226, %dma_start3A_227] : memref<10000x64xf32, #tpu.memory_space<vmem_shared>> -> memref<10000x64xf32, #tpu.memory_space<vmem_shared>>
        tpu.enqueue_indirect_dma source(%arg12 : memref<125x64xf32, #tpu.memory_space<vmem>>) target(%dma_start3A_228 : memref<10000x64xf32, #tpu.memory_space<vmem_shared>>) offsets(%dma_start3A_225 : memref<125xi32, #tpu.memory_space<vmem>>) semaphore(%arg23 : memref<!tpu.dma_semaphore, #tpu.memory_space<semaphore_mem>>) {add = true}
        %add3A_229 = arith.constant 4 : i32
        %add3A_230 = arith.addi %mul3A_165, %add3A_229 : i32
        %dma_wait3A_231 = arith.constant 0 : i32
        %dma_wait3A_232 = tpu.memref_slice %arg7[%add3A_230, %dma_wait3A_231] : memref<160x125xi32, #tpu.memory_space<vmem>> -> memref<1x125xi32, #tpu.memory_space<vmem>>
        %dma_wait3A_233 = tpu.memref_squeeze %dma_wait3A_232 : memref<1x125xi32, #tpu.memory_space<vmem>> -> memref<125xi32, #tpu.memory_space<vmem>>
        %dma_wait3A_234 = arith.constant 0 : i32
        %dma_wait3A_235 = arith.constant 0 : i32
        %dma_wait3A_236 = tpu.memref_slice %arg3[%dma_wait3A_234, %dma_wait3A_235] : memref<10000x64xf32, #tpu.memory_space<hbm>> -> memref<10000x64xf32, #tpu.memory_space<hbm>>
        tpu.wait_indirect_dma semaphore(%arg19 : memref<!tpu.dma_semaphore, #tpu.memory_space<semaphore_mem>>) src(%dma_wait3A_236 : memref<10000x64xf32, #tpu.memory_space<hbm>>) dst(%arg13 : memref<125x64xf32, #tpu.memory_space<vmem>>)
        %add3A_237 = arith.constant 4 : i32
        %add3A_238 = arith.addi %mul3A_165, %add3A_237 : i32
        %dma_start3A_239 = arith.constant 0 : i32
        %dma_start3A_240 = tpu.memref_slice %arg8[%add3A_238, %dma_start3A_239] : memref<160x125xi32, #tpu.memory_space<vmem>> -> memref<1x125xi32, #tpu.memory_space<vmem>>
        %dma_start3A_241 = tpu.memref_squeeze %dma_start3A_240 : memref<1x125xi32, #tpu.memory_space<vmem>> -> memref<125xi32, #tpu.memory_space<vmem>>
        %dma_start3A_242 = arith.constant 0 : i32
        %dma_start3A_243 = arith.constant 0 : i32
        %dma_start3A_244 = tpu.memref_slice %arg14[%dma_start3A_242, %dma_start3A_243] : memref<10000x64xf32, #tpu.memory_space<vmem_shared>> -> memref<10000x64xf32, #tpu.memory_space<vmem_shared>>
        tpu.enqueue_indirect_dma source(%arg13 : memref<125x64xf32, #tpu.memory_space<vmem>>) target(%dma_start3A_244 : memref<10000x64xf32, #tpu.memory_space<vmem_shared>>) offsets(%dma_start3A_241 : memref<125xi32, #tpu.memory_space<vmem>>) semaphore(%arg24 : memref<!tpu.dma_semaphore, #tpu.memory_space<semaphore_mem>>) {add = true}
        %add3A_245 = arith.constant 5 : i32
        %add3A_246 = arith.addi %mul3A_165, %add3A_245 : i32
        %add3A_247 = arith.constant 0 : i32
        %add3A_248 = arith.addi %add3A_246, %add3A_247 : i32
        %lt3A = arith.constant 160 : i32
        %lt3A_249 = arith.cmpi slt, %add3A_248, %lt3A : i32
        %convert_element_type3A_250 = arith.extui %lt3A_249 : i1 to i32
        %cond3A_251 = arith.constant 0 : i32
        %cond3A_252 = arith.cmpi ne, %convert_element_type3A_250, %cond3A_251 : i32
        scf.if %cond3A_252 {
          %add3A_290 = arith.constant 0 : i32
          %add3A_291 = arith.addi %mul3A_165, %add3A_290 : i32
          %dma_wait3A_292 = arith.constant 0 : i32
          %dma_wait3A_293 = tpu.memref_slice %arg8[%add3A_291, %dma_wait3A_292] : memref<160x125xi32, #tpu.memory_space<vmem>> -> memref<1x125xi32, #tpu.memory_space<vmem>>
          %dma_wait3A_294 = tpu.memref_squeeze %dma_wait3A_293 : memref<1x125xi32, #tpu.memory_space<vmem>> -> memref<125xi32, #tpu.memory_space<vmem>>
          %dma_wait3A_295 = arith.constant 0 : i32
          %dma_wait3A_296 = arith.constant 0 : i32
          %dma_wait3A_297 = tpu.memref_slice %arg14[%dma_wait3A_295, %dma_wait3A_296] : memref<10000x64xf32, #tpu.memory_space<vmem_shared>> -> memref<10000x64xf32, #tpu.memory_space<vmem_shared>>
          tpu.wait_indirect_dma semaphore(%arg20 : memref<!tpu.dma_semaphore, #tpu.memory_space<semaphore_mem>>) src(%arg9 : memref<125x64xf32, #tpu.memory_space<vmem>>) dst(%dma_wait3A_297 : memref<10000x64xf32, #tpu.memory_space<vmem_shared>>)
          %dma_start3A_298 = arith.constant 0 : i32
          %dma_start3A_299 = tpu.memref_slice %arg7[%add3A_248, %dma_start3A_298] : memref<160x125xi32, #tpu.memory_space<vmem>> -> memref<1x125xi32, #tpu.memory_space<vmem>>
          %dma_start3A_300 = tpu.memref_squeeze %dma_start3A_299 : memref<1x125xi32, #tpu.memory_space<vmem>> -> memref<125xi32, #tpu.memory_space<vmem>>
          %dma_start3A_301 = arith.constant 0 : i32
          %dma_start3A_302 = arith.constant 0 : i32
          %dma_start3A_303 = tpu.memref_slice %arg3[%dma_start3A_301, %dma_start3A_302] : memref<10000x64xf32, #tpu.memory_space<hbm>> -> memref<10000x64xf32, #tpu.memory_space<hbm>>
          tpu.enqueue_indirect_dma source(%dma_start3A_303 : memref<10000x64xf32, #tpu.memory_space<hbm>>) target(%arg9 : memref<125x64xf32, #tpu.memory_space<vmem>>) offsets(%dma_start3A_300 : memref<125xi32, #tpu.memory_space<vmem>>) semaphore(%arg15 : memref<!tpu.dma_semaphore, #tpu.memory_space<semaphore_mem>>)
        } else {
        }
        %add3A_253 = arith.constant 5 : i32
        %add3A_254 = arith.addi %mul3A_165, %add3A_253 : i32
        %add3A_255 = arith.constant 1 : i32
        %add3A_256 = arith.addi %add3A_254, %add3A_255 : i32
        %lt3A_257 = arith.constant 160 : i32
        %lt3A_258 = arith.cmpi slt, %add3A_256, %lt3A_257 : i32
        %convert_element_type3A_259 = arith.extui %lt3A_258 : i1 to i32
        %cond3A_260 = arith.constant 0 : i32
        %cond3A_261 = arith.cmpi ne, %convert_element_type3A_259, %cond3A_260 : i32
        scf.if %cond3A_261 {
          %add3A_290 = arith.constant 1 : i32
          %add3A_291 = arith.addi %mul3A_165, %add3A_290 : i32
          %dma_wait3A_292 = arith.constant 0 : i32
          %dma_wait3A_293 = tpu.memref_slice %arg8[%add3A_291, %dma_wait3A_292] : memref<160x125xi32, #tpu.memory_space<vmem>> -> memref<1x125xi32, #tpu.memory_space<vmem>>
          %dma_wait3A_294 = tpu.memref_squeeze %dma_wait3A_293 : memref<1x125xi32, #tpu.memory_space<vmem>> -> memref<125xi32, #tpu.memory_space<vmem>>
          %dma_wait3A_295 = arith.constant 0 : i32
          %dma_wait3A_296 = arith.constant 0 : i32
          %dma_wait3A_297 = tpu.memref_slice %arg14[%dma_wait3A_295, %dma_wait3A_296] : memref<10000x64xf32, #tpu.memory_space<vmem_shared>> -> memref<10000x64xf32, #tpu.memory_space<vmem_shared>>
          tpu.wait_indirect_dma semaphore(%arg21 : memref<!tpu.dma_semaphore, #tpu.memory_space<semaphore_mem>>) src(%arg10 : memref<125x64xf32, #tpu.memory_space<vmem>>) dst(%dma_wait3A_297 : memref<10000x64xf32, #tpu.memory_space<vmem_shared>>)
          %dma_start3A_298 = arith.constant 0 : i32
          %dma_start3A_299 = tpu.memref_slice %arg7[%add3A_256, %dma_start3A_298] : memref<160x125xi32, #tpu.memory_space<vmem>> -> memref<1x125xi32, #tpu.memory_space<vmem>>
          %dma_start3A_300 = tpu.memref_squeeze %dma_start3A_299 : memref<1x125xi32, #tpu.memory_space<vmem>> -> memref<125xi32, #tpu.memory_space<vmem>>
          %dma_start3A_301 = arith.constant 0 : i32
          %dma_start3A_302 = arith.constant 0 : i32
          %dma_start3A_303 = tpu.memref_slice %arg3[%dma_start3A_301, %dma_start3A_302] : memref<10000x64xf32, #tpu.memory_space<hbm>> -> memref<10000x64xf32, #tpu.memory_space<hbm>>
          tpu.enqueue_indirect_dma source(%dma_start3A_303 : memref<10000x64xf32, #tpu.memory_space<hbm>>) target(%arg10 : memref<125x64xf32, #tpu.memory_space<vmem>>) offsets(%dma_start3A_300 : memref<125xi32, #tpu.memory_space<vmem>>) semaphore(%arg16 : memref<!tpu.dma_semaphore, #tpu.memory_space<semaphore_mem>>)
        } else {
        }
        %add3A_262 = arith.constant 5 : i32
        %add3A_263 = arith.addi %mul3A_165, %add3A_262 : i32
        %add3A_264 = arith.constant 2 : i32
        %add3A_265 = arith.addi %add3A_263, %add3A_264 : i32
        %lt3A_266 = arith.constant 160 : i32
        %lt3A_267 = arith.cmpi slt, %add3A_265, %lt3A_266 : i32
        %convert_element_type3A_268 = arith.extui %lt3A_267 : i1 to i32
        %cond3A_269 = arith.constant 0 : i32
        %cond3A_270 = arith.cmpi ne, %convert_element_type3A_268, %cond3A_269 : i32
        scf.if %cond3A_270 {
          %add3A_290 = arith.constant 2 : i32
          %add3A_291 = arith.addi %mul3A_165, %add3A_290 : i32
          %dma_wait3A_292 = arith.constant 0 : i32
          %dma_wait3A_293 = tpu.memref_slice %arg8[%add3A_291, %dma_wait3A_292] : memref<160x125xi32, #tpu.memory_space<vmem>> -> memref<1x125xi32, #tpu.memory_space<vmem>>
          %dma_wait3A_294 = tpu.memref_squeeze %dma_wait3A_293 : memref<1x125xi32, #tpu.memory_space<vmem>> -> memref<125xi32, #tpu.memory_space<vmem>>
          %dma_wait3A_295 = arith.constant 0 : i32
          %dma_wait3A_296 = arith.constant 0 : i32
          %dma_wait3A_297 = tpu.memref_slice %arg14[%dma_wait3A_295, %dma_wait3A_296] : memref<10000x64xf32, #tpu.memory_space<vmem_shared>> -> memref<10000x64xf32, #tpu.memory_space<vmem_shared>>
          tpu.wait_indirect_dma semaphore(%arg22 : memref<!tpu.dma_semaphore, #tpu.memory_space<semaphore_mem>>) src(%arg11 : memref<125x64xf32, #tpu.memory_space<vmem>>) dst(%dma_wait3A_297 : memref<10000x64xf32, #tpu.memory_space<vmem_shared>>)
          %dma_start3A_298 = arith.constant 0 : i32
          %dma_start3A_299 = tpu.memref_slice %arg7[%add3A_265, %dma_start3A_298] : memref<160x125xi32, #tpu.memory_space<vmem>> -> memref<1x125xi32, #tpu.memory_space<vmem>>
          %dma_start3A_300 = tpu.memref_squeeze %dma_start3A_299 : memref<1x125xi32, #tpu.memory_space<vmem>> -> memref<125xi32, #tpu.memory_space<vmem>>
          %dma_start3A_301 = arith.constant 0 : i32
          %dma_start3A_302 = arith.constant 0 : i32
          %dma_start3A_303 = tpu.memref_slice %arg3[%dma_start3A_301, %dma_start3A_302] : memref<10000x64xf32, #tpu.memory_space<hbm>> -> memref<10000x64xf32, #tpu.memory_space<hbm>>
          tpu.enqueue_indirect_dma source(%dma_start3A_303 : memref<10000x64xf32, #tpu.memory_space<hbm>>) target(%arg11 : memref<125x64xf32, #tpu.memory_space<vmem>>) offsets(%dma_start3A_300 : memref<125xi32, #tpu.memory_space<vmem>>) semaphore(%arg17 : memref<!tpu.dma_semaphore, #tpu.memory_space<semaphore_mem>>)
        } else {
        }
        %add3A_271 = arith.constant 5 : i32
        %add3A_272 = arith.addi %mul3A_165, %add3A_271 : i32
        %add3A_273 = arith.constant 3 : i32
        %add3A_274 = arith.addi %add3A_272, %add3A_273 : i32
        %lt3A_275 = arith.constant 160 : i32
        %lt3A_276 = arith.cmpi slt, %add3A_274, %lt3A_275 : i32
        %convert_element_type3A_277 = arith.extui %lt3A_276 : i1 to i32
        %cond3A_278 = arith.constant 0 : i32
        %cond3A_279 = arith.cmpi ne, %convert_element_type3A_277, %cond3A_278 : i32
        scf.if %cond3A_279 {
          %add3A_290 = arith.constant 3 : i32
          %add3A_291 = arith.addi %mul3A_165, %add3A_290 : i32
          %dma_wait3A_292 = arith.constant 0 : i32
          %dma_wait3A_293 = tpu.memref_slice %arg8[%add3A_291, %dma_wait3A_292] : memref<160x125xi32, #tpu.memory_space<vmem>> -> memref<1x125xi32, #tpu.memory_space<vmem>>
          %dma_wait3A_294 = tpu.memref_squeeze %dma_wait3A_293 : memref<1x125xi32, #tpu.memory_space<vmem>> -> memref<125xi32, #tpu.memory_space<vmem>>
          %dma_wait3A_295 = arith.constant 0 : i32
          %dma_wait3A_296 = arith.constant 0 : i32
          %dma_wait3A_297 = tpu.memref_slice %arg14[%dma_wait3A_295, %dma_wait3A_296] : memref<10000x64xf32, #tpu.memory_space<vmem_shared>> -> memref<10000x64xf32, #tpu.memory_space<vmem_shared>>
          tpu.wait_indirect_dma semaphore(%arg23 : memref<!tpu.dma_semaphore, #tpu.memory_space<semaphore_mem>>) src(%arg12 : memref<125x64xf32, #tpu.memory_space<vmem>>) dst(%dma_wait3A_297 : memref<10000x64xf32, #tpu.memory_space<vmem_shared>>)
          %dma_start3A_298 = arith.constant 0 : i32
          %dma_start3A_299 = tpu.memref_slice %arg7[%add3A_274, %dma_start3A_298] : memref<160x125xi32, #tpu.memory_space<vmem>> -> memref<1x125xi32, #tpu.memory_space<vmem>>
          %dma_start3A_300 = tpu.memref_squeeze %dma_start3A_299 : memref<1x125xi32, #tpu.memory_space<vmem>> -> memref<125xi32, #tpu.memory_space<vmem>>
          %dma_start3A_301 = arith.constant 0 : i32
          %dma_start3A_302 = arith.constant 0 : i32
          %dma_start3A_303 = tpu.memref_slice %arg3[%dma_start3A_301, %dma_start3A_302] : memref<10000x64xf32, #tpu.memory_space<hbm>> -> memref<10000x64xf32, #tpu.memory_space<hbm>>
          tpu.enqueue_indirect_dma source(%dma_start3A_303 : memref<10000x64xf32, #tpu.memory_space<hbm>>) target(%arg12 : memref<125x64xf32, #tpu.memory_space<vmem>>) offsets(%dma_start3A_300 : memref<125xi32, #tpu.memory_space<vmem>>) semaphore(%arg18 : memref<!tpu.dma_semaphore, #tpu.memory_space<semaphore_mem>>)
        } else {
        }
        %add3A_280 = arith.constant 5 : i32
        %add3A_281 = arith.addi %mul3A_165, %add3A_280 : i32
        %add3A_282 = arith.constant 4 : i32
        %add3A_283 = arith.addi %add3A_281, %add3A_282 : i32
        %lt3A_284 = arith.constant 160 : i32
        %lt3A_285 = arith.cmpi slt, %add3A_283, %lt3A_284 : i32
        %convert_element_type3A_286 = arith.extui %lt3A_285 : i1 to i32
        %cond3A_287 = arith.constant 0 : i32
        %cond3A_288 = arith.cmpi ne, %convert_element_type3A_286, %cond3A_287 : i32
        scf.if %cond3A_288 {
          %add3A_290 = arith.constant 4 : i32
          %add3A_291 = arith.addi %mul3A_165, %add3A_290 : i32
          %dma_wait3A_292 = arith.constant 0 : i32
          %dma_wait3A_293 = tpu.memref_slice %arg8[%add3A_291, %dma_wait3A_292] : memref<160x125xi32, #tpu.memory_space<vmem>> -> memref<1x125xi32, #tpu.memory_space<vmem>>
          %dma_wait3A_294 = tpu.memref_squeeze %dma_wait3A_293 : memref<1x125xi32, #tpu.memory_space<vmem>> -> memref<125xi32, #tpu.memory_space<vmem>>
          %dma_wait3A_295 = arith.constant 0 : i32
          %dma_wait3A_296 = arith.constant 0 : i32
          %dma_wait3A_297 = tpu.memref_slice %arg14[%dma_wait3A_295, %dma_wait3A_296] : memref<10000x64xf32, #tpu.memory_space<vmem_shared>> -> memref<10000x64xf32, #tpu.memory_space<vmem_shared>>
          tpu.wait_indirect_dma semaphore(%arg24 : memref<!tpu.dma_semaphore, #tpu.memory_space<semaphore_mem>>) src(%arg13 : memref<125x64xf32, #tpu.memory_space<vmem>>) dst(%dma_wait3A_297 : memref<10000x64xf32, #tpu.memory_space<vmem_shared>>)
          %dma_start3A_298 = arith.constant 0 : i32
          %dma_start3A_299 = tpu.memref_slice %arg7[%add3A_283, %dma_start3A_298] : memref<160x125xi32, #tpu.memory_space<vmem>> -> memref<1x125xi32, #tpu.memory_space<vmem>>
          %dma_start3A_300 = tpu.memref_squeeze %dma_start3A_299 : memref<1x125xi32, #tpu.memory_space<vmem>> -> memref<125xi32, #tpu.memory_space<vmem>>
          %dma_start3A_301 = arith.constant 0 : i32
          %dma_start3A_302 = arith.constant 0 : i32
          %dma_start3A_303 = tpu.memref_slice %arg3[%dma_start3A_301, %dma_start3A_302] : memref<10000x64xf32, #tpu.memory_space<hbm>> -> memref<10000x64xf32, #tpu.memory_space<hbm>>
          tpu.enqueue_indirect_dma source(%dma_start3A_303 : memref<10000x64xf32, #tpu.memory_space<hbm>>) target(%arg13 : memref<125x64xf32, #tpu.memory_space<vmem>>) offsets(%dma_start3A_300 : memref<125xi32, #tpu.memory_space<vmem>>) semaphore(%arg19 : memref<!tpu.dma_semaphore, #tpu.memory_space<semaphore_mem>>)
        } else {
        }
        %scan3A_289 = arith.constant 0 : i32
        scf.yield %scan3A_289 : i32
      }
      %scan3A_126 = arith.constant 32 : i32
      %dma_wait3A_127 = arith.constant 155 : i32
      %dma_wait3A_128 = arith.constant 0 : i32
      %dma_wait3A_129 = tpu.memref_slice %arg8[%dma_wait3A_127, %dma_wait3A_128] : memref<160x125xi32, #tpu.memory_space<vmem>> -> memref<1x125xi32, #tpu.memory_space<vmem>>
      %dma_wait3A_130 = tpu.memref_squeeze %dma_wait3A_129 : memref<1x125xi32, #tpu.memory_space<vmem>> -> memref<125xi32, #tpu.memory_space<vmem>>
      %dma_wait3A_131 = arith.constant 0 : i32
      %dma_wait3A_132 = arith.constant 0 : i32
      %dma_wait3A_133 = tpu.memref_slice %arg14[%dma_wait3A_131, %dma_wait3A_132] : memref<10000x64xf32, #tpu.memory_space<vmem_shared>> -> memref<10000x64xf32, #tpu.memory_space<vmem_shared>>
      tpu.wait_indirect_dma semaphore(%arg20 : memref<!tpu.dma_semaphore, #tpu.memory_space<semaphore_mem>>) src(%arg9 : memref<125x64xf32, #tpu.memory_space<vmem>>) dst(%dma_wait3A_133 : memref<10000x64xf32, #tpu.memory_space<vmem_shared>>)
      %dma_wait3A_134 = arith.constant 156 : i32
      %dma_wait3A_135 = arith.constant 0 : i32
      %dma_wait3A_136 = tpu.memref_slice %arg8[%dma_wait3A_134, %dma_wait3A_135] : memref<160x125xi32, #tpu.memory_space<vmem>> -> memref<1x125xi32, #tpu.memory_space<vmem>>
      %dma_wait3A_137 = tpu.memref_squeeze %dma_wait3A_136 : memref<1x125xi32, #tpu.memory_space<vmem>> -> memref<125xi32, #tpu.memory_space<vmem>>
      %dma_wait3A_138 = arith.constant 0 : i32
      %dma_wait3A_139 = arith.constant 0 : i32
      %dma_wait3A_140 = tpu.memref_slice %arg14[%dma_wait3A_138, %dma_wait3A_139] : memref<10000x64xf32, #tpu.memory_space<vmem_shared>> -> memref<10000x64xf32, #tpu.memory_space<vmem_shared>>
      tpu.wait_indirect_dma semaphore(%arg21 : memref<!tpu.dma_semaphore, #tpu.memory_space<semaphore_mem>>) src(%arg10 : memref<125x64xf32, #tpu.memory_space<vmem>>) dst(%dma_wait3A_140 : memref<10000x64xf32, #tpu.memory_space<vmem_shared>>)
      %dma_wait3A_141 = arith.constant 157 : i32
      %dma_wait3A_142 = arith.constant 0 : i32
      %dma_wait3A_143 = tpu.memref_slice %arg8[%dma_wait3A_141, %dma_wait3A_142] : memref<160x125xi32, #tpu.memory_space<vmem>> -> memref<1x125xi32, #tpu.memory_space<vmem>>
      %dma_wait3A_144 = tpu.memref_squeeze %dma_wait3A_143 : memref<1x125xi32, #tpu.memory_space<vmem>> -> memref<125xi32, #tpu.memory_space<vmem>>
      %dma_wait3A_145 = arith.constant 0 : i32
      %dma_wait3A_146 = arith.constant 0 : i32
      %dma_wait3A_147 = tpu.memref_slice %arg14[%dma_wait3A_145, %dma_wait3A_146] : memref<10000x64xf32, #tpu.memory_space<vmem_shared>> -> memref<10000x64xf32, #tpu.memory_space<vmem_shared>>
      tpu.wait_indirect_dma semaphore(%arg22 : memref<!tpu.dma_semaphore, #tpu.memory_space<semaphore_mem>>) src(%arg11 : memref<125x64xf32, #tpu.memory_space<vmem>>) dst(%dma_wait3A_147 : memref<10000x64xf32, #tpu.memory_space<vmem_shared>>)
      %dma_wait3A_148 = arith.constant 158 : i32
      %dma_wait3A_149 = arith.constant 0 : i32
      %dma_wait3A_150 = tpu.memref_slice %arg8[%dma_wait3A_148, %dma_wait3A_149] : memref<160x125xi32, #tpu.memory_space<vmem>> -> memref<1x125xi32, #tpu.memory_space<vmem>>
      %dma_wait3A_151 = tpu.memref_squeeze %dma_wait3A_150 : memref<1x125xi32, #tpu.memory_space<vmem>> -> memref<125xi32, #tpu.memory_space<vmem>>
      %dma_wait3A_152 = arith.constant 0 : i32
      %dma_wait3A_153 = arith.constant 0 : i32
      %dma_wait3A_154 = tpu.memref_slice %arg14[%dma_wait3A_152, %dma_wait3A_153] : memref<10000x64xf32, #tpu.memory_space<vmem_shared>> -> memref<10000x64xf32, #tpu.memory_space<vmem_shared>>
      tpu.wait_indirect_dma semaphore(%arg23 : memref<!tpu.dma_semaphore, #tpu.memory_space<semaphore_mem>>) src(%arg12 : memref<125x64xf32, #tpu.memory_space<vmem>>) dst(%dma_wait3A_154 : memref<10000x64xf32, #tpu.memory_space<vmem_shared>>)
      %dma_wait3A_155 = arith.constant 159 : i32
      %dma_wait3A_156 = arith.constant 0 : i32
      %dma_wait3A_157 = tpu.memref_slice %arg8[%dma_wait3A_155, %dma_wait3A_156] : memref<160x125xi32, #tpu.memory_space<vmem>> -> memref<1x125xi32, #tpu.memory_space<vmem>>
      %dma_wait3A_158 = tpu.memref_squeeze %dma_wait3A_157 : memref<1x125xi32, #tpu.memory_space<vmem>> -> memref<125xi32, #tpu.memory_space<vmem>>
      %dma_wait3A_159 = arith.constant 0 : i32
      %dma_wait3A_160 = arith.constant 0 : i32
      %dma_wait3A_161 = tpu.memref_slice %arg14[%dma_wait3A_159, %dma_wait3A_160] : memref<10000x64xf32, #tpu.memory_space<vmem_shared>> -> memref<10000x64xf32, #tpu.memory_space<vmem_shared>>
      tpu.wait_indirect_dma semaphore(%arg24 : memref<!tpu.dma_semaphore, #tpu.memory_space<semaphore_mem>>) src(%arg13 : memref<125x64xf32, #tpu.memory_space<vmem>>) dst(%dma_wait3A_161 : memref<10000x64xf32, #tpu.memory_space<vmem_shared>>)
    } else {
    }
    %barrier3A_74 = arith.constant 0 : index
    tpu.barrier barrier_id(%barrier3A_74)
    %eq3A_75 = arith.constant 0 : i32
    %eq3A_76 = arith.cmpi eq, %arg0, %eq3A_75 : i32
    %convert_element_type3A_77 = arith.extui %eq3A_76 : i1 to i32
    %cond3A_78 = arith.constant 0 : i32
    %cond3A_79 = arith.cmpi ne, %convert_element_type3A_77, %cond3A_78 : i32
    scf.if %cond3A_79 {
      %lt3A = arith.constant 15 : i32
      %lt3A_85 = arith.cmpi slt, %arg1, %lt3A : i32
      %convert_element_type3A_86 = arith.extui %lt3A_85 : i1 to i32
      %cond3A_87 = arith.constant 0 : i32
      %cond3A_88 = arith.cmpi ne, %convert_element_type3A_86, %cond3A_87 : i32
      scf.if %cond3A_88 {
        "tpu.region"() ({
          %run_scoped3A = tpu.sem_alloc : memref<!tpu.dma_semaphore, #tpu.memory_space<semaphore_mem>>
          %dma_start3A_94 = arith.constant 0 : i32
          %dma_start3A_95 = tpu.memref_slice %arg5[%mul3A_23, %dma_start3A_94] : memref<10000x64xf32, #tpu.memory_space<hbm>> -> memref<624x64xf32, #tpu.memory_space<hbm>>
          %dma_start3A_96 = arith.constant 0 : i32
          %dma_start3A_97 = tpu.memref_slice %arg14[%mul3A_23, %dma_start3A_96] : memref<10000x64xf32, #tpu.memory_space<vmem_shared>> -> memref<624x64xf32, #tpu.memory_space<vmem_shared>>
          tpu.enqueue_dma source(%dma_start3A_97 : memref<624x64xf32, #tpu.memory_space<vmem_shared>>) target(%dma_start3A_95 : memref<624x64xf32, #tpu.memory_space<hbm>>) target_semaphore(%run_scoped3A : memref<!tpu.dma_semaphore, #tpu.memory_space<semaphore_mem>>)
          %dma_wait3A_98 = arith.constant 0 : i32
          %dma_wait3A_99 = tpu.memref_slice %arg5[%mul3A_23, %dma_wait3A_98] : memref<10000x64xf32, #tpu.memory_space<hbm>> -> memref<624x64xf32, #tpu.memory_space<hbm>>
          %dma_wait3A_100 = arith.constant 0 : i32
          %dma_wait3A_101 = tpu.memref_slice %arg14[%mul3A_23, %dma_wait3A_100] : memref<10000x64xf32, #tpu.memory_space<vmem_shared>> -> memref<624x64xf32, #tpu.memory_space<vmem_shared>>
          tpu.wait_dma2 semaphore(%run_scoped3A : memref<!tpu.dma_semaphore, #tpu.memory_space<semaphore_mem>>) src(%dma_wait3A_101 : memref<624x64xf32, #tpu.memory_space<vmem_shared>>) dst(%dma_wait3A_99 : memref<624x64xf32, #tpu.memory_space<hbm>>)
          tpu.yield
        }) : () -> ()
      } else {
      }
      %eq3A_89 = arith.constant 15 : i32
      %eq3A_90 = arith.cmpi eq, %arg1, %eq3A_89 : i32
      %convert_element_type3A_91 = arith.extui %eq3A_90 : i1 to i32
      %cond3A_92 = arith.constant 0 : i32
      %cond3A_93 = arith.cmpi ne, %convert_element_type3A_91, %cond3A_92 : i32
      scf.if %cond3A_93 {
        "tpu.region"() ({
          %run_scoped3A = tpu.sem_alloc : memref<!tpu.dma_semaphore, #tpu.memory_space<semaphore_mem>>
          %dma_start3A_94 = arith.constant 9360 : i32
          %dma_start3A_95 = arith.constant 0 : i32
          %dma_start3A_96 = tpu.memref_slice %arg5[%dma_start3A_94, %dma_start3A_95] : memref<10000x64xf32, #tpu.memory_space<hbm>> -> memref<640x64xf32, #tpu.memory_space<hbm>>
          %dma_start3A_97 = arith.constant 9360 : i32
          %dma_start3A_98 = arith.constant 0 : i32
          %dma_start3A_99 = tpu.memref_slice %arg14[%dma_start3A_97, %dma_start3A_98] : memref<10000x64xf32, #tpu.memory_space<vmem_shared>> -> memref<640x64xf32, #tpu.memory_space<vmem_shared>>
          tpu.enqueue_dma source(%dma_start3A_99 : memref<640x64xf32, #tpu.memory_space<vmem_shared>>) target(%dma_start3A_96 : memref<640x64xf32, #tpu.memory_space<hbm>>) target_semaphore(%run_scoped3A : memref<!tpu.dma_semaphore, #tpu.memory_space<semaphore_mem>>)
          %dma_wait3A_100 = arith.constant 9360 : i32
          %dma_wait3A_101 = arith.constant 0 : i32
          %dma_wait3A_102 = tpu.memref_slice %arg5[%dma_wait3A_100, %dma_wait3A_101] : memref<10000x64xf32, #tpu.memory_space<hbm>> -> memref<640x64xf32, #tpu.memory_space<hbm>>
          %dma_wait3A_103 = arith.constant 9360 : i32
          %dma_wait3A_104 = arith.constant 0 : i32
          %dma_wait3A_105 = tpu.memref_slice %arg14[%dma_wait3A_103, %dma_wait3A_104] : memref<10000x64xf32, #tpu.memory_space<vmem_shared>> -> memref<640x64xf32, #tpu.memory_space<vmem_shared>>
          tpu.wait_dma2 semaphore(%run_scoped3A : memref<!tpu.dma_semaphore, #tpu.memory_space<semaphore_mem>>) src(%dma_wait3A_105 : memref<640x64xf32, #tpu.memory_space<vmem_shared>>) dst(%dma_wait3A_102 : memref<640x64xf32, #tpu.memory_space<hbm>>)
          tpu.yield
        }) : () -> ()
      } else {
      }
    } else {
    }
    %eq3A_80 = arith.constant 1 : i32
    %eq3A_81 = arith.cmpi eq, %arg0, %eq3A_80 : i32
    %convert_element_type3A_82 = arith.extui %eq3A_81 : i1 to i32
    %cond3A_83 = arith.constant 0 : i32
    %cond3A_84 = arith.cmpi ne, %convert_element_type3A_82, %cond3A_83 : i32
    scf.if %cond3A_84 {
      %lt3A = arith.constant 15 : i32
      %lt3A_85 = arith.cmpi slt, %arg1, %lt3A : i32
      %convert_element_type3A_86 = arith.extui %lt3A_85 : i1 to i32
      %cond3A_87 = arith.constant 0 : i32
      %cond3A_88 = arith.cmpi ne, %convert_element_type3A_86, %cond3A_87 : i32
      scf.if %cond3A_88 {
        "tpu.region"() ({
          %run_scoped3A = tpu.sem_alloc : memref<!tpu.dma_semaphore, #tpu.memory_space<semaphore_mem>>
          %dma_start3A_94 = arith.constant 0 : i32
          %dma_start3A_95 = tpu.memref_slice %arg6[%mul3A_23, %dma_start3A_94] : memref<10000x64xf32, #tpu.memory_space<hbm>> -> memref<624x64xf32, #tpu.memory_space<hbm>>
          %dma_start3A_96 = arith.constant 0 : i32
          %dma_start3A_97 = tpu.memref_slice %arg14[%mul3A_23, %dma_start3A_96] : memref<10000x64xf32, #tpu.memory_space<vmem_shared>> -> memref<624x64xf32, #tpu.memory_space<vmem_shared>>
          tpu.enqueue_dma source(%dma_start3A_97 : memref<624x64xf32, #tpu.memory_space<vmem_shared>>) target(%dma_start3A_95 : memref<624x64xf32, #tpu.memory_space<hbm>>) target_semaphore(%run_scoped3A : memref<!tpu.dma_semaphore, #tpu.memory_space<semaphore_mem>>)
          %dma_wait3A_98 = arith.constant 0 : i32
          %dma_wait3A_99 = tpu.memref_slice %arg6[%mul3A_23, %dma_wait3A_98] : memref<10000x64xf32, #tpu.memory_space<hbm>> -> memref<624x64xf32, #tpu.memory_space<hbm>>
          %dma_wait3A_100 = arith.constant 0 : i32
          %dma_wait3A_101 = tpu.memref_slice %arg14[%mul3A_23, %dma_wait3A_100] : memref<10000x64xf32, #tpu.memory_space<vmem_shared>> -> memref<624x64xf32, #tpu.memory_space<vmem_shared>>
          tpu.wait_dma2 semaphore(%run_scoped3A : memref<!tpu.dma_semaphore, #tpu.memory_space<semaphore_mem>>) src(%dma_wait3A_101 : memref<624x64xf32, #tpu.memory_space<vmem_shared>>) dst(%dma_wait3A_99 : memref<624x64xf32, #tpu.memory_space<hbm>>)
          tpu.yield
        }) : () -> ()
      } else {
      }
      %eq3A_89 = arith.constant 15 : i32
      %eq3A_90 = arith.cmpi eq, %arg1, %eq3A_89 : i32
      %convert_element_type3A_91 = arith.extui %eq3A_90 : i1 to i32
      %cond3A_92 = arith.constant 0 : i32
      %cond3A_93 = arith.cmpi ne, %convert_element_type3A_91, %cond3A_92 : i32
      scf.if %cond3A_93 {
        "tpu.region"() ({
          %run_scoped3A = tpu.sem_alloc : memref<!tpu.dma_semaphore, #tpu.memory_space<semaphore_mem>>
          %dma_start3A_94 = arith.constant 9360 : i32
          %dma_start3A_95 = arith.constant 0 : i32
          %dma_start3A_96 = tpu.memref_slice %arg6[%dma_start3A_94, %dma_start3A_95] : memref<10000x64xf32, #tpu.memory_space<hbm>> -> memref<640x64xf32, #tpu.memory_space<hbm>>
          %dma_start3A_97 = arith.constant 9360 : i32
          %dma_start3A_98 = arith.constant 0 : i32
          %dma_start3A_99 = tpu.memref_slice %arg14[%dma_start3A_97, %dma_start3A_98] : memref<10000x64xf32, #tpu.memory_space<vmem_shared>> -> memref<640x64xf32, #tpu.memory_space<vmem_shared>>
          tpu.enqueue_dma source(%dma_start3A_99 : memref<640x64xf32, #tpu.memory_space<vmem_shared>>) target(%dma_start3A_96 : memref<640x64xf32, #tpu.memory_space<hbm>>) target_semaphore(%run_scoped3A : memref<!tpu.dma_semaphore, #tpu.memory_space<semaphore_mem>>)
          %dma_wait3A_100 = arith.constant 9360 : i32
          %dma_wait3A_101 = arith.constant 0 : i32
          %dma_wait3A_102 = tpu.memref_slice %arg6[%dma_wait3A_100, %dma_wait3A_101] : memref<10000x64xf32, #tpu.memory_space<hbm>> -> memref<640x64xf32, #tpu.memory_space<hbm>>
          %dma_wait3A_103 = arith.constant 9360 : i32
          %dma_wait3A_104 = arith.constant 0 : i32
          %dma_wait3A_105 = tpu.memref_slice %arg14[%dma_wait3A_103, %dma_wait3A_104] : memref<10000x64xf32, #tpu.memory_space<vmem_shared>> -> memref<640x64xf32, #tpu.memory_space<vmem_shared>>
          tpu.wait_dma2 semaphore(%run_scoped3A : memref<!tpu.dma_semaphore, #tpu.memory_space<semaphore_mem>>) src(%dma_wait3A_105 : memref<640x64xf32, #tpu.memory_space<vmem_shared>>) dst(%dma_wait3A_102 : memref<640x64xf32, #tpu.memory_space<hbm>>)
          tpu.yield
        }) : () -> ()
      } else {
      }
    } else {
    }
    return
  }
}

module attributes {stable_mosaic.version = 14 : i64} {
  func.func @_enc_body(%arg0: memref<10000x128xf32, #tpu.memory_space<vmem>>, %arg1: memref<128x128xf32, #tpu.memory_space<vmem>>, %arg2: memref<10000x64xf32, #tpu.memory_space<vmem>>, %arg3: memref<10000x64xf32, #tpu.memory_space<vmem>>) attributes {dimension_semantics = [], scalar_prefetch = 0 : i64, scratch_operands = 0 : i64, tpu.core_type = #tpu.core_type<tc>} {
    %get3A = arith.constant 0 : index
    %get3A_0 = arith.constant 0 : index
    %get3A_1 = vector.load %arg0[%get3A, %get3A_0] : memref<10000x128xf32, #tpu.memory_space<vmem>>, vector<10000x128xf32>
    %get3A_2 = arith.constant 0 : index
    %get3A_3 = arith.constant 0 : index
    %get3A_4 = vector.load %arg1[%get3A_2, %get3A_3] : memref<128x128xf32, #tpu.memory_space<vmem>>, vector<128x128xf32>
    %dot_general3A = arith.constant dense<0.000000e+00> : vector<10000x128xf32>
    %dot_general3A_5 = tpu.matmul %get3A_1, %get3A_4, %dot_general3A {dimension_numbers = #tpu.dot_dimension_numbers<[1], [0], [0], [1], [0, 0, 1, 1], [], []>, transpose_lhs_hint = false} : vector<10000x128xf32>, vector<128x128xf32>, vector<10000x128xf32> -> vector<10000x128xf32>
    %slice3A = vector.extract_strided_slice %dot_general3A_5 {offsets = [0, 0], sizes = [10000, 64], strides = [1, 1]} : vector<10000x128xf32> to vector<10000x64xf32>
    %swap3A = arith.constant 0 : index
    %swap3A_6 = arith.constant 0 : index
    %swap3A_7 = vector.load %arg2[%swap3A, %swap3A_6] : memref<10000x64xf32, #tpu.memory_space<vmem>>, vector<10000x64xf32>
    tpu.vector_store %arg2[%swap3A, %swap3A_6], %slice3A {strides = array<i32>} : memref<10000x64xf32, #tpu.memory_space<vmem>>, vector<10000x64xf32>,
    %slice3A_8 = vector.extract_strided_slice %dot_general3A_5 {offsets = [0, 64], sizes = [10000, 64], strides = [1, 1]} : vector<10000x128xf32> to vector<10000x64xf32>
    %swap3A_9 = arith.constant 0 : index
    %swap3A_10 = arith.constant 0 : index
    %swap3A_11 = vector.load %arg3[%swap3A_9, %swap3A_10] : memref<10000x64xf32, #tpu.memory_space<vmem>>, vector<10000x64xf32>
    tpu.vector_store %arg3[%swap3A_9, %swap3A_10], %slice3A_8 {strides = array<i32>} : memref<10000x64xf32, #tpu.memory_space<vmem>>, vector<10000x64xf32>,
    return
  }
}

module attributes {stable_mosaic.version = 14 : i64} {
  func.func @_mlp_body(%arg0: memref<10000x64xf32, #tpu.memory_space<vmem>>, %arg1: memref<10000x64xf32, #tpu.memory_space<vmem>>, %arg2: memref<10000x64xf32, #tpu.memory_space<vmem>>, %arg3: memref<10000x64xf32, #tpu.memory_space<vmem>>, %arg4: memref<128x256xf32, #tpu.memory_space<vmem>>, %arg5: memref<256x128xf32, #tpu.memory_space<vmem>>, %arg6: memref<128xf32, #tpu.memory_space<vmem>>, %arg7: memref<128xf32, #tpu.memory_space<vmem>>, %arg8: memref<10000x64xf32, #tpu.memory_space<vmem>>, %arg9: memref<10000x64xf32, #tpu.memory_space<vmem>>) attributes {dimension_semantics = [], scalar_prefetch = 0 : i64, scratch_operands = 0 : i64, tpu.core_type = #tpu.core_type<tc>} {
    %get3A = arith.constant 0 : index
    %get3A_0 = arith.constant 0 : index
    %get3A_1 = vector.load %arg0[%get3A, %get3A_0] : memref<10000x64xf32, #tpu.memory_space<vmem>>, vector<10000x64xf32>
    %get3A_2 = arith.constant 0 : index
    %get3A_3 = arith.constant 0 : index
    %get3A_4 = vector.load %arg2[%get3A_2, %get3A_3] : memref<10000x64xf32, #tpu.memory_space<vmem>>, vector<10000x64xf32>
    %add3A = arith.addf %get3A_1, %get3A_4 : vector<10000x64xf32>
    %get3A_5 = arith.constant 0 : index
    %get3A_6 = arith.constant 0 : index
    %get3A_7 = vector.load %arg1[%get3A_5, %get3A_6] : memref<10000x64xf32, #tpu.memory_space<vmem>>, vector<10000x64xf32>
    %get3A_8 = arith.constant 0 : index
    %get3A_9 = arith.constant 0 : index
    %get3A_10 = vector.load %arg3[%get3A_8, %get3A_9] : memref<10000x64xf32, #tpu.memory_space<vmem>>, vector<10000x64xf32>
    %add3A_11 = arith.addf %get3A_7, %get3A_10 : vector<10000x64xf32>
    %concatenate3A = tpu.concatenate %add3A, %add3A_11 in 1 : vector<10000x64xf32>, vector<10000x64xf32> -> vector<10000x128xf32>
    %get3A_12 = arith.constant 0 : index
    %get3A_13 = arith.constant 0 : index
    %get3A_14 = vector.load %arg4[%get3A_12, %get3A_13] : memref<128x256xf32, #tpu.memory_space<vmem>>, vector<128x256xf32>
    %dot_general3A = arith.constant dense<0.000000e+00> : vector<10000x256xf32>
    %dot_general3A_15 = tpu.matmul %concatenate3A, %get3A_14, %dot_general3A {dimension_numbers = #tpu.dot_dimension_numbers<[1], [0], [0], [1], [0, 0, 1, 1], [], []>, transpose_lhs_hint = false} : vector<10000x128xf32>, vector<128x256xf32>, vector<10000x256xf32> -> vector<10000x256xf32>
    %mul3A = arith.constant 5.000000e-01 : f32
    %mul3A_16 = vector.broadcast %mul3A : f32 to vector<10000x256xf32>
    %mul3A_17 = arith.mulf %dot_general3A_15, %mul3A_16 : vector<10000x256xf32>
    %mul3A_18 = arith.constant 0.707106769 : f32
    %mul3A_19 = vector.broadcast %mul3A_18 : f32 to vector<10000x256xf32>
    %mul3A_20 = arith.mulf %dot_general3A_15, %mul3A_19 : vector<10000x256xf32>
    %erf3A = math.erf %mul3A_20 : vector<10000x256xf32>
    %add3A_21 = arith.constant 1.000000e+00 : f32
    %add3A_22 = vector.broadcast %add3A_21 : f32 to vector<10000x256xf32>
    %add3A_23 = arith.addf %add3A_22, %erf3A : vector<10000x256xf32>
    %mul3A_24 = arith.mulf %mul3A_17, %add3A_23 : vector<10000x256xf32>
    %get3A_25 = arith.constant 0 : index
    %get3A_26 = arith.constant 0 : index
    %get3A_27 = vector.load %arg5[%get3A_25, %get3A_26] : memref<256x128xf32, #tpu.memory_space<vmem>>, vector<256x128xf32>
    %dot_general3A_28 = arith.constant dense<0.000000e+00> : vector<10000x128xf32>
    %dot_general3A_29 = tpu.matmul %mul3A_24, %get3A_27, %dot_general3A_28 {dimension_numbers = #tpu.dot_dimension_numbers<[1], [0], [0], [1], [0, 0, 1, 1], [], []>, transpose_lhs_hint = false} : vector<10000x256xf32>, vector<256x128xf32>, vector<10000x128xf32> -> vector<10000x128xf32>
    %broadcast_in_dim3A = arith.constant 1.000000e+00 : f32
    %broadcast_in_dim3A_30 = vector.broadcast %broadcast_in_dim3A : f32 to vector<8x10000xf32>
    %dot_general3A_31 = arith.constant dense<0.000000e+00> : vector<8x128xf32>
    %dot_general3A_32 = tpu.matmul %broadcast_in_dim3A_30, %dot_general3A_29, %dot_general3A_31 {dimension_numbers = #tpu.dot_dimension_numbers<[1], [0], [0], [1], [0, 0, 1, 1], [], []>, precision = #tpu.contract_precision<fp32>, transpose_lhs_hint = false} : vector<8x10000xf32>, vector<10000x128xf32>, vector<8x128xf32> -> vector<8x128xf32>
    %slice3A = vector.extract_strided_slice %dot_general3A_32 {offsets = [0, 0], sizes = [1, 128], strides = [1, 1]} : vector<8x128xf32> to vector<1x128xf32>
    %mul3A_33 = arith.mulf %dot_general3A_29, %dot_general3A_29 : vector<10000x128xf32>
    %dot_general3A_34 = arith.constant dense<0.000000e+00> : vector<8x128xf32>
    %dot_general3A_35 = tpu.matmul %broadcast_in_dim3A_30, %mul3A_33, %dot_general3A_34 {dimension_numbers = #tpu.dot_dimension_numbers<[1], [0], [0], [1], [0, 0, 1, 1], [], []>, precision = #tpu.contract_precision<fp32>, transpose_lhs_hint = false} : vector<8x10000xf32>, vector<10000x128xf32>, vector<8x128xf32> -> vector<8x128xf32>
    %slice3A_36 = vector.extract_strided_slice %dot_general3A_35 {offsets = [0, 0], sizes = [1, 128], strides = [1, 1]} : vector<8x128xf32> to vector<1x128xf32>
    %mul3A_37 = arith.constant 9.99999974E-5 : f32
    %mul3A_38 = vector.broadcast %mul3A_37 : f32 to vector<1x128xf32>
    %mul3A_39 = arith.mulf %slice3A, %mul3A_38 : vector<1x128xf32>
    %mul3A_40 = arith.constant 9.99999974E-5 : f32
    %mul3A_41 = vector.broadcast %mul3A_40 : f32 to vector<1x128xf32>
    %mul3A_42 = arith.mulf %slice3A_36, %mul3A_41 : vector<1x128xf32>
    %mul3A_43 = arith.mulf %mul3A_39, %mul3A_39 : vector<1x128xf32>
    %sub3A = arith.subf %mul3A_42, %mul3A_43 : vector<1x128xf32>
    %add3A_44 = arith.constant 9.99999974E-6 : f32
    %add3A_45 = vector.broadcast %add3A_44 : f32 to vector<1x128xf32>
    %add3A_46 = arith.addf %sub3A, %add3A_45 : vector<1x128xf32>
    %rsqrt3A = math.rsqrt %add3A_46 : vector<1x128xf32>
    %sub3A_47 = vector.broadcast %mul3A_39 : vector<1x128xf32> to vector<10000x128xf32>
    %sub3A_48 = arith.subf %dot_general3A_29, %sub3A_47 : vector<10000x128xf32>
    %mul3A_49 = vector.broadcast %rsqrt3A : vector<1x128xf32> to vector<10000x128xf32>
    %mul3A_50 = arith.mulf %sub3A_48, %mul3A_49 : vector<10000x128xf32>
    %get3A_51 = arith.constant 0 : index
    %get3A_52 = vector.load %arg6[%get3A_51] : memref<128xf32, #tpu.memory_space<vmem>>, vector<128xf32>
    %broadcast_in_dim3A_53 = vector.shape_cast %get3A_52 : vector<128xf32> to vector<1x128xf32>
    %mul3A_54 = vector.broadcast %broadcast_in_dim3A_53 : vector<1x128xf32> to vector<10000x128xf32>
    %mul3A_55 = arith.mulf %mul3A_50, %mul3A_54 : vector<10000x128xf32>
    %get3A_56 = arith.constant 0 : index
    %get3A_57 = vector.load %arg7[%get3A_56] : memref<128xf32, #tpu.memory_space<vmem>>, vector<128xf32>
    %broadcast_in_dim3A_58 = vector.shape_cast %get3A_57 : vector<128xf32> to vector<1x128xf32>
    %add3A_59 = vector.broadcast %broadcast_in_dim3A_58 : vector<1x128xf32> to vector<10000x128xf32>
    %add3A_60 = arith.addf %mul3A_55, %add3A_59 : vector<10000x128xf32>
    %mul3A_61 = arith.constant 5.000000e-01 : f32
    %mul3A_62 = vector.broadcast %mul3A_61 : f32 to vector<10000x128xf32>
    %mul3A_63 = arith.mulf %add3A_60, %mul3A_62 : vector<10000x128xf32>
    %mul3A_64 = arith.constant 0.707106769 : f32
    %mul3A_65 = vector.broadcast %mul3A_64 : f32 to vector<10000x128xf32>
    %mul3A_66 = arith.mulf %add3A_60, %mul3A_65 : vector<10000x128xf32>
    %erf3A_67 = math.erf %mul3A_66 : vector<10000x128xf32>
    %add3A_68 = arith.constant 1.000000e+00 : f32
    %add3A_69 = vector.broadcast %add3A_68 : f32 to vector<10000x128xf32>
    %add3A_70 = arith.addf %add3A_69, %erf3A_67 : vector<10000x128xf32>
    %mul3A_71 = arith.mulf %mul3A_63, %add3A_70 : vector<10000x128xf32>
    %slice3A_72 = vector.extract_strided_slice %mul3A_71 {offsets = [0, 0], sizes = [10000, 64], strides = [1, 1]} : vector<10000x128xf32> to vector<10000x64xf32>
    %swap3A = arith.constant 0 : index
    %swap3A_73 = arith.constant 0 : index
    %swap3A_74 = vector.load %arg8[%swap3A, %swap3A_73] : memref<10000x64xf32, #tpu.memory_space<vmem>>, vector<10000x64xf32>
    tpu.vector_store %arg8[%swap3A, %swap3A_73], %slice3A_72 {strides = array<i32>} : memref<10000x64xf32, #tpu.memory_space<vmem>>, vector<10000x64xf32>,
    %slice3A_75 = vector.extract_strided_slice %mul3A_71 {offsets = [0, 64], sizes = [10000, 64], strides = [1, 1]} : vector<10000x128xf32> to vector<10000x64xf32>
    %swap3A_76 = arith.constant 0 : index
    %swap3A_77 = arith.constant 0 : index
    %swap3A_78 = vector.load %arg9[%swap3A_76, %swap3A_77] : memref<10000x64xf32, #tpu.memory_space<vmem>>, vector<10000x64xf32>
    tpu.vector_store %arg9[%swap3A_76, %swap3A_77], %slice3A_75 {strides = array<i32>} : memref<10000x64xf32, #tpu.memory_space<vmem>>, vector<10000x64xf32>,
    return
  }
}

module attributes {stable_mosaic.version = 14 : i64} {
  func.func @_mlp_body(%arg0: memref<10000x64xf32, #tpu.memory_space<vmem>>, %arg1: memref<10000x64xf32, #tpu.memory_space<vmem>>, %arg2: memref<10000x64xf32, #tpu.memory_space<vmem>>, %arg3: memref<10000x64xf32, #tpu.memory_space<vmem>>, %arg4: memref<128x256xf32, #tpu.memory_space<vmem>>, %arg5: memref<256x128xf32, #tpu.memory_space<vmem>>, %arg6: memref<128xf32, #tpu.memory_space<vmem>>, %arg7: memref<128xf32, #tpu.memory_space<vmem>>, %arg8: memref<10000x128xf32, #tpu.memory_space<vmem>>) attributes {dimension_semantics = [], scalar_prefetch = 0 : i64, scratch_operands = 0 : i64, tpu.core_type = #tpu.core_type<tc>} {
    %get3A = arith.constant 0 : index
    %get3A_0 = arith.constant 0 : index
    %get3A_1 = vector.load %arg0[%get3A, %get3A_0] : memref<10000x64xf32, #tpu.memory_space<vmem>>, vector<10000x64xf32>
    %get3A_2 = arith.constant 0 : index
    %get3A_3 = arith.constant 0 : index
    %get3A_4 = vector.load %arg2[%get3A_2, %get3A_3] : memref<10000x64xf32, #tpu.memory_space<vmem>>, vector<10000x64xf32>
    %add3A = arith.addf %get3A_1, %get3A_4 : vector<10000x64xf32>
    %get3A_5 = arith.constant 0 : index
    %get3A_6 = arith.constant 0 : index
    %get3A_7 = vector.load %arg1[%get3A_5, %get3A_6] : memref<10000x64xf32, #tpu.memory_space<vmem>>, vector<10000x64xf32>
    %get3A_8 = arith.constant 0 : index
    %get3A_9 = arith.constant 0 : index
    %get3A_10 = vector.load %arg3[%get3A_8, %get3A_9] : memref<10000x64xf32, #tpu.memory_space<vmem>>, vector<10000x64xf32>
    %add3A_11 = arith.addf %get3A_7, %get3A_10 : vector<10000x64xf32>
    %concatenate3A = tpu.concatenate %add3A, %add3A_11 in 1 : vector<10000x64xf32>, vector<10000x64xf32> -> vector<10000x128xf32>
    %get3A_12 = arith.constant 0 : index
    %get3A_13 = arith.constant 0 : index
    %get3A_14 = vector.load %arg4[%get3A_12, %get3A_13] : memref<128x256xf32, #tpu.memory_space<vmem>>, vector<128x256xf32>
    %dot_general3A = arith.constant dense<0.000000e+00> : vector<10000x256xf32>
    %dot_general3A_15 = tpu.matmul %concatenate3A, %get3A_14, %dot_general3A {dimension_numbers = #tpu.dot_dimension_numbers<[1], [0], [0], [1], [0, 0, 1, 1], [], []>, transpose_lhs_hint = false} : vector<10000x128xf32>, vector<128x256xf32>, vector<10000x256xf32> -> vector<10000x256xf32>
    %mul3A = arith.constant 5.000000e-01 : f32
    %mul3A_16 = vector.broadcast %mul3A : f32 to vector<10000x256xf32>
    %mul3A_17 = arith.mulf %dot_general3A_15, %mul3A_16 : vector<10000x256xf32>
    %mul3A_18 = arith.constant 0.707106769 : f32
    %mul3A_19 = vector.broadcast %mul3A_18 : f32 to vector<10000x256xf32>
    %mul3A_20 = arith.mulf %dot_general3A_15, %mul3A_19 : vector<10000x256xf32>
    %erf3A = math.erf %mul3A_20 : vector<10000x256xf32>
    %add3A_21 = arith.constant 1.000000e+00 : f32
    %add3A_22 = vector.broadcast %add3A_21 : f32 to vector<10000x256xf32>
    %add3A_23 = arith.addf %add3A_22, %erf3A : vector<10000x256xf32>
    %mul3A_24 = arith.mulf %mul3A_17, %add3A_23 : vector<10000x256xf32>
    %get3A_25 = arith.constant 0 : index
    %get3A_26 = arith.constant 0 : index
    %get3A_27 = vector.load %arg5[%get3A_25, %get3A_26] : memref<256x128xf32, #tpu.memory_space<vmem>>, vector<256x128xf32>
    %dot_general3A_28 = arith.constant dense<0.000000e+00> : vector<10000x128xf32>
    %dot_general3A_29 = tpu.matmul %mul3A_24, %get3A_27, %dot_general3A_28 {dimension_numbers = #tpu.dot_dimension_numbers<[1], [0], [0], [1], [0, 0, 1, 1], [], []>, transpose_lhs_hint = false} : vector<10000x256xf32>, vector<256x128xf32>, vector<10000x128xf32> -> vector<10000x128xf32>
    %broadcast_in_dim3A = arith.constant 1.000000e+00 : f32
    %broadcast_in_dim3A_30 = vector.broadcast %broadcast_in_dim3A : f32 to vector<8x10000xf32>
    %dot_general3A_31 = arith.constant dense<0.000000e+00> : vector<8x128xf32>
    %dot_general3A_32 = tpu.matmul %broadcast_in_dim3A_30, %dot_general3A_29, %dot_general3A_31 {dimension_numbers = #tpu.dot_dimension_numbers<[1], [0], [0], [1], [0, 0, 1, 1], [], []>, precision = #tpu.contract_precision<fp32>, transpose_lhs_hint = false} : vector<8x10000xf32>, vector<10000x128xf32>, vector<8x128xf32> -> vector<8x128xf32>
    %slice3A = vector.extract_strided_slice %dot_general3A_32 {offsets = [0, 0], sizes = [1, 128], strides = [1, 1]} : vector<8x128xf32> to vector<1x128xf32>
    %mul3A_33 = arith.mulf %dot_general3A_29, %dot_general3A_29 : vector<10000x128xf32>
    %dot_general3A_34 = arith.constant dense<0.000000e+00> : vector<8x128xf32>
    %dot_general3A_35 = tpu.matmul %broadcast_in_dim3A_30, %mul3A_33, %dot_general3A_34 {dimension_numbers = #tpu.dot_dimension_numbers<[1], [0], [0], [1], [0, 0, 1, 1], [], []>, precision = #tpu.contract_precision<fp32>, transpose_lhs_hint = false} : vector<8x10000xf32>, vector<10000x128xf32>, vector<8x128xf32> -> vector<8x128xf32>
    %slice3A_36 = vector.extract_strided_slice %dot_general3A_35 {offsets = [0, 0], sizes = [1, 128], strides = [1, 1]} : vector<8x128xf32> to vector<1x128xf32>
    %mul3A_37 = arith.constant 9.99999974E-5 : f32
    %mul3A_38 = vector.broadcast %mul3A_37 : f32 to vector<1x128xf32>
    %mul3A_39 = arith.mulf %slice3A, %mul3A_38 : vector<1x128xf32>
    %mul3A_40 = arith.constant 9.99999974E-5 : f32
    %mul3A_41 = vector.broadcast %mul3A_40 : f32 to vector<1x128xf32>
    %mul3A_42 = arith.mulf %slice3A_36, %mul3A_41 : vector<1x128xf32>
    %mul3A_43 = arith.mulf %mul3A_39, %mul3A_39 : vector<1x128xf32>
    %sub3A = arith.subf %mul3A_42, %mul3A_43 : vector<1x128xf32>
    %add3A_44 = arith.constant 9.99999974E-6 : f32
    %add3A_45 = vector.broadcast %add3A_44 : f32 to vector<1x128xf32>
    %add3A_46 = arith.addf %sub3A, %add3A_45 : vector<1x128xf32>
    %rsqrt3A = math.rsqrt %add3A_46 : vector<1x128xf32>
    %sub3A_47 = vector.broadcast %mul3A_39 : vector<1x128xf32> to vector<10000x128xf32>
    %sub3A_48 = arith.subf %dot_general3A_29, %sub3A_47 : vector<10000x128xf32>
    %mul3A_49 = vector.broadcast %rsqrt3A : vector<1x128xf32> to vector<10000x128xf32>
    %mul3A_50 = arith.mulf %sub3A_48, %mul3A_49 : vector<10000x128xf32>
    %get3A_51 = arith.constant 0 : index
    %get3A_52 = vector.load %arg6[%get3A_51] : memref<128xf32, #tpu.memory_space<vmem>>, vector<128xf32>
    %broadcast_in_dim3A_53 = vector.shape_cast %get3A_52 : vector<128xf32> to vector<1x128xf32>
    %mul3A_54 = vector.broadcast %broadcast_in_dim3A_53 : vector<1x128xf32> to vector<10000x128xf32>
    %mul3A_55 = arith.mulf %mul3A_50, %mul3A_54 : vector<10000x128xf32>
    %get3A_56 = arith.constant 0 : index
    %get3A_57 = vector.load %arg7[%get3A_56] : memref<128xf32, #tpu.memory_space<vmem>>, vector<128xf32>
    %broadcast_in_dim3A_58 = vector.shape_cast %get3A_57 : vector<128xf32> to vector<1x128xf32>
    %add3A_59 = vector.broadcast %broadcast_in_dim3A_58 : vector<1x128xf32> to vector<10000x128xf32>
    %add3A_60 = arith.addf %mul3A_55, %add3A_59 : vector<10000x128xf32>
    %swap3A = arith.constant 0 : index
    %swap3A_61 = arith.constant 0 : index
    %swap3A_62 = vector.load %arg8[%swap3A, %swap3A_61] : memref<10000x128xf32, #tpu.memory_space<vmem>>, vector<10000x128xf32>
    tpu.vector_store %arg8[%swap3A, %swap3A_61], %add3A_60 {strides = array<i32>} : memref<10000x128xf32, #tpu.memory_space<vmem>>, vector<10000x128xf32>,
    return
  }
}

</mosaic_0001>

<sc_bundles>
// kernel: kernel.10.cloned.1.call-start
scs
__scs_entry_jumppad:
0x0: {  	(pc) =	sbr.rel $0x88, $3  }
0x1: {  	(tag) =	ssettag $0x0;
	lr =	simm.s32 $0x1  }
0x2: {  	[smem:$0x3F96] =	sst lr;
	_ =	strace $0xD0000000  }
0x3: {  	_ = 	snop  }
0x4: {  	_ = 	snop  }
0x5: {  	_ = 	snop  }
0x6: {  	_ = 	snop  }
0x7: {  	_ = 	snop  }
__scs_overlays_trampoline_lowered:
0x8: {  	[smem:$0x3FA5] =	sst s0  }
0x9: {  	[smem:$0x3FA6] =	sst s1  }
0xa: {  	[smem:$0x3FA7] =	sst s2  }
0xb: {  	[smem:$0x3FA8] =	sst s3  }
0xc: {  	[smem:$0x3FA9] =	sst s4  }
0xd: {  	[smem:$0x3FAA] =	sst s5  }
0xe: {  	[smem:$0x3FAB] =	sst s6  }
0xf: {  	[smem:$0x3FAC] =	sst s7  }
0x10: {  	[smem:$0x3FAD] =	sst s8  }
0x11: {  	[smem:$0x3FAE] =	sst s9;
	s0 =	simm.s32 @!p0 $0x0  }
0x12: {  	s1 =	sld [smem:$0x3F94];
	s0 =	simm.s32 @p0 $0x1  }
0x13: {  	[smem:$0x3FAF] =	sst s0;
	s0 =	simm.s32 @!p1 $0x0  }
0x14: {  	s2 =	sld [smem:$0x3F93];
	s0 =	simm.s32 @p1 $0x1  }
0x15: {  	[smem:$0x3FB0] =	sst s0;
	s0 =	simm.s32 @!p2 $0x0  }
0x16: {  	s3 =	sld [smem:$0x3FDB];
	s0 =	simm.s32 @p2 $0x1  }
0x17: {  	s4 =	simm.s32 $0x1BF5;
	[smem:$0x3FB2] =	sst s0  }
0x18: {  	s0 =	sld [smem:$0x3F95];
	_ =	swait.ge [sflag:s4], $0x0  }
0x19: {  	s7 =	sld [smem:$0x3F96]  }
0x1a: {  	s8 =	sadd.s32 $0xFFFFE003, lr  }
0x1b: {  	s9 =	sadd.s32 $0xFFFFFEF7, lr;
	s5 =	simm.s32 $0xFFFFFFFF;
	p2 =	slt.u32 s8, $0xFFFFF086  }
0x1c: {  	p1 =	slt.u32 s9, $0xF7A;
	s5 =	simm.s32 @!p2 $0x0  }
0x1d: {  	s5 =	simm.s32 @p1 $0x1;
	p0 =	seq.s32 s7, s2  }
0x1e: {  	s7 =	smul.u32 @!p0 $0xF7A, s2;
	p2 =	seq.s32 @!p0 s5, $0x0  }
0x1f: {  	s9 =	smul.u32 $0xF7A, s1;
	s8 =	simm.s32 @!p0 $0x1BF5;
	p2 =	por !p2, p0  }
0x20: {  	[sflag:s8] =	ssyncset.s32 @!p0 $0xFFFFF086;
	s6 =	sadd.s32 @!p0 s3, s7;
	s7 =	simm.s32 @!p0 $0x108  }
0x21: {  	s3 =	sadd.s32 s3, s9;
	s6 =	sadd.s32 @!p0 $0x88, s6;
	s7 =	simm.s32 @p2 $0x1082  }
0x22: {  	[simem:s7], [sflag:s8] =	dma.local @!p0 [hbm:s6], $0xF7A  }
0x23: {  	s9 =	sor.u32 $0xD0000000, s2;
	s6 =	simm.s32 $0x108;
	_ =	swait.ge @!p0 [sflag:s8], $0x0  }
0x24: {  	s3 =	sadd.s32 $0x88, s3;
	s6 =	simm.s32 @!p1 $0x1082;
	[sflag:s4] =	ssyncset.s32 $0xFFFFF086  }
0x25: {  	[simem:s6], [sflag:s4] =	dma.local [hbm:s3], $0xF7A  }
0x26: {  	[smem:$0x3F96] =	sst s1;
	(tag) =	ssettag s2;
	_ =	strace s9  }
0x27: {  	s1 =	sld [smem:$0x3FA6]  }
0x28: {  	s2 =	sld [smem:$0x3FA7]  }
0x29: {  	s4 =	sld [smem:$0x3FA9]  }
0x2a: {  	p0 =	seq.s32 s5, $0x0;
	s5 =	sld [smem:$0x3FAA]  }
0x2b: {  	s6 =	sld [smem:$0x3FAB]  }
0x2c: {  	s7 =	sld [smem:$0x3FAC]  }
0x2d: {  	s3 =	simm.s32 $0x108;
	s8 =	sld [smem:$0x3FAD]  }
0x2e: {  	s3 =	simm.s32 @!p0 $0x1082;
	s9 =	sld [smem:$0x3FAE]  }
0x2f: {  	lr =	sadd.s32 s0, s3;
	s0 =	sld [smem:$0x3FA5]  }
0x30: {  	s3 =	sld [smem:$0x3FA8]  }
0x31: {  	[smem:$0x3FB1] =	sst s10  }
0x32: {  	s10 =	sld [smem:$0x3FAF];
	_ =	sdelay $0x3  }
0x33: {  	p0 =	seq.s32 s10, $0x1;
	s10 =	sld [smem:$0x3FB1];
	_ =	sdelay $0x3  }
0x34: {  	[smem:$0x3FB1] =	sst s10  }
0x35: {  	s10 =	sld [smem:$0x3FB0];
	_ =	sdelay $0x3  }
0x36: {  	p1 =	seq.s32 s10, $0x1;
	s10 =	sld [smem:$0x3FB1];
	_ =	sdelay $0x3  }
0x37: {  	[smem:$0x3FB1] =	sst s10  }
0x38: {  	s10 =	sld [smem:$0x3FB2]  }
0x39: {  	_ = 	snop;
	(pc) =	sbr.ind lr, $3  }
0x3a: {  	_ = 	snop  }
0x3b: {  	_ = 	snop  }
0x3c: {  	p2 =	seq.s32 s10, $0x1;
	s10 =	sld [smem:$0x3FB1]  }
0x3d: {  	_ =	shalt  }
0x3e: {  	_ =	shalt  }
0x3f: {  	_ =	shalt  }
0x40: {  	_ =	shalt  }
0x41: {  	_ =	shalt  }
0x42: {  	_ =	shalt  }
0x43: {  	_ =	shalt  }
0x44: {  	_ =	shalt  }
0x45: {  	_ =	shalt  }
0x46: {  	_ =	shalt  }
0x47: {  	_ =	shalt  }
0x48: {  	_ =	shalt  }
0x49: {  	_ =	shalt  }
0x4a: {  	_ =	shalt  }
0x4b: {  	_ =	shalt  }
0x4c: {  	_ =	shalt  }
0x4d: {  	_ =	shalt  }
0x4e: {  	_ =	shalt  }
0x4f: {  	_ =	shalt  }
0x50: {  	_ =	shalt  }
0x51: {  	_ =	shalt  }
0x52: {  	_ =	shalt  }
0x53: {  	_ =	shalt  }
0x54: {  	_ =	shalt  }
0x55: {  	_ =	shalt  }
0x56: {  	_ =	shalt  }
0x57: {  	_ =	shalt  }
0x58: {  	_ =	shalt  }
0x59: {  	_ =	shalt  }
0x5a: {  	_ =	shalt  }
0x5b: {  	_ =	shalt  }
0x5c: {  	_ =	shalt  }
0x5d: {  	_ =	shalt  }
0x5e: {  	_ =	shalt  }
0x5f: {  	_ =	shalt  }
0x60: {  	_ =	shalt  }
0x61: {  	_ =	shalt  }
0x62: {  	_ =	shalt  }
0x63: {  	_ =	shalt  }
0x64: {  	_ =	shalt  }
0x65: {  	_ =	shalt  }
0x66: {  	_ =	shalt  }
0x67: {  	_ =	shalt  }
0x68: {  	_ =	shalt  }
0x69: {  	_ =	shalt  }
0x6a: {  	_ =	shalt  }
0x6b: {  	_ =	shalt  }
0x6c: {  	_ =	shalt  }
0x6d: {  	_ =	shalt  }
0x6e: {  	_ =	shalt  }
0x6f: {  	_ =	shalt  }
0x70: {  	_ =	shalt  }
0x71: {  	_ =	shalt  }
0x72: {  	_ =	shalt  }
0x73: {  	_ =	shalt  }
0x74: {  	_ =	shalt  }
0x75: {  	_ =	shalt  }
0x76: {  	_ =	shalt  }
0x77: {  	_ =	shalt  }
0x78: {  	_ =	shalt  }
0x79: {  	_ =	shalt  }
0x7a: {  	_ =	shalt  }
0x7b: {  	_ =	shalt  }
0x7c: {  	_ =	shalt  }
0x7d: {  	_ =	shalt  }
0x7e: {  	_ =	shalt  }
0x7f: {  	_ =	shalt  }
0x80: {  	_ =	shalt  }
0x81: {  	_ =	shalt  }
0x82: {  	_ =	shalt  }
0x83: {  	_ =	shalt  }
0x84: {  	_ =	shalt  }
0x85: {  	_ =	shalt  }
0x86: {  	_ =	shalt  }
0x87: {  	_ =	shalt  }
.Lfunc_end0:
.L_simem_size_0:
called_computation.1_lowered:
.L_overlay_start_0:
0x88: {  	s2 =	sld [smem:$0x3FD9]  }
0x89: {  	s3 =	sld [smem:$0x3FFE];
	_ =	sdelay $0x1  }
0x8a: {  	s1 =	srdreg.scid  }
0x8b: {  	s0 =	sand.u32 $0x1, s1  }
0x8c: {  	s17 =	sshll.u32 s0, $0xA;
	s2 =	sadd.s32 s3, s2  }
0x8d: {  	s2 =	sadd.s32 s2, s17  }
0x8e: {  	[smem:$0x3FBD] =	sst s2  }
0x8f: {  	_ = 	snop  }
0x90: {  	s2 =	sld [smem:$0x3FD0];
	(tm) =	ssettm $0x1  }
0x91: {  	s18 =	sld [smem:$0x3FFB];
	_ =	sdelay $0x3  }
0x92: {  	_ =	strace s18  }
0x93: {  	s3 =	sld [smem:$0x3FFC];
	_ =	sdelay $0x3  }
0x94: {  	_ =	strace s3  }
0x95: {  	s3 =	sld [smem:$0x3FFD];
	_ =	sdelay $0x3  }
0x96: {  	_ =	strace s3  }
0x97: {  	_ =	strace $0x8FFFFFFF  }
0x98: {  	s19 =	sld [smem:$0x3FDB];
	_ =	sdelay $0x1  }
0x99: {  	s4 =	simm.s32 $_scs_section_size  }
0x9a: {  	s5 =	simm.s32 $_size__tile_overlayer_lowered;
	s6 =	simm.s32 $_tile_overlayer_lowered  }
0x9b: {  	s22 =	simm.s32 $0x1BFF;
	s21 =	sshll.u32 s6, $0x1;
	s3 =	sadd.s32 s4, s19  }
0x9c: {  	s7 =	simm.s32 $0x0;
	s20 =	sshll.u32 s5, $0x1;
	s5 =	sadd.s32 s21, s3  }
0x9d: {  	[timem:s7], [sflag:s22] =	dma.local [hbm:s5], s20  }
0x9e: {  	_ =	swait.ge [sflag:s22], s20  }
0x9f: {  	s4 =	ssub.s32 $0x0, s20;
	[sflag:s22] =	ssyncset.done $0x0  }
0xa0: {  	[sflag:s22] =	ssyncadd.s32 s4;
	_ =	sdelay $0x1  }
0xa1: {  	s23 =	simm.s32 $0x1B8B  }
0xa2: {  	_ =	swait.ge [sflag:s23], $0x1  }
0xa3: {  	[sflag:s23] =	ssyncset.done $0x0  }
0xa4: {  	s25 =	simm.s32 $0x1B8E;
	s24 =	sld [smem:$0x3FFE];
	[sflag:s23] =	ssyncadd.s32 $0xFFFFFFFF  }
0xa5: {  	s26 =	simm.s32 $execute0_lowered;
	[smem:$0x3FD2] =	sst s25  }
0xa6: {  	s5 =	sshll.u32 s26, $0x1;
	_ =	strace $0x80000049;
	[dreg:$0x1] =	wrdreg $0xFFFFFFFF  }
0xa7: {  	s28 =	simm.s32 $_size_execute0_lowered;
	s3 =	sadd.s32 s3, s5;
	[dreg:$0x0] =	wrdreg $0x0  }
0xa8: {  	s5 =	sshll.u32 s28, $0x1;
	[dreg:$0x2] =	wrdreg s3  }
0xa9: {  	[dreg:$0x3] =	wrdreg s5  }
0xaa: {  	[dreg:$0x4] =	wrdreg $0xC0  }
0xab: {  	_ =	task [dreg:s7], $0x5FFFF  }
0xac: {  	[dreg:$0x1] =	wrdreg $0xFFFFFFFF  }
0xad: {  	[dreg:$0x0] =	wrdreg $0x60  }
0xae: {  	[dreg:$0x2] =	wrdreg s2  }
0xaf: {  	[dreg:$0x3] =	wrdreg s24  }
0xb0: {  	[dreg:$0x4] =	wrdreg $0x13C400  }
0xb1: {  	[dreg:$0x5] =	wrdreg $0x9  }
0xb2: {  	_ =	task.clear_ibuf [dreg:s7], $0x6FFFF;
	_ =	strace $0x90000049  }
0xb3: {  	s29 =	simm.s32 $0x9;
	_ =	strace $0x8000004B  }
0xb4: {  	_ =	swait.ge [sflag:s29], $0x1  }
0xb5: {  	[sflag:s29] =	ssyncadd.s32 $0xFFFFFFFF  }
0xb6: {  	_ =	strace $0x9000004B  }
0xb7: {  	_ =	sfence  }
0xb8: {  	s30 =	sld [smem:$0x0];
	_ =	sdelay $0x2  }
0xb9: {  	s31 =	sshll.u32 s1, $0xD;
	s1 =	sshrl.u32 s1, $0x2  }
0xba: {  	s3 =	sand.u32 $0x4000, s31;
	s1 =	sadd.s32 s1, s30  }
0xbb: {  	s0 =	sor.u32 s3, s0;
	s1 =	sshll.u32 s1, $0x11  }
0xbc: {  	s0 =	sor.u32 s1, s0  }
0xbd: {  	s0 =	sadd.s32 $0x8F2B, s0  }
0xbe: {  	[sflag:s0] =	ssyncadd.remote.s32 $0x1  }
0xbf: {  	_ =	sfence.sel $0xFFFF  }
0xc0: {  	[dreg:$0x0] =	wrdreg $0xFFFFFFFF;
	(pc) =	sbr.abs _section_cstart, $3  }
0xc1: {  	[dreg:$0x1] =	wrdreg $0xFFFFFFFF  }
0xc2: {  	_ =	task.clear_ibuf [dreg:s7], $0x2FFFF;
	_ =	strace $0x9FFFFFFF  }
0xc3: {  	(tm) =	ssettm $0x7FFFFFFF  }
tec
execute0_lowered:
.L_overlay_start_1:
0x0: {  	(tag) =	ssettag $0x1  }
0x1: {  	s1 =	rddreg [dreg:$0x0]  }
0x2: {  	s0 =	rddreg [dreg:$0x1]  }
0x3: {  	s3 =	rddreg [dreg:$0x2];
	s2 =	simm.s32 $0x0;
	s11 =	stileid.u32  }
0x4: {  	s4 =	srdreg.scid;
	s18 =	simm.s32 $0xA000;
	s19 =	simm.s32 $0x1  }
0x5: {  	s20 =	simm.s32 $0x2;
	s29 =	simm.s32 $0xFDC0;
	s31 =	simm.s32 $0x11D00  }
0x6: {  	s17 =	simm.s32 $0x5;
	s28 =	simm.s32 $0x9;
	s21 =	smul.u32 $0x5000, s11  }
0x7: {  	s15 =	simm.s32 $0x0;
	[smem:$0x7FF] =	sst s2;
	s6 =	smul.u32 $0x9C00, s11  }
0x8: {  	s4 =	sand.u32 $0x1, s4;
	s5 =	sadd.s32 $0x3600, s0;
	s22 =	smul.u32 $0x27000, s11  }
0x9: {  	p0 =	seq.s32 s11, $0xF;
	s26 =	sadd.s32 $0x29480, s0;
	s13 =	sadd.s32 $0x92400, s3  }
0xa: {  	_ =	strace $0x8000004A;
	s7 =	ssub.s32 $0x2, s4;
	[dreg:$0x7] =	wrdreg s26  }
0xb: {  	p1 =	sne.s32 s4, $0x0;
	s26 =	simm.s32 $0xDE80;
	s2 =	sshrl.u32 s21, $0x3  }
0xc: {  	s8 =	sshrl.u32 s6, $0x3;
	s9 =	sshrl.u32 s7, $0x1;
	s24 =	sshrl.u32 s22, $0x2  }
0xd: {  	s11 =	sadd.s32 s6, s3;
	s21 =	simm.s32 $0x3;
	s22 =	simm.s32 $0x7D  }
0xe: {  	s2 =	sadd.s32 s2, s0;
	s10 =	sadd.s32 s8, s0;
	s12 =	ssub.s32 s7, s9  }
0xf: {  	s7 =	simm.s32 $0x28;
	s9 =	sadd.s32 s24, s3;
	s0 =	sadd.s32 $0x50E80, s0  }
0x10: {  	s24 =	simm.s32 $0xBF40;
	s23 =	sadd.s32 $0x2AA00, s2;
	s2 =	sadd.s32 $0x34A00, s2  }
.Ltmp0:
0x11: {  	s7 =	simm.s32 @!p0 $0x27;
	[dreg:$0x9] =	wrdreg s0;
	(pc) =	sbr.rel .LBB2_1-.Ltmp0, $4  }
0x12: {  	s25 =	sadd.s32 $0x17000, s10;
	s30 =	sadd.s32 $0x3EA00, s10;
	[dreg:$0x4] =	wrdreg s23  }
0x13: {  	s16 =	smax.u32 s12, $0x1;
	s0 =	simm.s32 $0x4;
	[dreg:$0x5] =	wrdreg s2  }
0x14: {  	s10 =	simm.s32 $0x8;
	s12 =	simm.s32 $0xA;
	[dreg:$0x6] =	wrdreg s25  }
0x15: {  	v0 =	vimm.f32 $0.0e+00;
	[dreg:$0x8] =	wrdreg s30;
	s23 =	simm.s32 $0x6;
	s25 =	simm.s32 $0x7  }
.LBB2_12:
0x16: {  	s15 =	sadd.s32 $0x1, s15  }
0x17: {  	p2 =	sne.s32 s15, s16  }
.Ltmp1:
0x18: {  	_ = 	snop;
	(pc) =	sbr.rel @!p2 .LBB2_13-.Ltmp1, $1  }
0x19: {  	_ =	sdelay $0x3  }
.LBB2_1:
0x1a: {  	s2 =	simm.s32 $0x0;
	s4 =	rddreg [dreg:$0x4]  }
0x1b: {  	[tilespmem:s2], [sflag:$0x2] =	stream.linear.gather [hbm4b:s4+s2], $0x5000, $0x38;
	[tilespmem:$0x1D880] =	vst v63  }
0x1c: {  	s30 =	rddreg [dreg:$0x5];
	s6 =	simm.s32 $0x5000  }
0x1d: {  	[tilespmem:s6], [sflag:$0x3] =	stream.linear.gather [hbm4b:s30+s2], $0x5000, $0x38;
	[tilespmem:$0x1D880] =	vst v63  }
0x1e: {  	[tilespmem:$0xA000] =	vst v0  }
0x1f: {  	[tilespmem:$0xA010] =	vst v0  }
0x20: {  	[tilespmem:$0xA020] =	vst v0  }
0x21: {  	[tilespmem:$0xA030] =	vst v0  }
0x22: {  	[tilespmem:$0xA040] =	vst v0  }
0x23: {  	[tilespmem:$0xA050] =	vst v0  }
0x24: {  	[tilespmem:$0xA060] =	vst v0  }
0x25: {  	[tilespmem:$0xA070] =	vst v0  }
0x26: {  	[tilespmem:$0xA080] =	vst v0  }
0x27: {  	[tilespmem:$0xA090] =	vst v0  }
0x28: {  	[tilespmem:$0xA0A0] =	vst v0  }
0x29: {  	[tilespmem:$0xA0B0] =	vst v0  }
0x2a: {  	[tilespmem:$0xA0C0] =	vst v0  }
0x2b: {  	[tilespmem:$0xA0D0] =	vst v0  }
0x2c: {  	[tilespmem:$0xA0E0] =	vst v0  }
0x2d: {  	[tilespmem:$0xA0F0] =	vst v0  }
0x2e: {  	[tilespmem:$0xA100] =	vst v0  }
0x2f: {  	[tilespmem:$0xA110] =	vst v0  }
0x30: {  	[tilespmem:$0xA120] =	vst v0  }
0x31: {  	[tilespmem:$0xA130] =	vst v0  }
0x32: {  	[tilespmem:$0xA140] =	vst v0  }
0x33: {  	[tilespmem:$0xA150] =	vst v0  }
0x34: {  	[tilespmem:$0xA160] =	vst v0  }
0x35: {  	[tilespmem:$0xA170] =	vst v0  }
0x36: {  	[tilespmem:$0xA180] =	vst v0  }
0x37: {  	[tilespmem:$0xA190] =	vst v0  }
0x38: {  	[tilespmem:$0xA1A0] =	vst v0  }
0x39: {  	[tilespmem:$0xA1B0] =	vst v0  }
0x3a: {  	[tilespmem:$0xA1C0] =	vst v0  }
0x3b: {  	[tilespmem:$0xA1D0] =	vst v0  }
0x3c: {  	[tilespmem:$0xA1E0] =	vst v0  }
0x3d: {  	[tilespmem:$0xA1F0] =	vst v0  }
0x3e: {  	[tilespmem:$0xA200] =	vst v0  }
0x3f: {  	[tilespmem:$0xA210] =	vst v0  }
0x40: {  	[tilespmem:$0xA220] =	vst v0  }
0x41: {  	[tilespmem:$0xA230] =	vst v0  }
0x42: {  	[tilespmem:$0xA240] =	vst v0  }
0x43: {  	[tilespmem:$0xA250] =	vst v0  }
0x44: {  	[tilespmem:$0xA260] =	vst v0  }
0x45: {  	[tilespmem:$0xA270] =	vst v0  }
0x46: {  	[tilespmem:$0xA280] =	vst v0  }
0x47: {  	[tilespmem:$0xA290] =	vst v0  }
0x48: {  	[tilespmem:$0xA2A0] =	vst v0  }
0x49: {  	[tilespmem:$0xA2B0] =	vst v0  }
0x4a: {  	[tilespmem:$0xA2C0] =	vst v0  }
0x4b: {  	[tilespmem:$0xA2D0] =	vst v0  }
0x4c: {  	[tilespmem:$0xA2E0] =	vst v0  }
0x4d: {  	[tilespmem:$0xA2F0] =	vst v0  }
0x4e: {  	[tilespmem:$0xA300] =	vst v0  }
0x4f: {  	[tilespmem:$0xA310] =	vst v0  }
0x50: {  	[tilespmem:$0xA320] =	vst v0  }
0x51: {  	[tilespmem:$0xA330] =	vst v0  }
0x52: {  	[tilespmem:$0xA340] =	vst v0  }
0x53: {  	[tilespmem:$0xA350] =	vst v0  }
0x54: {  	[tilespmem:$0xA360] =	vst v0  }
0x55: {  	[tilespmem:$0xA370] =	vst v0  }
0x56: {  	[tilespmem:$0xA380] =	vst v0  }
0x57: {  	[tilespmem:$0xA390] =	vst v0  }
0x58: {  	[tilespmem:$0xA3A0] =	vst v0  }
0x59: {  	p2 =	sne.s32 s7, $0x1;
	[tilespmem:$0xA3B0] =	vst v0  }
.Ltmp2:
0x5a: {  	[tilespmem:$0xA3C0] =	vst v0;
	(pc) =	sbr.rel @!p2 .LBB2_3-.Ltmp2, $4  }
0x5b: {  	[tilespmem:$0xA3D0] =	vst v0  }
0x5c: {  	[tilespmem:$0xA3E0] =	vst v0  }
0x5d: {  	s4 =	smov.u32 s9;
	s2 =	sadd.s32 $0xFFFFFFFF, s7;
	[tilespmem:$0xA3F0] =	vst v0  }
0x5e: {  	[spmem:s9] =	stream.linear.scatter [tilespmem:s18], [sflag:$0x1], $0x400, $0x38;
	[tilespmem:$0x1D880] =	vst v63  }
.LBB2_2:
0x5f: {  	p3 =	sne.s32 s2, $0x1  }
.Ltmp3:
0x60: {  	_ = 	snop;
	(pc) =	sbr.rel @p3 .LBB2_2-.Ltmp3, $3  }
0x61: {  	_ = 	snop  }
0x62: {  	s2 =	sadd.s32 $0xFFFFFFFF, s2;
	s4 =	sadd.s32 $0x400, s4;
	_ =	sdelay $0x1  }
0x63: {  	[spmem:s4] =	stream.linear.scatter [tilespmem:s18], [sflag:$0x1], $0x400, $0x38;
	[tilespmem:$0x1D880] =	vst v63  }
.LBB2_3:
.Ltmp4:
0x64: {  	(pc) =	sbr.rel @!p2 .LBB2_5-.Ltmp4, $3  }
0x65: {  	_ =	sdelay $0x1  }
0x66: {  	_ =	swait.ge [sflag:s19], $0x400  }
0x67: {  	s2 =	sadd.s32 $0xFFFFFFFF, s7;
	[sflag:s19] =	ssyncset.done $0x0  }
.LBB2_4:
0x68: {  	p2 =	sne.s32 s2, $0x1;
	s2 =	sadd.s32 $0xFFFFFFFF, s2;
	[sflag:s19] =	ssyncadd.s32 $0xFFFFFC00  }
.Ltmp5:
0x69: {  	(pc) =	sbr.rel @p2 .LBB2_4-.Ltmp5, $3  }
0x6a: {  	_ =	sdelay $0x1  }
0x6b: {  	_ =	swait.ge [sflag:s19], $0x400  }
0x6c: {  	[sflag:s19] =	ssyncset.done $0x0  }
.LBB2_5:
0x6d: {  	[sflag:s19] =	ssyncadd.s32 $0xFFFFFC00  }
0x6e: {  	_ =	swait.ge [sflag:s20], $0x5000  }
0x6f: {  	[sflag:s20] =	ssyncset.done $0x0  }
0x70: {  	[sflag:s20] =	ssyncadd.s32 $0xFFFFB000  }
.Ltmp6:
0x71: {  	_ =	swait.ge [sflag:s21], $0x5000;
	(pc) =	sbr.rel @p1 .LBB2_9-.Ltmp6, $4  }
0x72: {  	[sflag:s21] =	ssyncset.done $0x0  }
0x73: {  	s2 =	stileid.u32;
	[sflag:s21] =	ssyncadd.s32 $0xFFFFB000  }
0x74: {  	s30 =	sshrl.u32 @!p0 s11, $0x3;
	s4 =	sshll.u32 @!p0 s2, $0x6;
	[bflag:$0x0] =	sbarrier.arrive $0xFFFF  }
0x75: {  	s2 =	sshrl.u32 @p0 s13, $0x3;
	s14 =	sor.u32 @!p0 $0x1C0B, s4;
	s4 =	simm.s32 $0x0  }
0x76: {  	[tilespmem:s18], [sflag:$0x1] =	stream.indirect.gather [hbm4b:s1+s22], $0x40, s4, s22, $0xb8;
	[tilespmem:$0x1D880] =	vst v63  }
0x77: {  	s8 =	simm.s32 $0x80  }
0x78: {  	[tilespmem:s24], [sflag:$0x2] =	stream.indirect.gather [hbm4b:s1+s22], $0x40, s8, s22, $0xb8;
	[tilespmem:$0x1D880] =	vst v63  }
0x79: {  	s6 =	simm.s32 $0x100  }
0x7a: {  	[tilespmem:s26], [sflag:$0x3] =	stream.indirect.gather [hbm4b:s1+s22], $0x40, s6, s22, $0xb8;
	[tilespmem:$0x1D880] =	vst v63  }
0x7b: {  	s8 =	simm.s32 $0x180  }
0x7c: {  	[tilespmem:s29], [sflag:$0x4] =	stream.indirect.gather [hbm4b:s1+s22], $0x40, s8, s22, $0xb8;
	[tilespmem:$0x1D880] =	vst v63  }
0x7d: {  	s6 =	simm.s32 $0x200  }
0x7e: {  	[tilespmem:s31], [sflag:$0x5] =	stream.indirect.gather [hbm4b:s1+s22], $0x40, s6, s22, $0xb8;
	[tilespmem:$0x1D880] =	vst v63  }
0x7f: {  	_ =	swait.ge [sflag:s19], $0x1F40  }
0x80: {  	[sflag:s19] =	ssyncset.done $0x0  }
0x81: {  	s8 =	simm.s32 $0x5000;
	[sflag:s19] =	ssyncadd.s32 $0xFFFFE0C0  }
0x82: {  	[spmem:s3] =	stream.indirect.scatter.add.f32 [tilespmem:s18], [sflag:$0x6], $0x40, s8, s22, $0xb8;
	[tilespmem:$0x1D880] =	vst v63  }
0x83: {  	_ =	swait.ge [sflag:s20], $0x1F40  }
0x84: {  	[sflag:s20] =	ssyncset.done $0x0  }
0x85: {  	s6 =	simm.s32 $0x5080;
	[sflag:s20] =	ssyncadd.s32 $0xFFFFE0C0  }
0x86: {  	[spmem:s3] =	stream.indirect.scatter.add.f32 [tilespmem:s24], [sflag:$0x7], $0x40, s6, s22, $0xb8;
	[tilespmem:$0x1D880] =	vst v63  }
0x87: {  	_ =	swait.ge [sflag:s21], $0x1F40  }
0x88: {  	[sflag:s21] =	ssyncset.done $0x0  }
0x89: {  	s8 =	simm.s32 $0x5100;
	[sflag:s21] =	ssyncadd.s32 $0xFFFFE0C0  }
0x8a: {  	[spmem:s3] =	stream.indirect.scatter.add.f32 [tilespmem:s26], [sflag:$0x8], $0x40, s8, s22, $0xb8;
	[tilespmem:$0x1D880] =	vst v63  }
0x8b: {  	_ =	swait.ge [sflag:s0], $0x1F40  }
0x8c: {  	[sflag:s0] =	ssyncset.done $0x0  }
0x8d: {  	s6 =	simm.s32 $0x5180;
	[sflag:s0] =	ssyncadd.s32 $0xFFFFE0C0  }
0x8e: {  	[spmem:s3] =	stream.indirect.scatter.add.f32 [tilespmem:s29], [sflag:$0x9], $0x40, s6, s22, $0xb8;
	[tilespmem:$0x1D880] =	vst v63  }
0x8f: {  	_ =	swait.ge [sflag:s17], $0x1F40  }
0x90: {  	[sflag:s17] =	ssyncset.done $0x0  }
0x91: {  	s8 =	simm.s32 $0x5200;
	[sflag:s17] =	ssyncadd.s32 $0xFFFFE0C0  }
0x92: {  	[spmem:s3] =	stream.indirect.scatter.add.f32 [tilespmem:s31], [sflag:$0xA], $0x40, s8, s22, $0xb8;
	[tilespmem:$0x1D880] =	vst v63  }
0x93: {  	_ =	swait.ge [sflag:s23], $0x1F40  }
0x94: {  	[sflag:s23] =	ssyncset.done $0x0  }
0x95: {  	s6 =	simm.s32 $0x280;
	[sflag:s23] =	ssyncadd.s32 $0xFFFFE0C0  }
0x96: {  	[tilespmem:s18], [sflag:$0x1] =	stream.indirect.gather [hbm4b:s1+s22], $0x40, s6, s22, $0xb8;
	[tilespmem:$0x1D880] =	vst v63  }
0x97: {  	_ =	swait.ge [sflag:s25], $0x1F40  }
0x98: {  	[sflag:s25] =	ssyncset.done $0x0  }
0x99: {  	s8 =	simm.s32 $0x300;
	[sflag:s25] =	ssyncadd.s32 $0xFFFFE0C0  }
0x9a: {  	[tilespmem:s24], [sflag:$0x2] =	stream.indirect.gather [hbm4b:s1+s22], $0x40, s8, s22, $0xb8;
	[tilespmem:$0x1D880] =	vst v63  }
0x9b: {  	_ =	swait.ge [sflag:s10], $0x1F40  }
0x9c: {  	[sflag:s10] =	ssyncset.done $0x0  }
0x9d: {  	s6 =	simm.s32 $0x380;
	[sflag:s10] =	ssyncadd.s32 $0xFFFFE0C0  }
0x9e: {  	[tilespmem:s26], [sflag:$0x3] =	stream.indirect.gather [hbm4b:s1+s22], $0x40, s6, s22, $0xb8;
	[tilespmem:$0x1D880] =	vst v63  }
0x9f: {  	_ =	swait.ge [sflag:s28], $0x1F40  }
0xa0: {  	[sflag:s28] =	ssyncset.done $0x0  }
0xa1: {  	s8 =	simm.s32 $0x400;
	[sflag:s28] =	ssyncadd.s32 $0xFFFFE0C0  }
0xa2: {  	[tilespmem:s29], [sflag:$0x4] =	stream.indirect.gather [hbm4b:s1+s22], $0x40, s8, s22, $0xb8;
	[tilespmem:$0x1D880] =	vst v63  }
0xa3: {  	_ =	swait.ge [sflag:s12], $0x1F40  }
0xa4: {  	[sflag:s12] =	ssyncset.done $0x0  }
0xa5: {  	s4 =	simm.s32 $0xA00;
	s6 =	simm.s32 $0x480;
	[sflag:s12] =	ssyncadd.s32 $0xFFFFE0C0  }
.LBB2_7:
0xa6: {  	[tilespmem:s31], [sflag:$0x5] =	stream.indirect.gather [hbm4b:s1+s22], $0x40, s6, s22, $0xb8;
	[tilespmem:$0x1D880] =	vst v63  }
0xa7: {  	s6 =	smov.u32 s4  }
0xa8: {  	p2 =	sne.s32 s4, $0x12C00;
	s4 =	sadd.s32 $0xA00, s4;
	_ =	swait.ge [sflag:s19], $0x1F40  }
0xa9: {  	s6 =	sshra.s32 s6, $0x2;
	[sflag:s19] =	ssyncset.done $0x0  }
0xaa: {  	s8 =	sadd.s32 $0x5000, s6;
	[sflag:s19] =	ssyncadd.s32 $0xFFFFE0C0  }
0xab: {  	[spmem:s3] =	stream.indirect.scatter.add.f32 [tilespmem:s18], [sflag:$0x6], $0x40, s8, s22, $0xb8;
	[tilespmem:$0x1D880] =	vst v63  }
0xac: {  	_ =	swait.ge [sflag:s20], $0x1F40  }
0xad: {  	[sflag:s20] =	ssyncset.done $0x0  }
0xae: {  	s8 =	sadd.s32 $0x5080, s6;
	[sflag:s20] =	ssyncadd.s32 $0xFFFFE0C0  }
0xaf: {  	[spmem:s3] =	stream.indirect.scatter.add.f32 [tilespmem:s24], [sflag:$0x7], $0x40, s8, s22, $0xb8;
	[tilespmem:$0x1D880] =	vst v63  }
0xb0: {  	_ =	swait.ge [sflag:s21], $0x1F40  }
0xb1: {  	[sflag:s21] =	ssyncset.done $0x0  }
0xb2: {  	s8 =	sadd.s32 $0x5100, s6;
	[sflag:s21] =	ssyncadd.s32 $0xFFFFE0C0  }
0xb3: {  	[spmem:s3] =	stream.indirect.scatter.add.f32 [tilespmem:s26], [sflag:$0x8], $0x40, s8, s22, $0xb8;
	[tilespmem:$0x1D880] =	vst v63  }
0xb4: {  	_ =	swait.ge [sflag:s0], $0x1F40  }
0xb5: {  	[sflag:s0] =	ssyncset.done $0x0  }
0xb6: {  	s8 =	sadd.s32 $0x5180, s6;
	[sflag:s0] =	ssyncadd.s32 $0xFFFFE0C0  }
0xb7: {  	[spmem:s3] =	stream.indirect.scatter.add.f32 [tilespmem:s29], [sflag:$0x9], $0x40, s8, s22, $0xb8;
	[tilespmem:$0x1D880] =	vst v63  }
0xb8: {  	_ =	swait.ge [sflag:s17], $0x1F40  }
0xb9: {  	[sflag:s17] =	ssyncset.done $0x0  }
0xba: {  	s8 =	sadd.s32 $0x5200, s6;
	[sflag:s17] =	ssyncadd.s32 $0xFFFFE0C0  }
0xbb: {  	[spmem:s3] =	stream.indirect.scatter.add.f32 [tilespmem:s31], [sflag:$0xA], $0x40, s8, s22, $0xb8;
	[tilespmem:$0x1D880] =	vst v63  }
0xbc: {  	_ =	swait.ge [sflag:s23], $0x1F40  }
0xbd: {  	[sflag:s23] =	ssyncset.done $0x0  }
0xbe: {  	s8 =	sadd.s32 $0x280, s6;
	[sflag:s23] =	ssyncadd.s32 $0xFFFFE0C0  }
0xbf: {  	[tilespmem:s18], [sflag:$0x1] =	stream.indirect.gather [hbm4b:s1+s22], $0x40, s8, s22, $0xb8;
	[tilespmem:$0x1D880] =	vst v63  }
0xc0: {  	_ =	swait.ge [sflag:s25], $0x1F40  }
0xc1: {  	[sflag:s25] =	ssyncset.done $0x0  }
0xc2: {  	s8 =	sadd.s32 $0x300, s6;
	[sflag:s25] =	ssyncadd.s32 $0xFFFFE0C0  }
0xc3: {  	[tilespmem:s24], [sflag:$0x2] =	stream.indirect.gather [hbm4b:s1+s22], $0x40, s8, s22, $0xb8;
	[tilespmem:$0x1D880] =	vst v63  }
0xc4: {  	_ =	swait.ge [sflag:s10], $0x1F40  }
0xc5: {  	[sflag:s10] =	ssyncset.done $0x0  }
0xc6: {  	s8 =	sadd.s32 $0x380, s6;
	[sflag:s10] =	ssyncadd.s32 $0xFFFFE0C0  }
0xc7: {  	[tilespmem:s26], [sflag:$0x3] =	stream.indirect.gather [hbm4b:s1+s22], $0x40, s8, s22, $0xb8;
	[tilespmem:$0x1D880] =	vst v63  }
0xc8: {  	_ =	swait.ge [sflag:s28], $0x1F40  }
0xc9: {  	[sflag:s28] =	ssyncset.done $0x0  }
.Ltmp7:
0xca: {  	s8 =	sadd.s32 $0x400, s6;
	[sflag:s28] =	ssyncadd.s32 $0xFFFFE0C0;
	(pc) =	sbr.rel @p2 .LBB2_7-.Ltmp7, $4  }
0xcb: {  	[tilespmem:s29], [sflag:$0x4] =	stream.indirect.gather [hbm4b:s1+s22], $0x40, s8, s22, $0xb8;
	[tilespmem:$0x1D880] =	vst v63  }
0xcc: {  	_ =	swait.ge [sflag:s12], $0x1F40  }
0xcd: {  	[sflag:s12] =	ssyncset.done $0x0  }
0xce: {  	s6 =	sadd.s32 $0x480, s6;
	[sflag:s12] =	ssyncadd.s32 $0xFFFFE0C0  }
0xcf: {  	[tilespmem:s31], [sflag:$0x5] =	stream.indirect.gather [hbm4b:s1+s22], $0x40, s6, s22, $0xb8;
	[tilespmem:$0x1D880] =	vst v63  }
0xd0: {  	_ =	swait.ge [sflag:s19], $0x1F40  }
0xd1: {  	[sflag:s19] =	ssyncset.done $0x0  }
0xd2: {  	s4 =	simm.s32 $0x9D80;
	[sflag:s19] =	ssyncadd.s32 $0xFFFFE0C0  }
0xd3: {  	[spmem:s3] =	stream.indirect.scatter.add.f32 [tilespmem:s18], [sflag:$0x6], $0x40, s4, s22, $0xb8;
	[tilespmem:$0x1D880] =	vst v63  }
0xd4: {  	_ =	swait.ge [sflag:s20], $0x1F40  }
0xd5: {  	[sflag:s20] =	ssyncset.done $0x0  }
0xd6: {  	s6 =	simm.s32 $0x9E00;
	[sflag:s20] =	ssyncadd.s32 $0xFFFFE0C0  }
0xd7: {  	[spmem:s3] =	stream.indirect.scatter.add.f32 [tilespmem:s24], [sflag:$0x7], $0x40, s6, s22, $0xb8;
	[tilespmem:$0x1D880] =	vst v63  }
0xd8: {  	_ =	swait.ge [sflag:s21], $0x1F40  }
0xd9: {  	[sflag:s21] =	ssyncset.done $0x0  }
0xda: {  	s8 =	simm.s32 $0x9E80;
	[sflag:s21] =	ssyncadd.s32 $0xFFFFE0C0  }
0xdb: {  	[spmem:s3] =	stream.indirect.scatter.add.f32 [tilespmem:s26], [sflag:$0x8], $0x40, s8, s22, $0xb8;
	[tilespmem:$0x1D880] =	vst v63  }
0xdc: {  	_ =	swait.ge [sflag:s0], $0x1F40  }
0xdd: {  	[sflag:s0] =	ssyncset.done $0x0  }
0xde: {  	s6 =	simm.s32 $0x9F00;
	[sflag:s0] =	ssyncadd.s32 $0xFFFFE0C0  }
0xdf: {  	[spmem:s3] =	stream.indirect.scatter.add.f32 [tilespmem:s29], [sflag:$0x9], $0x40, s6, s22, $0xb8;
	[tilespmem:$0x1D880] =	vst v63  }
0xe0: {  	_ =	swait.ge [sflag:s17], $0x1F40  }
0xe1: {  	[sflag:s17] =	ssyncset.done $0x0  }
0xe2: {  	s8 =	simm.s32 $0x9F80;
	[sflag:s17] =	ssyncadd.s32 $0xFFFFE0C0  }
0xe3: {  	[spmem:s3] =	stream.indirect.scatter.add.f32 [tilespmem:s31], [sflag:$0xA], $0x40, s8, s22, $0xb8;
	[tilespmem:$0x1D880] =	vst v63  }
0xe4: {  	_ =	swait.ge [sflag:s23], $0x1F40  }
0xe5: {  	[sflag:s23] =	ssyncset.done $0x0  }
0xe6: {  	[sflag:s23] =	ssyncadd.s32 $0xFFFFE0C0  }
0xe7: {  	_ =	swait.ge [sflag:s25], $0x1F40  }
0xe8: {  	[sflag:s25] =	ssyncset.done $0x0  }
0xe9: {  	[sflag:s25] =	ssyncadd.s32 $0xFFFFE0C0  }
0xea: {  	_ =	swait.ge [sflag:s10], $0x1F40  }
0xeb: {  	[sflag:s10] =	ssyncset.done $0x0  }
0xec: {  	[sflag:s10] =	ssyncadd.s32 $0xFFFFE0C0  }
0xed: {  	_ =	swait.ge [sflag:s28], $0x1F40  }
0xee: {  	[sflag:s28] =	ssyncset.done $0x0  }
0xef: {  	[sflag:s28] =	ssyncadd.s32 $0xFFFFE0C0  }
0xf0: {  	_ =	swait.ge [sflag:s12], $0x1F40  }
0xf1: {  	[sflag:s12] =	ssyncset.done $0x0  }
0xf2: {  	[sflag:s12] =	ssyncadd.s32 $0xFFFFE0C0  }
0xf3: {  	[bflag:$0x0] =	sbarrier.arrive $0xFFFF  }
0xf4: {  	s4 =	simm.s32 @p0 $0x1FCB;
	s6 =	rddreg [dreg:$0x9]  }
0xf5: {  	[hbm:s6], [sflag:s4] =	dma.local @p0 [spmem:s2], $0x1400  }
0xf6: {  	s2 =	simm.s32 @p0 $0xB  }
0xf7: {  	_ =	swait.ge @p0 [sflag:s2], $0x1400  }
0xf8: {  	[sflag:s2] =	ssyncset.done @p0 $0x0  }
0xf9: {  	[sflag:s2] =	ssyncadd.s32 @p0 $0xFFFFEC00;
	s2 =	rddreg [dreg:$0x8]  }
0xfa: {  	[hbm:s2], [sflag:s14] =	dma.local @!p0 [spmem:s30], $0x1380  }
.Ltmp8:
0xfb: {  	_ = 	snop;
	(pc) =	sbr.rel .LBB2_12-.Ltmp8, $4  }
0xfc: {  	s2 =	simm.s32 @!p0 $0xB  }
0xfd: {  	_ =	swait.ge @!p0 [sflag:s2], $0x1380  }
0xfe: {  	[sflag:s2] =	ssyncset.done @!p0 $0x0  }
0xff: {  	[sflag:s2] =	ssyncadd.s32 @!p0 $0xFFFFEC80  }
.LBB2_9:
0x100: {  	[tilespmem:s18], [sflag:$0x1] =	stream.indirect.gather [hbm4b:s5+s22], $0x40, s4, s22, $0xb8;
	[tilespmem:$0x1D880] =	vst v63  }
0x101: {  	s8 =	simm.s32 $0x80  }
0x102: {  	[tilespmem:s24], [sflag:$0x2] =	stream.indirect.gather [hbm4b:s5+s22], $0x40, s8, s22, $0xb8;
	[tilespmem:$0x1D880] =	vst v63  }
0x103: {  	s6 =	simm.s32 $0x100  }
0x104: {  	[tilespmem:s26], [sflag:$0x3] =	stream.indirect.gather [hbm4b:s5+s22], $0x40, s6, s22, $0xb8;
	[tilespmem:$0x1D880] =	vst v63  }
0x105: {  	s8 =	simm.s32 $0x180  }
0x106: {  	[tilespmem:s29], [sflag:$0x4] =	stream.indirect.gather [hbm4b:s5+s22], $0x40, s8, s22, $0xb8;
	[tilespmem:$0x1D880] =	vst v63  }
0x107: {  	s6 =	simm.s32 $0x200  }
0x108: {  	[tilespmem:s31], [sflag:$0x5] =	stream.indirect.gather [hbm4b:s5+s22], $0x40, s6, s22, $0xb8;
	[tilespmem:$0x1D880] =	vst v63  }
0x109: {  	_ =	swait.ge [sflag:s19], $0x1F40  }
0x10a: {  	[sflag:s19] =	ssyncset.done $0x0  }
0x10b: {  	s8 =	simm.s32 $0x5000;
	[sflag:s19] =	ssyncadd.s32 $0xFFFFE0C0  }
0x10c: {  	[spmem:s3] =	stream.indirect.scatter.add.f32 [tilespmem:s18], [sflag:$0x6], $0x40, s8, s22, $0xb8;
	[tilespmem:$0x1D880] =	vst v63  }
0x10d: {  	_ =	swait.ge [sflag:s20], $0x1F40  }
0x10e: {  	[sflag:s20] =	ssyncset.done $0x0  }
0x10f: {  	s6 =	simm.s32 $0x5080;
	[sflag:s20] =	ssyncadd.s32 $0xFFFFE0C0  }
0x110: {  	[spmem:s3] =	stream.indirect.scatter.add.f32 [tilespmem:s24], [sflag:$0x7], $0x40, s6, s22, $0xb8;
	[tilespmem:$0x1D880] =	vst v63  }
0x111: {  	_ =	swait.ge [sflag:s21], $0x1F40  }
0x112: {  	[sflag:s21] =	ssyncset.done $0x0  }
0x113: {  	s8 =	simm.s32 $0x5100;
	[sflag:s21] =	ssyncadd.s32 $0xFFFFE0C0  }
0x114: {  	[spmem:s3] =	stream.indirect.scatter.add.f32 [tilespmem:s26], [sflag:$0x8], $0x40, s8, s22, $0xb8;
	[tilespmem:$0x1D880] =	vst v63  }
0x115: {  	_ =	swait.ge [sflag:s0], $0x1F40  }
0x116: {  	[sflag:s0] =	ssyncset.done $0x0  }
0x117: {  	s6 =	simm.s32 $0x5180;
	[sflag:s0] =	ssyncadd.s32 $0xFFFFE0C0  }
0x118: {  	[spmem:s3] =	stream.indirect.scatter.add.f32 [tilespmem:s29], [sflag:$0x9], $0x40, s6, s22, $0xb8;
	[tilespmem:$0x1D880] =	vst v63  }
0x119: {  	_ =	swait.ge [sflag:s17], $0x1F40  }
0x11a: {  	[sflag:s17] =	ssyncset.done $0x0  }
0x11b: {  	s8 =	simm.s32 $0x5200;
	[sflag:s17] =	ssyncadd.s32 $0xFFFFE0C0  }
0x11c: {  	[spmem:s3] =	stream.indirect.scatter.add.f32 [tilespmem:s31], [sflag:$0xA], $0x40, s8, s22, $0xb8;
	[tilespmem:$0x1D880] =	vst v63  }
0x11d: {  	_ =	swait.ge [sflag:s23], $0x1F40  }
0x11e: {  	[sflag:s23] =	ssyncset.done $0x0  }
0x11f: {  	s6 =	simm.s32 $0x280;
	[sflag:s23] =	ssyncadd.s32 $0xFFFFE0C0  }
0x120: {  	[tilespmem:s18], [sflag:$0x1] =	stream.indirect.gather [hbm4b:s5+s22], $0x40, s6, s22, $0xb8;
	[tilespmem:$0x1D880] =	vst v63  }
0x121: {  	_ =	swait.ge [sflag:s25], $0x1F40  }
0x122: {  	[sflag:s25] =	ssyncset.done $0x0  }
0x123: {  	s8 =	simm.s32 $0x300;
	[sflag:s25] =	ssyncadd.s32 $0xFFFFE0C0  }
0x124: {  	[tilespmem:s24], [sflag:$0x2] =	stream.indirect.gather [hbm4b:s5+s22], $0x40, s8, s22, $0xb8;
	[tilespmem:$0x1D880] =	vst v63  }
0x125: {  	_ =	swait.ge [sflag:s10], $0x1F40  }
0x126: {  	[sflag:s10] =	ssyncset.done $0x0  }
0x127: {  	s6 =	simm.s32 $0x380;
	[sflag:s10] =	ssyncadd.s32 $0xFFFFE0C0  }
0x128: {  	[tilespmem:s26], [sflag:$0x3] =	stream.indirect.gather [hbm4b:s5+s22], $0x40, s6, s22, $0xb8;
	[tilespmem:$0x1D880] =	vst v63  }
0x129: {  	_ =	swait.ge [sflag:s28], $0x1F40  }
0x12a: {  	[sflag:s28] =	ssyncset.done $0x0  }
0x12b: {  	s8 =	simm.s32 $0x400;
	[sflag:s28] =	ssyncadd.s32 $0xFFFFE0C0  }
0x12c: {  	[tilespmem:s29], [sflag:$0x4] =	stream.indirect.gather [hbm4b:s5+s22], $0x40, s8, s22, $0xb8;
	[tilespmem:$0x1D880] =	vst v63  }
0x12d: {  	_ =	swait.ge [sflag:s12], $0x1F40  }
0x12e: {  	[sflag:s12] =	ssyncset.done $0x0  }
0x12f: {  	s4 =	simm.s32 $0xA00;
	s6 =	simm.s32 $0x480;
	[sflag:s12] =	ssyncadd.s32 $0xFFFFE0C0  }
.LBB2_10:
0x130: {  	[tilespmem:s31], [sflag:$0x5] =	stream.indirect.gather [hbm4b:s5+s22], $0x40, s6, s22, $0xb8;
	[tilespmem:$0x1D880] =	vst v63  }
0x131: {  	s6 =	smov.u32 s4  }
0x132: {  	p2 =	sne.s32 s4, $0x12C00;
	s4 =	sadd.s32 $0xA00, s4;
	_ =	swait.ge [sflag:s19], $0x1F40  }
0x133: {  	s6 =	sshra.s32 s6, $0x2;
	[sflag:s19] =	ssyncset.done $0x0  }
0x134: {  	s8 =	sadd.s32 $0x5000, s6;
	[sflag:s19] =	ssyncadd.s32 $0xFFFFE0C0  }
0x135: {  	[spmem:s3] =	stream.indirect.scatter.add.f32 [tilespmem:s18], [sflag:$0x6], $0x40, s8, s22, $0xb8;
	[tilespmem:$0x1D880] =	vst v63  }
0x136: {  	_ =	swait.ge [sflag:s20], $0x1F40  }
0x137: {  	[sflag:s20] =	ssyncset.done $0x0  }
0x138: {  	s8 =	sadd.s32 $0x5080, s6;
	[sflag:s20] =	ssyncadd.s32 $0xFFFFE0C0  }
0x139: {  	[spmem:s3] =	stream.indirect.scatter.add.f32 [tilespmem:s24], [sflag:$0x7], $0x40, s8, s22, $0xb8;
	[tilespmem:$0x1D880] =	vst v63  }
0x13a: {  	_ =	swait.ge [sflag:s21], $0x1F40  }
0x13b: {  	[sflag:s21] =	ssyncset.done $0x0  }
0x13c: {  	s8 =	sadd.s32 $0x5100, s6;
	[sflag:s21] =	ssyncadd.s32 $0xFFFFE0C0  }
0x13d: {  	[spmem:s3] =	stream.indirect.scatter.add.f32 [tilespmem:s26], [sflag:$0x8], $0x40, s8, s22, $0xb8;
	[tilespmem:$0x1D880] =	vst v63  }
0x13e: {  	_ =	swait.ge [sflag:s0], $0x1F40  }
0x13f: {  	[sflag:s0] =	ssyncset.done $0x0  }
0x140: {  	s8 =	sadd.s32 $0x5180, s6;
	[sflag:s0] =	ssyncadd.s32 $0xFFFFE0C0  }
0x141: {  	[spmem:s3] =	stream.indirect.scatter.add.f32 [tilespmem:s29], [sflag:$0x9], $0x40, s8, s22, $0xb8;
	[tilespmem:$0x1D880] =	vst v63  }
0x142: {  	_ =	swait.ge [sflag:s17], $0x1F40  }
0x143: {  	[sflag:s17] =	ssyncset.done $0x0  }
0x144: {  	s8 =	sadd.s32 $0x5200, s6;
	[sflag:s17] =	ssyncadd.s32 $0xFFFFE0C0  }
0x145: {  	[spmem:s3] =	stream.indirect.scatter.add.f32 [tilespmem:s31], [sflag:$0xA], $0x40, s8, s22, $0xb8;
	[tilespmem:$0x1D880] =	vst v63  }
0x146: {  	_ =	swait.ge [sflag:s23], $0x1F40  }
0x147: {  	[sflag:s23] =	ssyncset.done $0x0  }
0x148: {  	s8 =	sadd.s32 $0x280, s6;
	[sflag:s23] =	ssyncadd.s32 $0xFFFFE0C0  }
0x149: {  	[tilespmem:s18], [sflag:$0x1] =	stream.indirect.gather [hbm4b:s5+s22], $0x40, s8, s22, $0xb8;
	[tilespmem:$0x1D880] =	vst v63  }
0x14a: {  	_ =	swait.ge [sflag:s25], $0x1F40  }
0x14b: {  	[sflag:s25] =	ssyncset.done $0x0  }
0x14c: {  	s8 =	sadd.s32 $0x300, s6;
	[sflag:s25] =	ssyncadd.s32 $0xFFFFE0C0  }
0x14d: {  	[tilespmem:s24], [sflag:$0x2] =	stream.indirect.gather [hbm4b:s5+s22], $0x40, s8, s22, $0xb8;
	[tilespmem:$0x1D880] =	vst v63  }
0x14e: {  	_ =	swait.ge [sflag:s10], $0x1F40  }
0x14f: {  	[sflag:s10] =	ssyncset.done $0x0  }
0x150: {  	s8 =	sadd.s32 $0x380, s6;
	[sflag:s10] =	ssyncadd.s32 $0xFFFFE0C0  }
0x151: {  	[tilespmem:s26], [sflag:$0x3] =	stream.indirect.gather [hbm4b:s5+s22], $0x40, s8, s22, $0xb8;
	[tilespmem:$0x1D880] =	vst v63  }
0x152: {  	_ =	swait.ge [sflag:s28], $0x1F40  }
0x153: {  	[sflag:s28] =	ssyncset.done $0x0  }
.Ltmp9:
0x154: {  	s8 =	sadd.s32 $0x400, s6;
	[sflag:s28] =	ssyncadd.s32 $0xFFFFE0C0;
	(pc) =	sbr.rel @p2 .LBB2_10-.Ltmp9, $4  }
0x155: {  	[tilespmem:s29], [sflag:$0x4] =	stream.indirect.gather [hbm4b:s5+s22], $0x40, s8, s22, $0xb8;
	[tilespmem:$0x1D880] =	vst v63  }
0x156: {  	_ =	swait.ge [sflag:s12], $0x1F40  }
0x157: {  	[sflag:s12] =	ssyncset.done $0x0  }
0x158: {  	s6 =	sadd.s32 $0x480, s6;
	[sflag:s12] =	ssyncadd.s32 $0xFFFFE0C0  }
0x159: {  	[tilespmem:s31], [sflag:$0x5] =	stream.indirect.gather [hbm4b:s5+s22], $0x40, s6, s22, $0xb8;
	[tilespmem:$0x1D880] =	vst v63  }
0x15a: {  	_ =	swait.ge [sflag:s19], $0x1F40  }
0x15b: {  	[sflag:s19] =	ssyncset.done $0x0  }
0x15c: {  	s4 =	simm.s32 $0x9D80;
	[sflag:s19] =	ssyncadd.s32 $0xFFFFE0C0  }
0x15d: {  	[spmem:s3] =	stream.indirect.scatter.add.f32 [tilespmem:s18], [sflag:$0x6], $0x40, s4, s22, $0xb8;
	[tilespmem:$0x1D880] =	vst v63  }
0x15e: {  	_ =	swait.ge [sflag:s20], $0x1F40  }
0x15f: {  	[sflag:s20] =	ssyncset.done $0x0  }
0x160: {  	s6 =	simm.s32 $0x9E00;
	[sflag:s20] =	ssyncadd.s32 $0xFFFFE0C0  }
0x161: {  	[spmem:s3] =	stream.indirect.scatter.add.f32 [tilespmem:s24], [sflag:$0x7], $0x40, s6, s22, $0xb8;
	[tilespmem:$0x1D880] =	vst v63  }
0x162: {  	_ =	swait.ge [sflag:s21], $0x1F40  }
0x163: {  	[sflag:s21] =	ssyncset.done $0x0  }
0x164: {  	s8 =	simm.s32 $0x9E80;
	[sflag:s21] =	ssyncadd.s32 $0xFFFFE0C0  }
0x165: {  	[spmem:s3] =	stream.indirect.scatter.add.f32 [tilespmem:s26], [sflag:$0x8], $0x40, s8, s22, $0xb8;
	[tilespmem:$0x1D880] =	vst v63  }
0x166: {  	_ =	swait.ge [sflag:s0], $0x1F40  }
0x167: {  	[sflag:s0] =	ssyncset.done $0x0  }
0x168: {  	s6 =	simm.s32 $0x9F00;
	[sflag:s0] =	ssyncadd.s32 $0xFFFFE0C0  }
0x169: {  	[spmem:s3] =	stream.indirect.scatter.add.f32 [tilespmem:s29], [sflag:$0x9], $0x40, s6, s22, $0xb8;
	[tilespmem:$0x1D880] =	vst v63  }
0x16a: {  	_ =	swait.ge [sflag:s17], $0x1F40  }
0x16b: {  	[sflag:s17] =	ssyncset.done $0x0  }
0x16c: {  	s8 =	simm.s32 $0x9F80;
	[sflag:s17] =	ssyncadd.s32 $0xFFFFE0C0  }
0x16d: {  	[spmem:s3] =	stream.indirect.scatter.add.f32 [tilespmem:s31], [sflag:$0xA], $0x40, s8, s22, $0xb8;
	[tilespmem:$0x1D880] =	vst v63  }
0x16e: {  	_ =	swait.ge [sflag:s23], $0x1F40  }
0x16f: {  	[sflag:s23] =	ssyncset.done $0x0  }
0x170: {  	[sflag:s23] =	ssyncadd.s32 $0xFFFFE0C0  }
0x171: {  	_ =	swait.ge [sflag:s25], $0x1F40  }
0x172: {  	[sflag:s25] =	ssyncset.done $0x0  }
0x173: {  	[sflag:s25] =	ssyncadd.s32 $0xFFFFE0C0  }
0x174: {  	_ =	swait.ge [sflag:s10], $0x1F40  }
0x175: {  	[sflag:s10] =	ssyncset.done $0x0  }
0x176: {  	[sflag:s10] =	ssyncadd.s32 $0xFFFFE0C0  }
0x177: {  	_ =	swait.ge [sflag:s28], $0x1F40  }
0x178: {  	[sflag:s28] =	ssyncset.done $0x0  }
0x179: {  	[sflag:s28] =	ssyncadd.s32 $0xFFFFE0C0  }
0x17a: {  	_ =	swait.ge [sflag:s12], $0x1F40  }
0x17b: {  	[sflag:s12] =	ssyncset.done $0x0  }
0x17c: {  	[sflag:s12] =	ssyncadd.s32 $0xFFFFE0C0  }
0x17d: {  	[bflag:$0x0] =	sbarrier.arrive $0xFFFF  }
0x17e: {  	s4 =	simm.s32 @p0 $0x1FCB;
	s6 =	rddreg [dreg:$0x7]  }
0x17f: {  	[hbm:s6], [sflag:s4] =	dma.local @p0 [spmem:s2], $0x1400  }
0x180: {  	s2 =	simm.s32 @p0 $0xB  }
0x181: {  	_ =	swait.ge @p0 [sflag:s2], $0x1400  }
0x182: {  	[sflag:s2] =	ssyncset.done @p0 $0x0  }
0x183: {  	[sflag:s2] =	ssyncadd.s32 @p0 $0xFFFFEC00;
	s2 =	rddreg [dreg:$0x6]  }
0x184: {  	[hbm:s2], [sflag:s14] =	dma.local @!p0 [spmem:s30], $0x1380  }
.Ltmp10:
0x185: {  	_ = 	snop;
	(pc) =	sbr.rel .LBB2_12-.Ltmp10, $4  }
0x186: {  	s2 =	simm.s32 @!p0 $0xB  }
0x187: {  	_ =	swait.ge @!p0 [sflag:s2], $0x1380  }
0x188: {  	[sflag:s2] =	ssyncset.done @!p0 $0x0  }
0x189: {  	[sflag:s2] =	ssyncadd.s32 @!p0 $0xFFFFEC80  }
.LBB2_13:
0x18a: {  	_ =	sfence.sel $0x180000  }
0x18b: {  	[bflag:$0x0] =	sbarrier.arrive $0xFFFF  }
0x18c: {  	_ =	strace $0x9000004A  }
0x18d: {  	s0 =	stileid.u32;
	[bflag:$0x2] =	sbarrier.arrive $0xFFFF  }
0x18e: {  	p0 =	sne.s32 s0, $0x0;
	s0 =	rddreg [dreg:$0x3]  }
0x18f: {  	s0 =	sadd.s32 @!p0 $0x100000, s0  }
0x190: {  	[sflag:s0] =	ssyncadd.tile.s32 @!p0 $0x1;
	_ =	shalt  }
.Lfunc_end2:
_tile_overlayer_lowered:
.L_overlay_start_2:
0x191: {  	(tag) =	ssettag $0x2  }
0x192: {  	s0 =	rddreg [dreg:$0x0];
	s2 =	stileid.u32  }
0x193: {  	s1 =	rddreg [dreg:$0x1];
	p0 =	sne.s32 s2, $0x0  }
0x194: {  	s3 =	rddreg [dreg:$0x2];
	[bflag:$0x3] =	sbarrier.arrive $0xFFFF;
	s2 =	simm.s32 @!p0 $0x1C0B  }
0x195: {  	[timem:s3], [sflag:s2] =	dma.local @!p0 [hbm:s0], s1  }
0x196: {  	s0 =	simm.s32 @!p0 $0xB  }
0x197: {  	_ =	swait.ge @!p0 [sflag:s0], s1  }
0x198: {  	s1 =	ssub.s32 @!p0 $0x0, s1;
	[sflag:s0] =	ssyncset.done @!p0 $0x0  }
0x199: {  	[sflag:s0] =	ssyncadd.s32 @!p0 s1  }
0x19a: {  	[bflag:$0x3] =	sbarrier.arrive $0xFFFF  }
0x19b: {  	_ =	shalt  }

// kernel: kernel.7.cloned.1.call-start
scs
__scs_entry_jumppad:
0x0: {  	(pc) =	sbr.rel $0x88, $3  }
0x1: {  	(tag) =	ssettag $0x0;
	lr =	simm.s32 $0x1  }
0x2: {  	[smem:$0x3F96] =	sst lr;
	_ =	strace $0xD0000000  }
0x3: {  	_ = 	snop  }
0x4: {  	_ = 	snop  }
0x5: {  	_ = 	snop  }
0x6: {  	_ = 	snop  }
0x7: {  	_ = 	snop  }
__scs_overlays_trampoline_lowered:
0x8: {  	[smem:$0x3FA5] =	sst s0  }
0x9: {  	[smem:$0x3FA6] =	sst s1  }
0xa: {  	[smem:$0x3FA7] =	sst s2  }
0xb: {  	[smem:$0x3FA8] =	sst s3  }
0xc: {  	[smem:$0x3FA9] =	sst s4  }
0xd: {  	[smem:$0x3FAA] =	sst s5  }
0xe: {  	[smem:$0x3FAB] =	sst s6  }
0xf: {  	[smem:$0x3FAC] =	sst s7  }
0x10: {  	[smem:$0x3FAD] =	sst s8  }
0x11: {  	[smem:$0x3FAE] =	sst s9;
	s0 =	simm.s32 @!p0 $0x0  }
0x12: {  	s1 =	sld [smem:$0x3F94];
	s0 =	simm.s32 @p0 $0x1  }
0x13: {  	[smem:$0x3FAF] =	sst s0;
	s0 =	simm.s32 @!p1 $0x0  }
0x14: {  	s2 =	sld [smem:$0x3F93];
	s0 =	simm.s32 @p1 $0x1  }
0x15: {  	[smem:$0x3FB0] =	sst s0;
	s0 =	simm.s32 @!p2 $0x0  }
0x16: {  	s3 =	sld [smem:$0x3FDB];
	s0 =	simm.s32 @p2 $0x1  }
0x17: {  	s4 =	simm.s32 $0x1BF5;
	[smem:$0x3FB2] =	sst s0  }
0x18: {  	s0 =	sld [smem:$0x3F95];
	_ =	swait.ge [sflag:s4], $0x0  }
0x19: {  	s7 =	sld [smem:$0x3F96]  }
0x1a: {  	s8 =	sadd.s32 $0xFFFFE003, lr  }
0x1b: {  	s9 =	sadd.s32 $0xFFFFFEF7, lr;
	s5 =	simm.s32 $0xFFFFFFFF;
	p2 =	slt.u32 s8, $0xFFFFF086  }
0x1c: {  	p1 =	slt.u32 s9, $0xF7A;
	s5 =	simm.s32 @!p2 $0x0  }
0x1d: {  	s5 =	simm.s32 @p1 $0x1;
	p0 =	seq.s32 s7, s2  }
0x1e: {  	s7 =	smul.u32 @!p0 $0xF7A, s2;
	p2 =	seq.s32 @!p0 s5, $0x0  }
0x1f: {  	s9 =	smul.u32 $0xF7A, s1;
	s8 =	simm.s32 @!p0 $0x1BF5;
	p2 =	por !p2, p0  }
0x20: {  	[sflag:s8] =	ssyncset.s32 @!p0 $0xFFFFF086;
	s6 =	sadd.s32 @!p0 s3, s7;
	s7 =	simm.s32 @!p0 $0x108  }
0x21: {  	s3 =	sadd.s32 s3, s9;
	s6 =	sadd.s32 @!p0 $0x88, s6;
	s7 =	simm.s32 @p2 $0x1082  }
0x22: {  	[simem:s7], [sflag:s8] =	dma.local @!p0 [hbm:s6], $0xF7A  }
0x23: {  	s9 =	sor.u32 $0xD0000000, s2;
	s6 =	simm.s32 $0x108;
	_ =	swait.ge @!p0 [sflag:s8], $0x0  }
0x24: {  	s3 =	sadd.s32 $0x88, s3;
	s6 =	simm.s32 @!p1 $0x1082;
	[sflag:s4] =	ssyncset.s32 $0xFFFFF086  }
0x25: {  	[simem:s6], [sflag:s4] =	dma.local [hbm:s3], $0xF7A  }
0x26: {  	[smem:$0x3F96] =	sst s1;
	(tag) =	ssettag s2;
	_ =	strace s9  }
0x27: {  	s1 =	sld [smem:$0x3FA6]  }
0x28: {  	s2 =	sld [smem:$0x3FA7]  }
0x29: {  	s4 =	sld [smem:$0x3FA9]  }
0x2a: {  	p0 =	seq.s32 s5, $0x0;
	s5 =	sld [smem:$0x3FAA]  }
0x2b: {  	s6 =	sld [smem:$0x3FAB]  }
0x2c: {  	s7 =	sld [smem:$0x3FAC]  }
0x2d: {  	s3 =	simm.s32 $0x108;
	s8 =	sld [smem:$0x3FAD]  }
0x2e: {  	s3 =	simm.s32 @!p0 $0x1082;
	s9 =	sld [smem:$0x3FAE]  }
0x2f: {  	lr =	sadd.s32 s0, s3;
	s0 =	sld [smem:$0x3FA5]  }
0x30: {  	s3 =	sld [smem:$0x3FA8]  }
0x31: {  	[smem:$0x3FB1] =	sst s10  }
0x32: {  	s10 =	sld [smem:$0x3FAF];
	_ =	sdelay $0x3  }
0x33: {  	p0 =	seq.s32 s10, $0x1;
	s10 =	sld [smem:$0x3FB1];
	_ =	sdelay $0x3  }
0x34: {  	[smem:$0x3FB1] =	sst s10  }
0x35: {  	s10 =	sld [smem:$0x3FB0];
	_ =	sdelay $0x3  }
0x36: {  	p1 =	seq.s32 s10, $0x1;
	s10 =	sld [smem:$0x3FB1];
	_ =	sdelay $0x3  }
0x37: {  	[smem:$0x3FB1] =	sst s10  }
0x38: {  	s10 =	sld [smem:$0x3FB2]  }
0x39: {  	_ = 	snop;
	(pc) =	sbr.ind lr, $3  }
0x3a: {  	_ = 	snop  }
0x3b: {  	_ = 	snop  }
0x3c: {  	p2 =	seq.s32 s10, $0x1;
	s10 =	sld [smem:$0x3FB1]  }
0x3d: {  	_ =	shalt  }
0x3e: {  	_ =	shalt  }
0x3f: {  	_ =	shalt  }
0x40: {  	_ =	shalt  }
0x41: {  	_ =	shalt  }
0x42: {  	_ =	shalt  }
0x43: {  	_ =	shalt  }
0x44: {  	_ =	shalt  }
0x45: {  	_ =	shalt  }
0x46: {  	_ =	shalt  }
0x47: {  	_ =	shalt  }
0x48: {  	_ =	shalt  }
0x49: {  	_ =	shalt  }
0x4a: {  	_ =	shalt  }
0x4b: {  	_ =	shalt  }
0x4c: {  	_ =	shalt  }
0x4d: {  	_ =	shalt  }
0x4e: {  	_ =	shalt  }
0x4f: {  	_ =	shalt  }
0x50: {  	_ =	shalt  }
0x51: {  	_ =	shalt  }
0x52: {  	_ =	shalt  }
0x53: {  	_ =	shalt  }
0x54: {  	_ =	shalt  }
0x55: {  	_ =	shalt  }
0x56: {  	_ =	shalt  }
0x57: {  	_ =	shalt  }
0x58: {  	_ =	shalt  }
0x59: {  	_ =	shalt  }
0x5a: {  	_ =	shalt  }
0x5b: {  	_ =	shalt  }
0x5c: {  	_ =	shalt  }
0x5d: {  	_ =	shalt  }
0x5e: {  	_ =	shalt  }
0x5f: {  	_ =	shalt  }
0x60: {  	_ =	shalt  }
0x61: {  	_ =	shalt  }
0x62: {  	_ =	shalt  }
0x63: {  	_ =	shalt  }
0x64: {  	_ =	shalt  }
0x65: {  	_ =	shalt  }
0x66: {  	_ =	shalt  }
0x67: {  	_ =	shalt  }
0x68: {  	_ =	shalt  }
0x69: {  	_ =	shalt  }
0x6a: {  	_ =	shalt  }
0x6b: {  	_ =	shalt  }
0x6c: {  	_ =	shalt  }
0x6d: {  	_ =	shalt  }
0x6e: {  	_ =	shalt  }
0x6f: {  	_ =	shalt  }
0x70: {  	_ =	shalt  }
0x71: {  	_ =	shalt  }
0x72: {  	_ =	shalt  }
0x73: {  	_ =	shalt  }
0x74: {  	_ =	shalt  }
0x75: {  	_ =	shalt  }
0x76: {  	_ =	shalt  }
0x77: {  	_ =	shalt  }
0x78: {  	_ =	shalt  }
0x79: {  	_ =	shalt  }
0x7a: {  	_ =	shalt  }
0x7b: {  	_ =	shalt  }
0x7c: {  	_ =	shalt  }
0x7d: {  	_ =	shalt  }
0x7e: {  	_ =	shalt  }
0x7f: {  	_ =	shalt  }
0x80: {  	_ =	shalt  }
0x81: {  	_ =	shalt  }
0x82: {  	_ =	shalt  }
0x83: {  	_ =	shalt  }
0x84: {  	_ =	shalt  }
0x85: {  	_ =	shalt  }
0x86: {  	_ =	shalt  }
0x87: {  	_ =	shalt  }
.Lfunc_end0:
.L_simem_size_0:
called_computation_lowered:
.L_overlay_start_0:
0x88: {  	s2 =	sld [smem:$0x3FD9]  }
0x89: {  	s3 =	sld [smem:$0x3FFE];
	_ =	sdelay $0x1  }
0x8a: {  	s1 =	srdreg.scid  }
0x8b: {  	s0 =	sand.u32 $0x1, s1  }
0x8c: {  	s16 =	sshll.u32 s0, $0xA;
	s2 =	sadd.s32 s3, s2  }
0x8d: {  	s2 =	sadd.s32 s2, s16  }
0x8e: {  	[smem:$0x3FBD] =	sst s2  }
0x8f: {  	_ = 	snop  }
0x90: {  	(tm) =	ssettm $0x1  }
0x91: {  	s17 =	sld [smem:$0x3FFB];
	_ =	sdelay $0x3  }
0x92: {  	_ =	strace s17  }
0x93: {  	s2 =	sld [smem:$0x3FFC];
	_ =	sdelay $0x3  }
0x94: {  	_ =	strace s2  }
0x95: {  	s2 =	sld [smem:$0x3FFD];
	_ =	sdelay $0x3  }
0x96: {  	_ =	strace s2  }
0x97: {  	_ =	strace $0x8FFFFFFF  }
0x98: {  	s18 =	sld [smem:$0x3FDB];
	_ =	sdelay $0x1  }
0x99: {  	s19 =	simm.s32 $_scs_section_size  }
0x9a: {  	s4 =	simm.s32 $_size__tile_overlayer_lowered;
	s5 =	simm.s32 $_tile_overlayer_lowered  }
0x9b: {  	s22 =	simm.s32 $0x1BFF;
	s21 =	sshll.u32 s5, $0x1;
	s2 =	sadd.s32 s19, s18  }
0x9c: {  	s6 =	simm.s32 $0x0;
	s20 =	sshll.u32 s4, $0x1;
	s4 =	sadd.s32 s21, s2  }
0x9d: {  	[timem:s6], [sflag:s22] =	dma.local [hbm:s4], s20  }
0x9e: {  	_ =	swait.ge [sflag:s22], s20  }
0x9f: {  	s3 =	ssub.s32 $0x0, s20;
	[sflag:s22] =	ssyncset.done $0x0  }
0xa0: {  	[sflag:s22] =	ssyncadd.s32 s3;
	_ =	sdelay $0x1  }
0xa1: {  	s23 =	simm.s32 $0x1B8B  }
0xa2: {  	_ =	swait.ge [sflag:s23], $0x1  }
0xa3: {  	[sflag:s23] =	ssyncset.done $0x0  }
0xa4: {  	s25 =	simm.s32 $0x1B8E;
	s24 =	sld [smem:$0x3FFE];
	[sflag:s23] =	ssyncadd.s32 $0xFFFFFFFF  }
0xa5: {  	s26 =	simm.s32 $execute0_lowered;
	[smem:$0x3FD2] =	sst s25  }
0xa6: {  	s4 =	sshll.u32 s26, $0x1;
	_ =	strace $0x80000046;
	[dreg:$0x1] =	wrdreg $0xFFFFFFFF  }
0xa7: {  	s28 =	simm.s32 $_size_execute0_lowered;
	s2 =	sadd.s32 s2, s4;
	[dreg:$0x0] =	wrdreg $0x0  }
0xa8: {  	s4 =	sshll.u32 s28, $0x1;
	[dreg:$0x2] =	wrdreg s2  }
0xa9: {  	[dreg:$0x3] =	wrdreg s4  }
0xaa: {  	[dreg:$0x4] =	wrdreg $0xC0  }
0xab: {  	_ =	task [dreg:s6], $0x5FFFF  }
0xac: {  	[dreg:$0x1] =	wrdreg $0xFFFFFFFF  }
0xad: {  	[dreg:$0x0] =	wrdreg $0x60  }
0xae: {  	[dreg:$0x2] =	wrdreg s24  }
0xaf: {  	[dreg:$0x3] =	wrdreg $0x13C400  }
0xb0: {  	[dreg:$0x4] =	wrdreg $0x9  }
0xb1: {  	_ =	task.clear_ibuf [dreg:s6], $0x5FFFF;
	_ =	strace $0x90000046  }
0xb2: {  	s29 =	simm.s32 $0x9;
	_ =	strace $0x80000048  }
0xb3: {  	_ =	swait.ge [sflag:s29], $0x1  }
0xb4: {  	[sflag:s29] =	ssyncadd.s32 $0xFFFFFFFF  }
0xb5: {  	_ =	strace $0x90000048  }
0xb6: {  	_ =	sfence  }
0xb7: {  	s30 =	sld [smem:$0x0];
	_ =	sdelay $0x2  }
0xb8: {  	s31 =	sshll.u32 s1, $0xD;
	s1 =	sshrl.u32 s1, $0x2  }
0xb9: {  	s3 =	sand.u32 $0x4000, s31;
	s1 =	sadd.s32 s1, s30  }
0xba: {  	s0 =	sor.u32 s3, s0;
	s1 =	sshll.u32 s1, $0x11  }
0xbb: {  	s0 =	sor.u32 s1, s0  }
0xbc: {  	s0 =	sadd.s32 $0x8F2B, s0  }
0xbd: {  	[sflag:s0] =	ssyncadd.remote.s32 $0x1  }
0xbe: {  	_ =	sfence.sel $0xFFFF  }
0xbf: {  	[dreg:$0x0] =	wrdreg $0xFFFFFFFF;
	(pc) =	sbr.abs _section_cstart, $3  }
0xc0: {  	[dreg:$0x1] =	wrdreg $0xFFFFFFFF  }
0xc1: {  	_ =	task.clear_ibuf [dreg:s6], $0x2FFFF;
	_ =	strace $0x9FFFFFFF  }
0xc2: {  	(tm) =	ssettm $0x7FFFFFFF  }
0xc3: {  	_ =	shalt  }
tec
execute0_lowered:
.L_overlay_start_1:
0x0: {  	(tag) =	ssettag $0x1  }
0x1: {  	s0 =	rddreg [dreg:$0x0]  }
0x2: {  	s2 =	rddreg [dreg:$0x1]  }
0x3: {  	s1 =	simm.s32 $0x0;
	s11 =	stileid.u32;
	s3 =	srdreg.scid  }
0x4: {  	s18 =	simm.s32 $0xA000;
	s19 =	simm.s32 $0x1;
	s20 =	simm.s32 $0x2  }
0x5: {  	s29 =	simm.s32 $0xFDC0;
	s31 =	simm.s32 $0x11D00;
	s17 =	simm.s32 $0x5  }
0x6: {  	s28 =	simm.s32 $0x9;
	s15 =	simm.s32 $0x0;
	s21 =	smul.u32 $0x5000, s11  }
0x7: {  	[smem:$0x7FF] =	sst s1;
	s4 =	sadd.s32 $0x3600, s0;
	s6 =	smul.u32 $0x9C00, s11  }
0x8: {  	s3 =	sand.u32 $0x1, s3;
	s5 =	sadd.s32 $0x17000, s0;
	s22 =	smul.u32 $0x27000, s11  }
0x9: {  	p0 =	seq.s32 s11, $0xF;
	s26 =	sadd.s32 $0x50E80, s0;
	s13 =	sadd.s32 $0x92400, s2  }
0xa: {  	_ =	strace $0x80000047;
	s7 =	ssub.s32 $0x2, s3;
	[dreg:$0x6] =	wrdreg s26  }
0xb: {  	p1 =	sne.s32 s3, $0x0;
	s26 =	simm.s32 $0xDE80;
	s1 =	sshrl.u32 s21, $0x3  }
0xc: {  	s8 =	sshrl.u32 s6, $0x3;
	s9 =	sshrl.u32 s7, $0x1;
	s24 =	sshrl.u32 s22, $0x2  }
0xd: {  	s11 =	sadd.s32 s6, s2;
	s21 =	simm.s32 $0x3;
	s22 =	simm.s32 $0x7D  }
0xe: {  	s1 =	sadd.s32 s1, s0;
	s10 =	sadd.s32 s8, s0;
	s12 =	ssub.s32 s7, s9  }
0xf: {  	s7 =	simm.s32 $0x28;
	s9 =	sadd.s32 s24, s2;
	s0 =	sadd.s32 $0x64880, s0  }
0x10: {  	s24 =	simm.s32 $0xBF40;
	s23 =	sadd.s32 $0x2AA00, s1;
	s1 =	sadd.s32 $0x34A00, s1  }
.Ltmp0:
0x11: {  	s7 =	simm.s32 @!p0 $0x27;
	[dreg:$0x8] =	wrdreg s0;
	(pc) =	sbr.rel .LBB2_1-.Ltmp0, $4  }
0x12: {  	s25 =	sadd.s32 $0x3EA00, s10;
	s30 =	sadd.s32 $0x52400, s10;
	[dreg:$0x3] =	wrdreg s23  }
0x13: {  	s16 =	smax.u32 s12, $0x1;
	s0 =	simm.s32 $0x4;
	[dreg:$0x4] =	wrdreg s1  }
0x14: {  	s10 =	simm.s32 $0x8;
	s12 =	simm.s32 $0xA;
	[dreg:$0x5] =	wrdreg s25  }
0x15: {  	v0 =	vimm.f32 $0.0e+00;
	[dreg:$0x7] =	wrdreg s30;
	s23 =	simm.s32 $0x6;
	s25 =	simm.s32 $0x7  }
.LBB2_12:
0x16: {  	s15 =	sadd.s32 $0x1, s15  }
0x17: {  	p2 =	sne.s32 s15, s16  }
.Ltmp1:
0x18: {  	_ = 	snop;
	(pc) =	sbr.rel @!p2 .LBB2_13-.Ltmp1, $1  }
0x19: {  	_ =	sdelay $0x3  }
.LBB2_1:
0x1a: {  	s1 =	simm.s32 $0x0;
	s3 =	rddreg [dreg:$0x3]  }
0x1b: {  	[tilespmem:s1], [sflag:$0x2] =	stream.linear.gather [hbm4b:s3+s1], $0x5000, $0x38;
	[tilespmem:$0x1D880] =	vst v63  }
0x1c: {  	s30 =	rddreg [dreg:$0x4];
	s6 =	simm.s32 $0x5000  }
0x1d: {  	[tilespmem:s6], [sflag:$0x3] =	stream.linear.gather [hbm4b:s30+s1], $0x5000, $0x38;
	[tilespmem:$0x1D880] =	vst v63  }
0x1e: {  	[tilespmem:$0xA000] =	vst v0  }
0x1f: {  	[tilespmem:$0xA010] =	vst v0  }
0x20: {  	[tilespmem:$0xA020] =	vst v0  }
0x21: {  	[tilespmem:$0xA030] =	vst v0  }
0x22: {  	[tilespmem:$0xA040] =	vst v0  }
0x23: {  	[tilespmem:$0xA050] =	vst v0  }
0x24: {  	[tilespmem:$0xA060] =	vst v0  }
0x25: {  	[tilespmem:$0xA070] =	vst v0  }
0x26: {  	[tilespmem:$0xA080] =	vst v0  }
0x27: {  	[tilespmem:$0xA090] =	vst v0  }
0x28: {  	[tilespmem:$0xA0A0] =	vst v0  }
0x29: {  	[tilespmem:$0xA0B0] =	vst v0  }
0x2a: {  	[tilespmem:$0xA0C0] =	vst v0  }
0x2b: {  	[tilespmem:$0xA0D0] =	vst v0  }
0x2c: {  	[tilespmem:$0xA0E0] =	vst v0  }
0x2d: {  	[tilespmem:$0xA0F0] =	vst v0  }
0x2e: {  	[tilespmem:$0xA100] =	vst v0  }
0x2f: {  	[tilespmem:$0xA110] =	vst v0  }
0x30: {  	[tilespmem:$0xA120] =	vst v0  }
0x31: {  	[tilespmem:$0xA130] =	vst v0  }
0x32: {  	[tilespmem:$0xA140] =	vst v0  }
0x33: {  	[tilespmem:$0xA150] =	vst v0  }
0x34: {  	[tilespmem:$0xA160] =	vst v0  }
0x35: {  	[tilespmem:$0xA170] =	vst v0  }
0x36: {  	[tilespmem:$0xA180] =	vst v0  }
0x37: {  	[tilespmem:$0xA190] =	vst v0  }
0x38: {  	[tilespmem:$0xA1A0] =	vst v0  }
0x39: {  	[tilespmem:$0xA1B0] =	vst v0  }
0x3a: {  	[tilespmem:$0xA1C0] =	vst v0  }
0x3b: {  	[tilespmem:$0xA1D0] =	vst v0  }
0x3c: {  	[tilespmem:$0xA1E0] =	vst v0  }
0x3d: {  	[tilespmem:$0xA1F0] =	vst v0  }
0x3e: {  	[tilespmem:$0xA200] =	vst v0  }
0x3f: {  	[tilespmem:$0xA210] =	vst v0  }
0x40: {  	[tilespmem:$0xA220] =	vst v0  }
0x41: {  	[tilespmem:$0xA230] =	vst v0  }
0x42: {  	[tilespmem:$0xA240] =	vst v0  }
0x43: {  	[tilespmem:$0xA250] =	vst v0  }
0x44: {  	[tilespmem:$0xA260] =	vst v0  }
0x45: {  	[tilespmem:$0xA270] =	vst v0  }
0x46: {  	[tilespmem:$0xA280] =	vst v0  }
0x47: {  	[tilespmem:$0xA290] =	vst v0  }
0x48: {  	[tilespmem:$0xA2A0] =	vst v0  }
0x49: {  	[tilespmem:$0xA2B0] =	vst v0  }
0x4a: {  	[tilespmem:$0xA2C0] =	vst v0  }
0x4b: {  	[tilespmem:$0xA2D0] =	vst v0  }
0x4c: {  	[tilespmem:$0xA2E0] =	vst v0  }
0x4d: {  	[tilespmem:$0xA2F0] =	vst v0  }
0x4e: {  	[tilespmem:$0xA300] =	vst v0  }
0x4f: {  	[tilespmem:$0xA310] =	vst v0  }
0x50: {  	[tilespmem:$0xA320] =	vst v0  }
0x51: {  	[tilespmem:$0xA330] =	vst v0  }
0x52: {  	[tilespmem:$0xA340] =	vst v0  }
0x53: {  	[tilespmem:$0xA350] =	vst v0  }
0x54: {  	[tilespmem:$0xA360] =	vst v0  }
0x55: {  	[tilespmem:$0xA370] =	vst v0  }
0x56: {  	[tilespmem:$0xA380] =	vst v0  }
0x57: {  	[tilespmem:$0xA390] =	vst v0  }
0x58: {  	[tilespmem:$0xA3A0] =	vst v0  }
0x59: {  	p2 =	sne.s32 s7, $0x1;
	[tilespmem:$0xA3B0] =	vst v0  }
.Ltmp2:
0x5a: {  	[tilespmem:$0xA3C0] =	vst v0;
	(pc) =	sbr.rel @!p2 .LBB2_3-.Ltmp2, $4  }
0x5b: {  	[tilespmem:$0xA3D0] =	vst v0  }
0x5c: {  	[tilespmem:$0xA3E0] =	vst v0  }
0x5d: {  	s3 =	smov.u32 s9;
	s1 =	sadd.s32 $0xFFFFFFFF, s7;
	[tilespmem:$0xA3F0] =	vst v0  }
0x5e: {  	[spmem:s9] =	stream.linear.scatter [tilespmem:s18], [sflag:$0x1], $0x400, $0x38;
	[tilespmem:$0x1D880] =	vst v63  }
.LBB2_2:
0x5f: {  	p3 =	sne.s32 s1, $0x1  }
.Ltmp3:
0x60: {  	_ = 	snop;
	(pc) =	sbr.rel @p3 .LBB2_2-.Ltmp3, $3  }
0x61: {  	_ = 	snop  }
0x62: {  	s1 =	sadd.s32 $0xFFFFFFFF, s1;
	s3 =	sadd.s32 $0x400, s3;
	_ =	sdelay $0x1  }
0x63: {  	[spmem:s3] =	stream.linear.scatter [tilespmem:s18], [sflag:$0x1], $0x400, $0x38;
	[tilespmem:$0x1D880] =	vst v63  }
.LBB2_3:
.Ltmp4:
0x64: {  	(pc) =	sbr.rel @!p2 .LBB2_5-.Ltmp4, $3  }
0x65: {  	_ =	sdelay $0x1  }
0x66: {  	_ =	swait.ge [sflag:s19], $0x400  }
0x67: {  	s1 =	sadd.s32 $0xFFFFFFFF, s7;
	[sflag:s19] =	ssyncset.done $0x0  }
.LBB2_4:
0x68: {  	p2 =	sne.s32 s1, $0x1;
	s1 =	sadd.s32 $0xFFFFFFFF, s1;
	[sflag:s19] =	ssyncadd.s32 $0xFFFFFC00  }
.Ltmp5:
0x69: {  	(pc) =	sbr.rel @p2 .LBB2_4-.Ltmp5, $3  }
0x6a: {  	_ =	sdelay $0x1  }
0x6b: {  	_ =	swait.ge [sflag:s19], $0x400  }
0x6c: {  	[sflag:s19] =	ssyncset.done $0x0  }
.LBB2_5:
0x6d: {  	[sflag:s19] =	ssyncadd.s32 $0xFFFFFC00  }
0x6e: {  	_ =	swait.ge [sflag:s20], $0x5000  }
0x6f: {  	[sflag:s20] =	ssyncset.done $0x0  }
0x70: {  	[sflag:s20] =	ssyncadd.s32 $0xFFFFB000  }
.Ltmp6:
0x71: {  	_ =	swait.ge [sflag:s21], $0x5000;
	(pc) =	sbr.rel @p1 .LBB2_9-.Ltmp6, $4  }
0x72: {  	[sflag:s21] =	ssyncset.done $0x0  }
0x73: {  	s1 =	stileid.u32;
	[sflag:s21] =	ssyncadd.s32 $0xFFFFB000  }
0x74: {  	s30 =	sshrl.u32 @!p0 s11, $0x3;
	s3 =	sshll.u32 @!p0 s1, $0x6;
	[bflag:$0x0] =	sbarrier.arrive $0xFFFF  }
0x75: {  	s1 =	sshrl.u32 @p0 s13, $0x3;
	s14 =	sor.u32 @!p0 $0x1C0B, s3;
	s3 =	simm.s32 $0x0  }
0x76: {  	[tilespmem:s18], [sflag:$0x1] =	stream.indirect.gather [hbm4b:s4+s22], $0x40, s3, s22, $0xb8;
	[tilespmem:$0x1D880] =	vst v63  }
0x77: {  	s8 =	simm.s32 $0x80  }
0x78: {  	[tilespmem:s24], [sflag:$0x2] =	stream.indirect.gather [hbm4b:s4+s22], $0x40, s8, s22, $0xb8;
	[tilespmem:$0x1D880] =	vst v63  }
0x79: {  	s6 =	simm.s32 $0x100  }
0x7a: {  	[tilespmem:s26], [sflag:$0x3] =	stream.indirect.gather [hbm4b:s4+s22], $0x40, s6, s22, $0xb8;
	[tilespmem:$0x1D880] =	vst v63  }
0x7b: {  	s8 =	simm.s32 $0x180  }
0x7c: {  	[tilespmem:s29], [sflag:$0x4] =	stream.indirect.gather [hbm4b:s4+s22], $0x40, s8, s22, $0xb8;
	[tilespmem:$0x1D880] =	vst v63  }
0x7d: {  	s6 =	simm.s32 $0x200  }
0x7e: {  	[tilespmem:s31], [sflag:$0x5] =	stream.indirect.gather [hbm4b:s4+s22], $0x40, s6, s22, $0xb8;
	[tilespmem:$0x1D880] =	vst v63  }
0x7f: {  	_ =	swait.ge [sflag:s19], $0x1F40  }
0x80: {  	[sflag:s19] =	ssyncset.done $0x0  }
0x81: {  	s8 =	simm.s32 $0x5000;
	[sflag:s19] =	ssyncadd.s32 $0xFFFFE0C0  }
0x82: {  	[spmem:s2] =	stream.indirect.scatter.add.f32 [tilespmem:s18], [sflag:$0x6], $0x40, s8, s22, $0xb8;
	[tilespmem:$0x1D880] =	vst v63  }
0x83: {  	_ =	swait.ge [sflag:s20], $0x1F40  }
0x84: {  	[sflag:s20] =	ssyncset.done $0x0  }
0x85: {  	s6 =	simm.s32 $0x5080;
	[sflag:s20] =	ssyncadd.s32 $0xFFFFE0C0  }
0x86: {  	[spmem:s2] =	stream.indirect.scatter.add.f32 [tilespmem:s24], [sflag:$0x7], $0x40, s6, s22, $0xb8;
	[tilespmem:$0x1D880] =	vst v63  }
0x87: {  	_ =	swait.ge [sflag:s21], $0x1F40  }
0x88: {  	[sflag:s21] =	ssyncset.done $0x0  }
0x89: {  	s8 =	simm.s32 $0x5100;
	[sflag:s21] =	ssyncadd.s32 $0xFFFFE0C0  }
0x8a: {  	[spmem:s2] =	stream.indirect.scatter.add.f32 [tilespmem:s26], [sflag:$0x8], $0x40, s8, s22, $0xb8;
	[tilespmem:$0x1D880] =	vst v63  }
0x8b: {  	_ =	swait.ge [sflag:s0], $0x1F40  }
0x8c: {  	[sflag:s0] =	ssyncset.done $0x0  }
0x8d: {  	s6 =	simm.s32 $0x5180;
	[sflag:s0] =	ssyncadd.s32 $0xFFFFE0C0  }
0x8e: {  	[spmem:s2] =	stream.indirect.scatter.add.f32 [tilespmem:s29], [sflag:$0x9], $0x40, s6, s22, $0xb8;
	[tilespmem:$0x1D880] =	vst v63  }
0x8f: {  	_ =	swait.ge [sflag:s17], $0x1F40  }
0x90: {  	[sflag:s17] =	ssyncset.done $0x0  }
0x91: {  	s8 =	simm.s32 $0x5200;
	[sflag:s17] =	ssyncadd.s32 $0xFFFFE0C0  }
0x92: {  	[spmem:s2] =	stream.indirect.scatter.add.f32 [tilespmem:s31], [sflag:$0xA], $0x40, s8, s22, $0xb8;
	[tilespmem:$0x1D880] =	vst v63  }
0x93: {  	_ =	swait.ge [sflag:s23], $0x1F40  }
0x94: {  	[sflag:s23] =	ssyncset.done $0x0  }
0x95: {  	s6 =	simm.s32 $0x280;
	[sflag:s23] =	ssyncadd.s32 $0xFFFFE0C0  }
0x96: {  	[tilespmem:s18], [sflag:$0x1] =	stream.indirect.gather [hbm4b:s4+s22], $0x40, s6, s22, $0xb8;
	[tilespmem:$0x1D880] =	vst v63  }
0x97: {  	_ =	swait.ge [sflag:s25], $0x1F40  }
0x98: {  	[sflag:s25] =	ssyncset.done $0x0  }
0x99: {  	s8 =	simm.s32 $0x300;
	[sflag:s25] =	ssyncadd.s32 $0xFFFFE0C0  }
0x9a: {  	[tilespmem:s24], [sflag:$0x2] =	stream.indirect.gather [hbm4b:s4+s22], $0x40, s8, s22, $0xb8;
	[tilespmem:$0x1D880] =	vst v63  }
0x9b: {  	_ =	swait.ge [sflag:s10], $0x1F40  }
0x9c: {  	[sflag:s10] =	ssyncset.done $0x0  }
0x9d: {  	s6 =	simm.s32 $0x380;
	[sflag:s10] =	ssyncadd.s32 $0xFFFFE0C0  }
0x9e: {  	[tilespmem:s26], [sflag:$0x3] =	stream.indirect.gather [hbm4b:s4+s22], $0x40, s6, s22, $0xb8;
	[tilespmem:$0x1D880] =	vst v63  }
0x9f: {  	_ =	swait.ge [sflag:s28], $0x1F40  }
0xa0: {  	[sflag:s28] =	ssyncset.done $0x0  }
0xa1: {  	s8 =	simm.s32 $0x400;
	[sflag:s28] =	ssyncadd.s32 $0xFFFFE0C0  }
0xa2: {  	[tilespmem:s29], [sflag:$0x4] =	stream.indirect.gather [hbm4b:s4+s22], $0x40, s8, s22, $0xb8;
	[tilespmem:$0x1D880] =	vst v63  }
0xa3: {  	_ =	swait.ge [sflag:s12], $0x1F40  }
0xa4: {  	[sflag:s12] =	ssyncset.done $0x0  }
0xa5: {  	s3 =	simm.s32 $0xA00;
	s6 =	simm.s32 $0x480;
	[sflag:s12] =	ssyncadd.s32 $0xFFFFE0C0  }
.LBB2_7:
0xa6: {  	[tilespmem:s31], [sflag:$0x5] =	stream.indirect.gather [hbm4b:s4+s22], $0x40, s6, s22, $0xb8;
	[tilespmem:$0x1D880] =	vst v63  }
0xa7: {  	s6 =	smov.u32 s3  }
0xa8: {  	p2 =	sne.s32 s3, $0x12C00;
	s3 =	sadd.s32 $0xA00, s3;
	_ =	swait.ge [sflag:s19], $0x1F40  }
0xa9: {  	s6 =	sshra.s32 s6, $0x2;
	[sflag:s19] =	ssyncset.done $0x0  }
0xaa: {  	s8 =	sadd.s32 $0x5000, s6;
	[sflag:s19] =	ssyncadd.s32 $0xFFFFE0C0  }
0xab: {  	[spmem:s2] =	stream.indirect.scatter.add.f32 [tilespmem:s18], [sflag:$0x6], $0x40, s8, s22, $0xb8;
	[tilespmem:$0x1D880] =	vst v63  }
0xac: {  	_ =	swait.ge [sflag:s20], $0x1F40  }
0xad: {  	[sflag:s20] =	ssyncset.done $0x0  }
0xae: {  	s8 =	sadd.s32 $0x5080, s6;
	[sflag:s20] =	ssyncadd.s32 $0xFFFFE0C0  }
0xaf: {  	[spmem:s2] =	stream.indirect.scatter.add.f32 [tilespmem:s24], [sflag:$0x7], $0x40, s8, s22, $0xb8;
	[tilespmem:$0x1D880] =	vst v63  }
0xb0: {  	_ =	swait.ge [sflag:s21], $0x1F40  }
0xb1: {  	[sflag:s21] =	ssyncset.done $0x0  }
0xb2: {  	s8 =	sadd.s32 $0x5100, s6;
	[sflag:s21] =	ssyncadd.s32 $0xFFFFE0C0  }
0xb3: {  	[spmem:s2] =	stream.indirect.scatter.add.f32 [tilespmem:s26], [sflag:$0x8], $0x40, s8, s22, $0xb8;
	[tilespmem:$0x1D880] =	vst v63  }
0xb4: {  	_ =	swait.ge [sflag:s0], $0x1F40  }
0xb5: {  	[sflag:s0] =	ssyncset.done $0x0  }
0xb6: {  	s8 =	sadd.s32 $0x5180, s6;
	[sflag:s0] =	ssyncadd.s32 $0xFFFFE0C0  }
0xb7: {  	[spmem:s2] =	stream.indirect.scatter.add.f32 [tilespmem:s29], [sflag:$0x9], $0x40, s8, s22, $0xb8;
	[tilespmem:$0x1D880] =	vst v63  }
0xb8: {  	_ =	swait.ge [sflag:s17], $0x1F40  }
0xb9: {  	[sflag:s17] =	ssyncset.done $0x0  }
0xba: {  	s8 =	sadd.s32 $0x5200, s6;
	[sflag:s17] =	ssyncadd.s32 $0xFFFFE0C0  }
0xbb: {  	[spmem:s2] =	stream.indirect.scatter.add.f32 [tilespmem:s31], [sflag:$0xA], $0x40, s8, s22, $0xb8;
	[tilespmem:$0x1D880] =	vst v63  }
0xbc: {  	_ =	swait.ge [sflag:s23], $0x1F40  }
0xbd: {  	[sflag:s23] =	ssyncset.done $0x0  }
0xbe: {  	s8 =	sadd.s32 $0x280, s6;
	[sflag:s23] =	ssyncadd.s32 $0xFFFFE0C0  }
0xbf: {  	[tilespmem:s18], [sflag:$0x1] =	stream.indirect.gather [hbm4b:s4+s22], $0x40, s8, s22, $0xb8;
	[tilespmem:$0x1D880] =	vst v63  }
0xc0: {  	_ =	swait.ge [sflag:s25], $0x1F40  }
0xc1: {  	[sflag:s25] =	ssyncset.done $0x0  }
0xc2: {  	s8 =	sadd.s32 $0x300, s6;
	[sflag:s25] =	ssyncadd.s32 $0xFFFFE0C0  }
0xc3: {  	[tilespmem:s24], [sflag:$0x2] =	stream.indirect.gather [hbm4b:s4+s22], $0x40, s8, s22, $0xb8;
	[tilespmem:$0x1D880] =	vst v63  }
0xc4: {  	_ =	swait.ge [sflag:s10], $0x1F40  }
0xc5: {  	[sflag:s10] =	ssyncset.done $0x0  }
0xc6: {  	s8 =	sadd.s32 $0x380, s6;
	[sflag:s10] =	ssyncadd.s32 $0xFFFFE0C0  }
0xc7: {  	[tilespmem:s26], [sflag:$0x3] =	stream.indirect.gather [hbm4b:s4+s22], $0x40, s8, s22, $0xb8;
	[tilespmem:$0x1D880] =	vst v63  }
0xc8: {  	_ =	swait.ge [sflag:s28], $0x1F40  }
0xc9: {  	[sflag:s28] =	ssyncset.done $0x0  }
.Ltmp7:
0xca: {  	s8 =	sadd.s32 $0x400, s6;
	[sflag:s28] =	ssyncadd.s32 $0xFFFFE0C0;
	(pc) =	sbr.rel @p2 .LBB2_7-.Ltmp7, $4  }
0xcb: {  	[tilespmem:s29], [sflag:$0x4] =	stream.indirect.gather [hbm4b:s4+s22], $0x40, s8, s22, $0xb8;
	[tilespmem:$0x1D880] =	vst v63  }
0xcc: {  	_ =	swait.ge [sflag:s12], $0x1F40  }
0xcd: {  	[sflag:s12] =	ssyncset.done $0x0  }
0xce: {  	s6 =	sadd.s32 $0x480, s6;
	[sflag:s12] =	ssyncadd.s32 $0xFFFFE0C0  }
0xcf: {  	[tilespmem:s31], [sflag:$0x5] =	stream.indirect.gather [hbm4b:s4+s22], $0x40, s6, s22, $0xb8;
	[tilespmem:$0x1D880] =	vst v63  }
0xd0: {  	_ =	swait.ge [sflag:s19], $0x1F40  }
0xd1: {  	[sflag:s19] =	ssyncset.done $0x0  }
0xd2: {  	s3 =	simm.s32 $0x9D80;
	[sflag:s19] =	ssyncadd.s32 $0xFFFFE0C0  }
0xd3: {  	[spmem:s2] =	stream.indirect.scatter.add.f32 [tilespmem:s18], [sflag:$0x6], $0x40, s3, s22, $0xb8;
	[tilespmem:$0x1D880] =	vst v63  }
0xd4: {  	_ =	swait.ge [sflag:s20], $0x1F40  }
0xd5: {  	[sflag:s20] =	ssyncset.done $0x0  }
0xd6: {  	s6 =	simm.s32 $0x9E00;
	[sflag:s20] =	ssyncadd.s32 $0xFFFFE0C0  }
0xd7: {  	[spmem:s2] =	stream.indirect.scatter.add.f32 [tilespmem:s24], [sflag:$0x7], $0x40, s6, s22, $0xb8;
	[tilespmem:$0x1D880] =	vst v63  }
0xd8: {  	_ =	swait.ge [sflag:s21], $0x1F40  }
0xd9: {  	[sflag:s21] =	ssyncset.done $0x0  }
0xda: {  	s8 =	simm.s32 $0x9E80;
	[sflag:s21] =	ssyncadd.s32 $0xFFFFE0C0  }
0xdb: {  	[spmem:s2] =	stream.indirect.scatter.add.f32 [tilespmem:s26], [sflag:$0x8], $0x40, s8, s22, $0xb8;
	[tilespmem:$0x1D880] =	vst v63  }
0xdc: {  	_ =	swait.ge [sflag:s0], $0x1F40  }
0xdd: {  	[sflag:s0] =	ssyncset.done $0x0  }
0xde: {  	s6 =	simm.s32 $0x9F00;
	[sflag:s0] =	ssyncadd.s32 $0xFFFFE0C0  }
0xdf: {  	[spmem:s2] =	stream.indirect.scatter.add.f32 [tilespmem:s29], [sflag:$0x9], $0x40, s6, s22, $0xb8;
	[tilespmem:$0x1D880] =	vst v63  }
0xe0: {  	_ =	swait.ge [sflag:s17], $0x1F40  }
0xe1: {  	[sflag:s17] =	ssyncset.done $0x0  }
0xe2: {  	s8 =	simm.s32 $0x9F80;
	[sflag:s17] =	ssyncadd.s32 $0xFFFFE0C0  }
0xe3: {  	[spmem:s2] =	stream.indirect.scatter.add.f32 [tilespmem:s31], [sflag:$0xA], $0x40, s8, s22, $0xb8;
	[tilespmem:$0x1D880] =	vst v63  }
0xe4: {  	_ =	swait.ge [sflag:s23], $0x1F40  }
0xe5: {  	[sflag:s23] =	ssyncset.done $0x0  }
0xe6: {  	[sflag:s23] =	ssyncadd.s32 $0xFFFFE0C0  }
0xe7: {  	_ =	swait.ge [sflag:s25], $0x1F40  }
0xe8: {  	[sflag:s25] =	ssyncset.done $0x0  }
0xe9: {  	[sflag:s25] =	ssyncadd.s32 $0xFFFFE0C0  }
0xea: {  	_ =	swait.ge [sflag:s10], $0x1F40  }
0xeb: {  	[sflag:s10] =	ssyncset.done $0x0  }
0xec: {  	[sflag:s10] =	ssyncadd.s32 $0xFFFFE0C0  }
0xed: {  	_ =	swait.ge [sflag:s28], $0x1F40  }
0xee: {  	[sflag:s28] =	ssyncset.done $0x0  }
0xef: {  	[sflag:s28] =	ssyncadd.s32 $0xFFFFE0C0  }
0xf0: {  	_ =	swait.ge [sflag:s12], $0x1F40  }
0xf1: {  	[sflag:s12] =	ssyncset.done $0x0  }
0xf2: {  	[sflag:s12] =	ssyncadd.s32 $0xFFFFE0C0  }
0xf3: {  	[bflag:$0x0] =	sbarrier.arrive $0xFFFF  }
0xf4: {  	s3 =	simm.s32 @p0 $0x1FCB;
	s6 =	rddreg [dreg:$0x8]  }
0xf5: {  	[hbm:s6], [sflag:s3] =	dma.local @p0 [spmem:s1], $0x1400  }
0xf6: {  	s1 =	simm.s32 @p0 $0xB  }
0xf7: {  	_ =	swait.ge @p0 [sflag:s1], $0x1400  }
0xf8: {  	[sflag:s1] =	ssyncset.done @p0 $0x0  }
0xf9: {  	[sflag:s1] =	ssyncadd.s32 @p0 $0xFFFFEC00;
	s1 =	rddreg [dreg:$0x7]  }
0xfa: {  	[hbm:s1], [sflag:s14] =	dma.local @!p0 [spmem:s30], $0x1380  }
.Ltmp8:
0xfb: {  	_ = 	snop;
	(pc) =	sbr.rel .LBB2_12-.Ltmp8, $4  }
0xfc: {  	s1 =	simm.s32 @!p0 $0xB  }
0xfd: {  	_ =	swait.ge @!p0 [sflag:s1], $0x1380  }
0xfe: {  	[sflag:s1] =	ssyncset.done @!p0 $0x0  }
0xff: {  	[sflag:s1] =	ssyncadd.s32 @!p0 $0xFFFFEC80  }
.LBB2_9:
0x100: {  	[tilespmem:s18], [sflag:$0x1] =	stream.indirect.gather [hbm4b:s5+s22], $0x40, s3, s22, $0xb8;
	[tilespmem:$0x1D880] =	vst v63  }
0x101: {  	s8 =	simm.s32 $0x80  }
0x102: {  	[tilespmem:s24], [sflag:$0x2] =	stream.indirect.gather [hbm4b:s5+s22], $0x40, s8, s22, $0xb8;
	[tilespmem:$0x1D880] =	vst v63  }
0x103: {  	s6 =	simm.s32 $0x100  }
0x104: {  	[tilespmem:s26], [sflag:$0x3] =	stream.indirect.gather [hbm4b:s5+s22], $0x40, s6, s22, $0xb8;
	[tilespmem:$0x1D880] =	vst v63  }
0x105: {  	s8 =	simm.s32 $0x180  }
0x106: {  	[tilespmem:s29], [sflag:$0x4] =	stream.indirect.gather [hbm4b:s5+s22], $0x40, s8, s22, $0xb8;
	[tilespmem:$0x1D880] =	vst v63  }
0x107: {  	s6 =	simm.s32 $0x200  }
0x108: {  	[tilespmem:s31], [sflag:$0x5] =	stream.indirect.gather [hbm4b:s5+s22], $0x40, s6, s22, $0xb8;
	[tilespmem:$0x1D880] =	vst v63  }
0x109: {  	_ =	swait.ge [sflag:s19], $0x1F40  }
0x10a: {  	[sflag:s19] =	ssyncset.done $0x0  }
0x10b: {  	s8 =	simm.s32 $0x5000;
	[sflag:s19] =	ssyncadd.s32 $0xFFFFE0C0  }
0x10c: {  	[spmem:s2] =	stream.indirect.scatter.add.f32 [tilespmem:s18], [sflag:$0x6], $0x40, s8, s22, $0xb8;
	[tilespmem:$0x1D880] =	vst v63  }
0x10d: {  	_ =	swait.ge [sflag:s20], $0x1F40  }
0x10e: {  	[sflag:s20] =	ssyncset.done $0x0  }
0x10f: {  	s6 =	simm.s32 $0x5080;
	[sflag:s20] =	ssyncadd.s32 $0xFFFFE0C0  }
0x110: {  	[spmem:s2] =	stream.indirect.scatter.add.f32 [tilespmem:s24], [sflag:$0x7], $0x40, s6, s22, $0xb8;
	[tilespmem:$0x1D880] =	vst v63  }
0x111: {  	_ =	swait.ge [sflag:s21], $0x1F40  }
0x112: {  	[sflag:s21] =	ssyncset.done $0x0  }
0x113: {  	s8 =	simm.s32 $0x5100;
	[sflag:s21] =	ssyncadd.s32 $0xFFFFE0C0  }
0x114: {  	[spmem:s2] =	stream.indirect.scatter.add.f32 [tilespmem:s26], [sflag:$0x8], $0x40, s8, s22, $0xb8;
	[tilespmem:$0x1D880] =	vst v63  }
0x115: {  	_ =	swait.ge [sflag:s0], $0x1F40  }
0x116: {  	[sflag:s0] =	ssyncset.done $0x0  }
0x117: {  	s6 =	simm.s32 $0x5180;
	[sflag:s0] =	ssyncadd.s32 $0xFFFFE0C0  }
0x118: {  	[spmem:s2] =	stream.indirect.scatter.add.f32 [tilespmem:s29], [sflag:$0x9], $0x40, s6, s22, $0xb8;
	[tilespmem:$0x1D880] =	vst v63  }
0x119: {  	_ =	swait.ge [sflag:s17], $0x1F40  }
0x11a: {  	[sflag:s17] =	ssyncset.done $0x0  }
0x11b: {  	s8 =	simm.s32 $0x5200;
	[sflag:s17] =	ssyncadd.s32 $0xFFFFE0C0  }
0x11c: {  	[spmem:s2] =	stream.indirect.scatter.add.f32 [tilespmem:s31], [sflag:$0xA], $0x40, s8, s22, $0xb8;
	[tilespmem:$0x1D880] =	vst v63  }
0x11d: {  	_ =	swait.ge [sflag:s23], $0x1F40  }
0x11e: {  	[sflag:s23] =	ssyncset.done $0x0  }
0x11f: {  	s6 =	simm.s32 $0x280;
	[sflag:s23] =	ssyncadd.s32 $0xFFFFE0C0  }
0x120: {  	[tilespmem:s18], [sflag:$0x1] =	stream.indirect.gather [hbm4b:s5+s22], $0x40, s6, s22, $0xb8;
	[tilespmem:$0x1D880] =	vst v63  }
0x121: {  	_ =	swait.ge [sflag:s25], $0x1F40  }
0x122: {  	[sflag:s25] =	ssyncset.done $0x0  }
0x123: {  	s8 =	simm.s32 $0x300;
	[sflag:s25] =	ssyncadd.s32 $0xFFFFE0C0  }
0x124: {  	[tilespmem:s24], [sflag:$0x2] =	stream.indirect.gather [hbm4b:s5+s22], $0x40, s8, s22, $0xb8;
	[tilespmem:$0x1D880] =	vst v63  }
0x125: {  	_ =	swait.ge [sflag:s10], $0x1F40  }
0x126: {  	[sflag:s10] =	ssyncset.done $0x0  }
0x127: {  	s6 =	simm.s32 $0x380;
	[sflag:s10] =	ssyncadd.s32 $0xFFFFE0C0  }
0x128: {  	[tilespmem:s26], [sflag:$0x3] =	stream.indirect.gather [hbm4b:s5+s22], $0x40, s6, s22, $0xb8;
	[tilespmem:$0x1D880] =	vst v63  }
0x129: {  	_ =	swait.ge [sflag:s28], $0x1F40  }
0x12a: {  	[sflag:s28] =	ssyncset.done $0x0  }
0x12b: {  	s8 =	simm.s32 $0x400;
	[sflag:s28] =	ssyncadd.s32 $0xFFFFE0C0  }
0x12c: {  	[tilespmem:s29], [sflag:$0x4] =	stream.indirect.gather [hbm4b:s5+s22], $0x40, s8, s22, $0xb8;
	[tilespmem:$0x1D880] =	vst v63  }
0x12d: {  	_ =	swait.ge [sflag:s12], $0x1F40  }
0x12e: {  	[sflag:s12] =	ssyncset.done $0x0  }
0x12f: {  	s3 =	simm.s32 $0xA00;
	s6 =	simm.s32 $0x480;
	[sflag:s12] =	ssyncadd.s32 $0xFFFFE0C0  }
.LBB2_10:
0x130: {  	[tilespmem:s31], [sflag:$0x5] =	stream.indirect.gather [hbm4b:s5+s22], $0x40, s6, s22, $0xb8;
	[tilespmem:$0x1D880] =	vst v63  }
0x131: {  	s6 =	smov.u32 s3  }
0x132: {  	p2 =	sne.s32 s3, $0x12C00;
	s3 =	sadd.s32 $0xA00, s3;
	_ =	swait.ge [sflag:s19], $0x1F40  }
0x133: {  	s6 =	sshra.s32 s6, $0x2;
	[sflag:s19] =	ssyncset.done $0x0  }
0x134: {  	s8 =	sadd.s32 $0x5000, s6;
	[sflag:s19] =	ssyncadd.s32 $0xFFFFE0C0  }
0x135: {  	[spmem:s2] =	stream.indirect.scatter.add.f32 [tilespmem:s18], [sflag:$0x6], $0x40, s8, s22, $0xb8;
	[tilespmem:$0x1D880] =	vst v63  }
0x136: {  	_ =	swait.ge [sflag:s20], $0x1F40  }
0x137: {  	[sflag:s20] =	ssyncset.done $0x0  }
0x138: {  	s8 =	sadd.s32 $0x5080, s6;
	[sflag:s20] =	ssyncadd.s32 $0xFFFFE0C0  }
0x139: {  	[spmem:s2] =	stream.indirect.scatter.add.f32 [tilespmem:s24], [sflag:$0x7], $0x40, s8, s22, $0xb8;
	[tilespmem:$0x1D880] =	vst v63  }
0x13a: {  	_ =	swait.ge [sflag:s21], $0x1F40  }
0x13b: {  	[sflag:s21] =	ssyncset.done $0x0  }
0x13c: {  	s8 =	sadd.s32 $0x5100, s6;
	[sflag:s21] =	ssyncadd.s32 $0xFFFFE0C0  }
0x13d: {  	[spmem:s2] =	stream.indirect.scatter.add.f32 [tilespmem:s26], [sflag:$0x8], $0x40, s8, s22, $0xb8;
	[tilespmem:$0x1D880] =	vst v63  }
0x13e: {  	_ =	swait.ge [sflag:s0], $0x1F40  }
0x13f: {  	[sflag:s0] =	ssyncset.done $0x0  }
0x140: {  	s8 =	sadd.s32 $0x5180, s6;
	[sflag:s0] =	ssyncadd.s32 $0xFFFFE0C0  }
0x141: {  	[spmem:s2] =	stream.indirect.scatter.add.f32 [tilespmem:s29], [sflag:$0x9], $0x40, s8, s22, $0xb8;
	[tilespmem:$0x1D880] =	vst v63  }
0x142: {  	_ =	swait.ge [sflag:s17], $0x1F40  }
0x143: {  	[sflag:s17] =	ssyncset.done $0x0  }
0x144: {  	s8 =	sadd.s32 $0x5200, s6;
	[sflag:s17] =	ssyncadd.s32 $0xFFFFE0C0  }
0x145: {  	[spmem:s2] =	stream.indirect.scatter.add.f32 [tilespmem:s31], [sflag:$0xA], $0x40, s8, s22, $0xb8;
	[tilespmem:$0x1D880] =	vst v63  }
0x146: {  	_ =	swait.ge [sflag:s23], $0x1F40  }
0x147: {  	[sflag:s23] =	ssyncset.done $0x0  }
0x148: {  	s8 =	sadd.s32 $0x280, s6;
	[sflag:s23] =	ssyncadd.s32 $0xFFFFE0C0  }
0x149: {  	[tilespmem:s18], [sflag:$0x1] =	stream.indirect.gather [hbm4b:s5+s22], $0x40, s8, s22, $0xb8;
	[tilespmem:$0x1D880] =	vst v63  }
0x14a: {  	_ =	swait.ge [sflag:s25], $0x1F40  }
0x14b: {  	[sflag:s25] =	ssyncset.done $0x0  }
0x14c: {  	s8 =	sadd.s32 $0x300, s6;
	[sflag:s25] =	ssyncadd.s32 $0xFFFFE0C0  }
0x14d: {  	[tilespmem:s24], [sflag:$0x2] =	stream.indirect.gather [hbm4b:s5+s22], $0x40, s8, s22, $0xb8;
	[tilespmem:$0x1D880] =	vst v63  }
0x14e: {  	_ =	swait.ge [sflag:s10], $0x1F40  }
0x14f: {  	[sflag:s10] =	ssyncset.done $0x0  }
0x150: {  	s8 =	sadd.s32 $0x380, s6;
	[sflag:s10] =	ssyncadd.s32 $0xFFFFE0C0  }
0x151: {  	[tilespmem:s26], [sflag:$0x3] =	stream.indirect.gather [hbm4b:s5+s22], $0x40, s8, s22, $0xb8;
	[tilespmem:$0x1D880] =	vst v63  }
0x152: {  	_ =	swait.ge [sflag:s28], $0x1F40  }
0x153: {  	[sflag:s28] =	ssyncset.done $0x0  }
.Ltmp9:
0x154: {  	s8 =	sadd.s32 $0x400, s6;
	[sflag:s28] =	ssyncadd.s32 $0xFFFFE0C0;
	(pc) =	sbr.rel @p2 .LBB2_10-.Ltmp9, $4  }
0x155: {  	[tilespmem:s29], [sflag:$0x4] =	stream.indirect.gather [hbm4b:s5+s22], $0x40, s8, s22, $0xb8;
	[tilespmem:$0x1D880] =	vst v63  }
0x156: {  	_ =	swait.ge [sflag:s12], $0x1F40  }
0x157: {  	[sflag:s12] =	ssyncset.done $0x0  }
0x158: {  	s6 =	sadd.s32 $0x480, s6;
	[sflag:s12] =	ssyncadd.s32 $0xFFFFE0C0  }
0x159: {  	[tilespmem:s31], [sflag:$0x5] =	stream.indirect.gather [hbm4b:s5+s22], $0x40, s6, s22, $0xb8;
	[tilespmem:$0x1D880] =	vst v63  }
0x15a: {  	_ =	swait.ge [sflag:s19], $0x1F40  }
0x15b: {  	[sflag:s19] =	ssyncset.done $0x0  }
0x15c: {  	s3 =	simm.s32 $0x9D80;
	[sflag:s19] =	ssyncadd.s32 $0xFFFFE0C0  }
0x15d: {  	[spmem:s2] =	stream.indirect.scatter.add.f32 [tilespmem:s18], [sflag:$0x6], $0x40, s3, s22, $0xb8;
	[tilespmem:$0x1D880] =	vst v63  }
0x15e: {  	_ =	swait.ge [sflag:s20], $0x1F40  }
0x15f: {  	[sflag:s20] =	ssyncset.done $0x0  }
0x160: {  	s6 =	simm.s32 $0x9E00;
	[sflag:s20] =	ssyncadd.s32 $0xFFFFE0C0  }
0x161: {  	[spmem:s2] =	stream.indirect.scatter.add.f32 [tilespmem:s24], [sflag:$0x7], $0x40, s6, s22, $0xb8;
	[tilespmem:$0x1D880] =	vst v63  }
0x162: {  	_ =	swait.ge [sflag:s21], $0x1F40  }
0x163: {  	[sflag:s21] =	ssyncset.done $0x0  }
0x164: {  	s8 =	simm.s32 $0x9E80;
	[sflag:s21] =	ssyncadd.s32 $0xFFFFE0C0  }
0x165: {  	[spmem:s2] =	stream.indirect.scatter.add.f32 [tilespmem:s26], [sflag:$0x8], $0x40, s8, s22, $0xb8;
	[tilespmem:$0x1D880] =	vst v63  }
0x166: {  	_ =	swait.ge [sflag:s0], $0x1F40  }
0x167: {  	[sflag:s0] =	ssyncset.done $0x0  }
0x168: {  	s6 =	simm.s32 $0x9F00;
	[sflag:s0] =	ssyncadd.s32 $0xFFFFE0C0  }
0x169: {  	[spmem:s2] =	stream.indirect.scatter.add.f32 [tilespmem:s29], [sflag:$0x9], $0x40, s6, s22, $0xb8;
	[tilespmem:$0x1D880] =	vst v63  }
0x16a: {  	_ =	swait.ge [sflag:s17], $0x1F40  }
0x16b: {  	[sflag:s17] =	ssyncset.done $0x0  }
0x16c: {  	s8 =	simm.s32 $0x9F80;
	[sflag:s17] =	ssyncadd.s32 $0xFFFFE0C0  }
0x16d: {  	[spmem:s2] =	stream.indirect.scatter.add.f32 [tilespmem:s31], [sflag:$0xA], $0x40, s8, s22, $0xb8;
	[tilespmem:$0x1D880] =	vst v63  }
0x16e: {  	_ =	swait.ge [sflag:s23], $0x1F40  }
0x16f: {  	[sflag:s23] =	ssyncset.done $0x0  }
0x170: {  	[sflag:s23] =	ssyncadd.s32 $0xFFFFE0C0  }
0x171: {  	_ =	swait.ge [sflag:s25], $0x1F40  }
0x172: {  	[sflag:s25] =	ssyncset.done $0x0  }
0x173: {  	[sflag:s25] =	ssyncadd.s32 $0xFFFFE0C0  }
0x174: {  	_ =	swait.ge [sflag:s10], $0x1F40  }
0x175: {  	[sflag:s10] =	ssyncset.done $0x0  }
0x176: {  	[sflag:s10] =	ssyncadd.s32 $0xFFFFE0C0  }
0x177: {  	_ =	swait.ge [sflag:s28], $0x1F40  }
0x178: {  	[sflag:s28] =	ssyncset.done $0x0  }
0x179: {  	[sflag:s28] =	ssyncadd.s32 $0xFFFFE0C0  }
0x17a: {  	_ =	swait.ge [sflag:s12], $0x1F40  }
0x17b: {  	[sflag:s12] =	ssyncset.done $0x0  }
0x17c: {  	[sflag:s12] =	ssyncadd.s32 $0xFFFFE0C0  }
0x17d: {  	[bflag:$0x0] =	sbarrier.arrive $0xFFFF  }
0x17e: {  	s3 =	simm.s32 @p0 $0x1FCB;
	s6 =	rddreg [dreg:$0x6]  }
0x17f: {  	[hbm:s6], [sflag:s3] =	dma.local @p0 [spmem:s1], $0x1400  }
0x180: {  	s1 =	simm.s32 @p0 $0xB  }
0x181: {  	_ =	swait.ge @p0 [sflag:s1], $0x1400  }
0x182: {  	[sflag:s1] =	ssyncset.done @p0 $0x0  }
0x183: {  	[sflag:s1] =	ssyncadd.s32 @p0 $0xFFFFEC00;
	s1 =	rddreg [dreg:$0x5]  }
0x184: {  	[hbm:s1], [sflag:s14] =	dma.local @!p0 [spmem:s30], $0x1380  }
.Ltmp10:
0x185: {  	_ = 	snop;
	(pc) =	sbr.rel .LBB2_12-.Ltmp10, $4  }
0x186: {  	s1 =	simm.s32 @!p0 $0xB  }
0x187: {  	_ =	swait.ge @!p0 [sflag:s1], $0x1380  }
0x188: {  	[sflag:s1] =	ssyncset.done @!p0 $0x0  }
0x189: {  	[sflag:s1] =	ssyncadd.s32 @!p0 $0xFFFFEC80  }
.LBB2_13:
0x18a: {  	_ =	sfence.sel $0x180000  }
0x18b: {  	[bflag:$0x0] =	sbarrier.arrive $0xFFFF  }
0x18c: {  	_ =	strace $0x90000047  }
0x18d: {  	s0 =	stileid.u32;
	[bflag:$0x2] =	sbarrier.arrive $0xFFFF  }
0x18e: {  	p0 =	sne.s32 s0, $0x0;
	s0 =	rddreg [dreg:$0x2]  }
0x18f: {  	s0 =	sadd.s32 @!p0 $0x100000, s0  }
0x190: {  	[sflag:s0] =	ssyncadd.tile.s32 @!p0 $0x1;
	_ =	shalt  }
.Lfunc_end2:
_tile_overlayer_lowered:
.L_overlay_start_2:
0x191: {  	(tag) =	ssettag $0x2  }
0x192: {  	s0 =	rddreg [dreg:$0x0];
	s2 =	stileid.u32  }
0x193: {  	s1 =	rddreg [dreg:$0x1];
	p0 =	sne.s32 s2, $0x0  }
0x194: {  	s3 =	rddreg [dreg:$0x2];
	[bflag:$0x3] =	sbarrier.arrive $0xFFFF;
	s2 =	simm.s32 @!p0 $0x1C0B  }
0x195: {  	[timem:s3], [sflag:s2] =	dma.local @!p0 [hbm:s0], s1  }
0x196: {  	s0 =	simm.s32 @!p0 $0xB  }
0x197: {  	_ =	swait.ge @!p0 [sflag:s0], s1  }
0x198: {  	s1 =	ssub.s32 @!p0 $0x0, s1;
	[sflag:s0] =	ssyncset.done @!p0 $0x0  }
0x199: {  	[sflag:s0] =	ssyncadd.s32 @!p0 s1  }
0x19a: {  	[bflag:$0x3] =	sbarrier.arrive $0xFFFF  }
0x19b: {  	_ =	shalt  }

</sc_bundles>
